<compile_context>
chip_gen: v7x
topology: tpu7x:2x2x1
jax: 0.10.2.dev20260603
libtpu: 0.0.44.dev20260713+nightly
codegen_flags: <defaults>
</compile_context>

<pallas_src>
import functools

import jax
import jax.numpy as jnp
from jax import lax
from jax.experimental import pallas as pl
from jax.experimental.pallas import tpu as pltpu
from jax.experimental.pallas import tpu_sc as plsc

N_NODES = 10000
N_EDGES = 320000
D_IN = 128
D_HID = 128
N_CLASSES = 40
D2P = 64

NC = 2
NS = 16
NW = NC * NS
NP = 10240
K = 80
NCH = N_EDGES // NW // K
NCHS = N_EDGES // NS // K
RPS = NP // NS
DDEG = 16

_mesh = lambda: plsc.VectorSubcoreMesh(core_axis_name="c", subcore_axis_name="s")

ZR = 128
NCOPY = RPS // ZR


def _zero_fill(zbuf, rows, d):
    zv = jnp.zeros((16,), jnp.float32)

    def body(i, carry):
        for j in range(d // 16):
            zbuf[i, pl.ds(j * 16, 16)] = zv
        return carry

    lax.fori_loop(0, rows, body, 0)


def _make_deg():
    @functools.partial(
        pl.kernel,
        mesh=_mesh(),
        compiler_params=pltpu.CompilerParams(use_tc_tiling_on_sc=False),
        out_type=jax.ShapeDtypeStruct((NC, NP, DDEG), jnp.float32),
        scratch_types=[
            pltpu.VMEM_SHARED((NP, DDEG), jnp.float32),
            pltpu.VMEM((ZR, DDEG), jnp.float32),
            pltpu.VMEM((K, DDEG), jnp.float32),
            pltpu.VMEM((NCH, K), jnp.int32),
        ],
    )
    def degk(dst_hbm, out_hbm, acc, zbuf, ones, dstall):
        c = lax.axis_index("c")
        s = lax.axis_index("s")
        wid = s * NC + c

        _zero_fill(zbuf, ZR, DDEG)
        ov = jnp.ones((16,), jnp.float32)

        def fill_ones(i, carry):
            ones[i, pl.ds(0, DDEG)] = ov
            return carry

        lax.fori_loop(0, K, fill_ones, 0)
        pltpu.sync_copy(dst_hbm.at[wid], dstall)
        for r in range(NCOPY):
            pltpu.sync_copy(zbuf, acc.at[pl.ds(s * RPS + r * ZR, ZR)])
        plsc.subcore_barrier()

        def body(j, carry):
            pltpu.sync_copy(ones, acc.at[dstall.at[j]], add=True)
            return carry

        lax.fori_loop(0, NCH, body, 0)
        plsc.subcore_barrier()
        pltpu.sync_copy(acc.at[pl.ds(s * RPS, RPS)],
                        out_hbm.at[c, pl.ds(s * RPS, RPS)])

    return degk


NPH = 1
NCHP = NCHS // NPH


def _make_agg(d):
    delta = 1

    scratch = [pltpu.VMEM_SHARED((NP, d), jnp.float32)]
    scratch += [pltpu.VMEM((ZR, d), jnp.float32)]
    scratch += [pltpu.VMEM((NCHP, K), jnp.int32)] * 2
    scratch += [pltpu.VMEM((K, d), jnp.float32) for _ in range(4)]
    scratch += [pltpu.SemaphoreType.DMA] * 8

    @functools.partial(
        pl.kernel,
        mesh=_mesh(),
        compiler_params=pltpu.CompilerParams(use_tc_tiling_on_sc=False),
        out_type=jax.ShapeDtypeStruct((NC, 1, NP, d), jnp.float32),
        scratch_types=scratch,
    )
    def aggk(table_hbm, src_hbm, dst_hbm, out_hbm, *scr):
        c = lax.axis_index("c")
        s = lax.axis_index("s")
        accs = (scr[0], scr[0])
        zbuf = scr[1]
        srcall, dstall = scr[2], scr[3]
        rows = scr[4:8]
        semg = scr[8:12]
        sems = scr[12:16]

        offv = jnp.full((16,), c * N_NODES, jnp.int32)
        _zero_fill(zbuf, ZR, d)
        for r in range(NCOPY):
            pltpu.sync_copy(zbuf, accs[0].at[pl.ds(s * RPS + r * ZR, ZR)])
        plsc.subcore_barrier()

        def step(j, b, wait_prev_scatter, issue_next_gather):
            b2 = (b + 2) % 4
            bw = (b + 4 - delta) % 4
            pltpu.make_async_copy(table_hbm.at[srcall.at[j]], rows[b],
                                  semg[b]).wait()
            if wait_prev_scatter:
                pltpu.make_async_copy(rows[bw],
                                      accs[bw % 2].at[dstall.at[j - delta]],
                                      sems[bw]).wait()
            pltpu.async_copy(rows[b], accs[b % 2].at[dstall.at[j]], sems[b],
                             add=True)
            if issue_next_gather:
                pltpu.async_copy(table_hbm.at[srcall.at[j + 2]], rows[b2],
                                 semg[b2])

        for p in range(NPH):
            pltpu.sync_copy(src_hbm.at[s, pl.ds(p * NCHP, NCHP)], srcall)
            pltpu.sync_copy(dst_hbm.at[s, pl.ds(p * NCHP, NCHP)], dstall)

            def addoff(i, carry):
                for t in range(K // 16):
                    sl = pl.ds(16 * t, 16)
                    srcall[i, sl] = srcall[i, sl] + offv
                return carry

            lax.fori_loop(0, NCHP, addoff, 0)

            pltpu.async_copy(table_hbm.at[srcall.at[0]], rows[0], semg[0])
            pltpu.async_copy(table_hbm.at[srcall.at[1]], rows[1], semg[1])
            for j in range(4):
                step(j, j, j >= delta, True)
            ngroup = (NCHP - 2) // 4

            def body(g, carry):
                j0 = 4 * g
                for t in range(4):
                    step(j0 + t, t, True, True)
                return carry

            lax.fori_loop(1, ngroup, body, 0)
            for j in range(4 * ngroup, NCHP):
                step(j, j % 4, True, j + 2 < NCHP)
            for j in range(NCHP - delta, NCHP):
                pltpu.make_async_copy(rows[j % 4],
                                      accs[j % 2].at[dstall.at[j]],
                                      sems[j % 4]).wait()

        plsc.subcore_barrier()
        pltpu.sync_copy(accs[0].at[pl.ds(s * RPS, RPS)],
                        out_hbm.at[c, 0, pl.ds(s * RPS, RPS)])

    return aggk


_deg_call = _make_deg()
_agg64 = _make_agg(D_HID // 2)
_agg32 = _make_agg(D2P // 2)

BN = 1000
H1 = D_HID // 2
H2 = D2P // 2


def _b_body(d_ref, x_ref, w_ref, t_ref, n_ref):
    dg = d_ref[0, :, 0:1] + d_ref[1, :, 0:1]
    nrm = lax.rsqrt(jnp.maximum(dg, 1.0))
    t1 = jnp.dot(x_ref[...], w_ref[...],
                 preferred_element_type=jnp.float32) * nrm
    t_ref[0] = t1[:, :H1]
    t_ref[1] = t1[:, H1:]
    n_ref[...] = nrm


def _tc_b(degp, x, W1):
    return pl.pallas_call(
        _b_body,
        grid=(N_NODES // BN,),
        in_specs=[
            pl.BlockSpec((NC, BN, DDEG), lambda i: (0, i, 0)),
            pl.BlockSpec((BN, D_IN), lambda i: (i, 0)),
            pl.BlockSpec((D_IN, D_HID), lambda i: (0, 0)),
        ],
        out_specs=[
            pl.BlockSpec((NC, BN, H1), lambda i: (0, i, 0)),
            pl.BlockSpec((BN, 1), lambda i: (i, 0)),
        ],
        out_shape=[
            jax.ShapeDtypeStruct((NC, N_NODES, H1), jnp.float32),
            jax.ShapeDtypeStruct((N_NODES, 1), jnp.float32),
        ],
    )(degp, x, W1)


def _d_body(p_ref, n_ref, b1_ref, w2_ref, t2_ref):
    agg = jnp.concatenate([p_ref[0, 0], p_ref[1, 0]], axis=1)
    nrm = n_ref[...]
    h = jnp.maximum(agg * nrm + b1_ref[...], 0.0)
    t2 = jnp.dot(h, w2_ref[...], preferred_element_type=jnp.float32) * nrm
    t2_ref[0] = t2[:, :H2]
    t2_ref[1] = t2[:, H2:]


def _tc_d(p1, norm, b1r, W2p):
    return pl.pallas_call(
        _d_body,
        grid=(N_NODES // BN,),
        in_specs=[
            pl.BlockSpec((NC, 1, BN, H1), lambda i: (0, 0, i, 0)),
            pl.BlockSpec((BN, 1), lambda i: (i, 0)),
            pl.BlockSpec((1, D_HID), lambda i: (0, 0)),
            pl.BlockSpec((D_HID, D2P), lambda i: (0, 0)),
        ],
        out_specs=pl.BlockSpec((NC, BN, H2), lambda i: (0, i, 0)),
        out_shape=jax.ShapeDtypeStruct((NC, N_NODES, H2), jnp.float32),
    )(p1, norm, b1r, W2p)


def _f_body(q_ref, n_ref, b2_ref, o_ref):
    agg = jnp.concatenate([q_ref[0, 0], q_ref[1, 0]], axis=1)
    o_ref[...] = (agg * n_ref[...])[:, :N_CLASSES] + b2_ref[...]


def _tc_f(p2, norm, b2r):
    return pl.pallas_call(
        _f_body,
        grid=(N_NODES // BN,),
        in_specs=[
            pl.BlockSpec((NC, 1, BN, H2), lambda i: (0, 0, i, 0)),
            pl.BlockSpec((BN, 1), lambda i: (i, 0)),
            pl.BlockSpec((1, N_CLASSES), lambda i: (0, 0)),
        ],
        out_specs=pl.BlockSpec((BN, N_CLASSES), lambda i: (i, 0)),
        out_shape=jax.ShapeDtypeStruct((N_NODES, N_CLASSES), jnp.float32),
    )(p2, norm, b2r)


def kernel(x, edge_index, W1, b1, W2, b2):
    src_s = edge_index[0].reshape(NS, NCHS, K)
    dst_s = edge_index[1].reshape(NS, NCHS, K)
    dst_w = edge_index[1].reshape(NW, NCH, K)

    degp = _deg_call(dst_w)
    t1, norm = _tc_b(degp, x, W1)
    p1 = _agg64(t1.reshape(NC * N_NODES, H1), src_s, dst_s)
    W2p = jnp.pad(W2, ((0, 0), (0, D2P - N_CLASSES)))
    t2 = _tc_d(p1, norm, b1.reshape(1, D_HID), W2p)
    p2 = _agg32(t2.reshape(NC * N_NODES, H2), src_s, dst_s)
    out = _tc_f(p2, norm, b2.reshape(1, N_CLASSES))
    return out

# --- scband reference (transcript-rebuilt; emitter-appended) ---
"""Pipeline reference for scband-gcn-9122510536818 (READ-ONLY COPY).

The authoritative reference and input builder live on the scoring server;
editing this copy changes nothing except your own understanding.
"""

import jax, jax.numpy as jnp
import numpy as np

N_NODES = 10000
N_EDGES = 320000
D_IN = 128
D_HID = 128
N_CLASSES = 40


def setup_inputs(seed: int = 0) -> dict:
    key = jax.random.key(seed)
    k1, k2, k3, k4, k5, k6 = jax.random.split(key, 6)
    x = jax.random.normal(k1, (N_NODES, D_IN), dtype=jnp.float32)
    edge_index = jax.random.randint(k2, (2, N_EDGES), 0, N_NODES)
    W1 = jax.random.normal(k3, (D_IN, D_HID), dtype=jnp.float32) * (1.0 / np.sqrt(D_IN))
    b1 = jnp.zeros((D_HID,), dtype=jnp.float32)
    W2 = jax.random.normal(k4, (D_HID, N_CLASSES), dtype=jnp.float32) * (1.0 / np.sqrt(D_HID))
    b2 = jnp.zeros((N_CLASSES,), dtype=jnp.float32)
    return {"x": x, "edge_index": edge_index, "W1": W1, "b1": b1, "W2": W2, "b2": b2}


def _graph_conv(h, src, dst, norm, W, b, n_nodes):
    # DGL GraphConv with norm='both': D^{-1/2} A D^{-1/2} H W + b
    h = h * norm[:, None]
    msg = jnp.take(h, src, axis=0)
    agg = jax.ops.segment_sum(msg, dst, num_segments=n_nodes)
    agg = agg * norm[:, None]
    return agg @ W + b


def reference(x, edge_index, W1, b1, W2, b2):
    n_nodes = x.shape[0]
    src = edge_index[0]
    dst = edge_index[1]
    deg = jnp.zeros((n_nodes,), dtype=jnp.float32).at[dst].add(1.0)
    deg = jnp.clip(deg, 1.0, None)
    norm = jax.lax.rsqrt(deg)
    h = _graph_conv(x, src, dst, norm, W1, b1, n_nodes)
    h = jax.nn.relu(h)
    # dropout is identity in eval mode
    out = _graph_conv(h, src, dst, norm, W2, b2, n_nodes)
    return out

if __name__ == "__main__":
    import jax
    _d = setup_inputs()
    print(jax.jit(kernel)(*tuple(_d.values())))

</pallas_src>

<mosaic_0001>
#map = affine_map<(d0, d1) -> (0, 0, 0)>
module attributes {stable_mosaic.version = 14 : i64} {
  func.func @degk(%arg0: i32, %arg1: i32, %arg2: memref<32x125x80xi32, #tpu.memory_space<hbm>>, %arg3: memref<2x10240x16xf32, #tpu.memory_space<hbm>>, %arg4: memref<10240x16xf32, #tpu.memory_space<vmem_shared>>, %arg5: memref<128x16xf32, #tpu.memory_space<vmem>>, %arg6: memref<80x16xf32, #tpu.memory_space<vmem>>, %arg7: memref<125x80xi32, #tpu.memory_space<vmem>>) attributes {dimension_semantics = [#tpu.dimension_semantics<core_parallel>, #tpu.dimension_semantics<subcore_parallel>], iteration_bounds = array<i64: 2, 16>, scalar_prefetch = 0 : i64, scratch_operands = 4 : i64, tpu.core_type = #tpu.core_type<sc_vector_subcore>, window_params = [{transform_indices = #map}, {transform_indices = #map}]} {
    %mul3A = arith.constant 2 : i32
    %mul3A_0 = arith.muli %arg1, %mul3A : i32
    %add3A = arith.addi %mul3A_0, %arg0 : i32
    %broadcast_in_dim3A = arith.constant 0.000000e+00 : f32
    %broadcast_in_dim3A_1 = vector.broadcast %broadcast_in_dim3A : f32 to vector<16xf32>
    %scan3A = arith.constant 0 : i32
    %scan3A_2 = arith.constant 0 : i32
    %scan3A_3 = arith.constant 128 : i32
    %scan3A_4 = arith.addi %scan3A_2, %scan3A_3 : i32
    %scan3A_5 = arith.constant 1 : i32
    scf.for %scan3A_46 = %scan3A_2 to %scan3A_4 step %scan3A_5  : i32 {
      %swap3A = arith.index_cast %scan3A_46 : i32 to index
      %swap3A_47 = arith.constant 0 : index
      %swap3A_48 = tpu.vector_load %arg5[%swap3A, %swap3A_47] {strides = array<i32>} : memref<128x16xf32, #tpu.memory_space<vmem>>, vector<1x16xf32>,
      %swap3A_49 = vector.shape_cast %swap3A_48 : vector<1x16xf32> to vector<16xf32>
      %swap3A_50 = vector.shape_cast %broadcast_in_dim3A_1 : vector<16xf32> to vector<1x16xf32>
      tpu.vector_store %arg5[%swap3A, %swap3A_47], %swap3A_50 {strides = array<i32>} : memref<128x16xf32, #tpu.memory_space<vmem>>, vector<1x16xf32>,
    }
    %scan3A_6 = arith.constant 128 : i32
    %broadcast_in_dim3A_7 = arith.constant 1.000000e+00 : f32
    %broadcast_in_dim3A_8 = vector.broadcast %broadcast_in_dim3A_7 : f32 to vector<16xf32>
    %scan3A_9 = arith.constant 0 : i32
    %scan3A_10 = arith.constant 0 : i32
    %scan3A_11 = arith.constant 80 : i32
    %scan3A_12 = arith.addi %scan3A_10, %scan3A_11 : i32
    %scan3A_13 = arith.constant 1 : i32
    scf.for %scan3A_46 = %scan3A_10 to %scan3A_12 step %scan3A_13  : i32 {
      %swap3A = arith.index_cast %scan3A_46 : i32 to index
      %swap3A_47 = arith.constant 0 : index
      %swap3A_48 = tpu.vector_load %arg6[%swap3A, %swap3A_47] {strides = array<i32>} : memref<80x16xf32, #tpu.memory_space<vmem>>, vector<1x16xf32>,
      %swap3A_49 = vector.shape_cast %swap3A_48 : vector<1x16xf32> to vector<16xf32>
      %swap3A_50 = vector.shape_cast %broadcast_in_dim3A_8 : vector<16xf32> to vector<1x16xf32>
      tpu.vector_store %arg6[%swap3A, %swap3A_47], %swap3A_50 {strides = array<i32>} : memref<80x16xf32, #tpu.memory_space<vmem>>, vector<1x16xf32>,
    }
    %scan3A_14 = arith.constant 80 : i32
    "tpu.region"() ({
      %run_scoped3A = tpu.sem_alloc : memref<!tpu.dma_semaphore, #tpu.memory_space<semaphore_mem>>
      %dma_start3A = arith.constant 0 : i32
      %dma_start3A_46 = arith.constant 0 : i32
      %dma_start3A_47 = tpu.memref_slice %arg2[%add3A, %dma_start3A, %dma_start3A_46] : memref<32x125x80xi32, #tpu.memory_space<hbm>> -> memref<1x125x80xi32, #tpu.memory_space<hbm>>
      %dma_start3A_48 = tpu.memref_squeeze %dma_start3A_47 : memref<1x125x80xi32, #tpu.memory_space<hbm>> -> memref<125x80xi32, #tpu.memory_space<hbm>>
      %dma_start3A_49 = arith.constant 0 : i32
      %dma_start3A_50 = arith.constant 0 : i32
      %dma_start3A_51 = tpu.memref_slice %arg2[%add3A, %dma_start3A_49, %dma_start3A_50] : memref<32x125x80xi32, #tpu.memory_space<hbm>> -> memref<1x125x80xi32, #tpu.memory_space<hbm>>
      %dma_start3A_52 = tpu.memref_squeeze %dma_start3A_51 : memref<1x125x80xi32, #tpu.memory_space<hbm>> -> memref<125x80xi32, #tpu.memory_space<hbm>>
      tpu.enqueue_dma source(%dma_start3A_52 : memref<125x80xi32, #tpu.memory_space<hbm>>) target(%arg7 : memref<125x80xi32, #tpu.memory_space<vmem>>) target_semaphore(%run_scoped3A : memref<!tpu.dma_semaphore, #tpu.memory_space<semaphore_mem>>)
      %dma_wait3A = arith.constant 0 : i32
      %dma_wait3A_53 = arith.constant 0 : i32
      %dma_wait3A_54 = tpu.memref_slice %arg2[%add3A, %dma_wait3A, %dma_wait3A_53] : memref<32x125x80xi32, #tpu.memory_space<hbm>> -> memref<1x125x80xi32, #tpu.memory_space<hbm>>
      %dma_wait3A_55 = tpu.memref_squeeze %dma_wait3A_54 : memref<1x125x80xi32, #tpu.memory_space<hbm>> -> memref<125x80xi32, #tpu.memory_space<hbm>>
      %dma_wait3A_56 = arith.constant 0 : i32
      %dma_wait3A_57 = arith.constant 0 : i32
      %dma_wait3A_58 = tpu.memref_slice %arg2[%add3A, %dma_wait3A_56, %dma_wait3A_57] : memref<32x125x80xi32, #tpu.memory_space<hbm>> -> memref<1x125x80xi32, #tpu.memory_space<hbm>>
      %dma_wait3A_59 = tpu.memref_squeeze %dma_wait3A_58 : memref<1x125x80xi32, #tpu.memory_space<hbm>> -> memref<125x80xi32, #tpu.memory_space<hbm>>
      tpu.wait_dma2 semaphore(%run_scoped3A : memref<!tpu.dma_semaphore, #tpu.memory_space<semaphore_mem>>) src(%dma_wait3A_59 : memref<125x80xi32, #tpu.memory_space<hbm>>) dst(%arg7 : memref<125x80xi32, #tpu.memory_space<vmem>>)
      tpu.yield
    }) : () -> ()
    %mul3A_15 = arith.constant 640 : i32
    %mul3A_16 = arith.muli %arg1, %mul3A_15 : i32
    %add3A_17 = arith.constant 0 : i32
    %add3A_18 = arith.addi %mul3A_16, %add3A_17 : i32
    "tpu.region"() ({
      %run_scoped3A = tpu.sem_alloc : memref<!tpu.dma_semaphore, #tpu.memory_space<semaphore_mem>>
      %dma_start3A = arith.constant 0 : i32
      %dma_start3A_46 = tpu.memref_slice %arg4[%add3A_18, %dma_start3A] : memref<10240x16xf32, #tpu.memory_space<vmem_shared>> -> memref<128x16xf32, #tpu.memory_space<vmem_shared>>
      %dma_start3A_47 = arith.constant 0 : i32
      %dma_start3A_48 = tpu.memref_slice %arg4[%add3A_18, %dma_start3A_47] : memref<10240x16xf32, #tpu.memory_space<vmem_shared>> -> memref<128x16xf32, #tpu.memory_space<vmem_shared>>
      tpu.enqueue_dma source(%arg5 : memref<128x16xf32, #tpu.memory_space<vmem>>) target(%dma_start3A_48 : memref<128x16xf32, #tpu.memory_space<vmem_shared>>) target_semaphore(%run_scoped3A : memref<!tpu.dma_semaphore, #tpu.memory_space<semaphore_mem>>)
      %dma_wait3A = arith.constant 0 : i32
      %dma_wait3A_49 = tpu.memref_slice %arg4[%add3A_18, %dma_wait3A] : memref<10240x16xf32, #tpu.memory_space<vmem_shared>> -> memref<128x16xf32, #tpu.memory_space<vmem_shared>>
      %dma_wait3A_50 = arith.constant 0 : i32
      %dma_wait3A_51 = tpu.memref_slice %arg4[%add3A_18, %dma_wait3A_50] : memref<10240x16xf32, #tpu.memory_space<vmem_shared>> -> memref<128x16xf32, #tpu.memory_space<vmem_shared>>
      tpu.wait_dma2 semaphore(%run_scoped3A : memref<!tpu.dma_semaphore, #tpu.memory_space<semaphore_mem>>) src(%arg5 : memref<128x16xf32, #tpu.memory_space<vmem>>) dst(%dma_wait3A_51 : memref<128x16xf32, #tpu.memory_space<vmem_shared>>)
      tpu.yield
    }) : () -> ()
    %mul3A_19 = arith.constant 640 : i32
    %mul3A_20 = arith.muli %arg1, %mul3A_19 : i32
    %add3A_21 = arith.constant 128 : i32
    %add3A_22 = arith.addi %mul3A_20, %add3A_21 : i32
    "tpu.region"() ({
      %run_scoped3A = tpu.sem_alloc : memref<!tpu.dma_semaphore, #tpu.memory_space<semaphore_mem>>
      %dma_start3A = arith.constant 0 : i32
      %dma_start3A_46 = tpu.memref_slice %arg4[%add3A_22, %dma_start3A] : memref<10240x16xf32, #tpu.memory_space<vmem_shared>> -> memref<128x16xf32, #tpu.memory_space<vmem_shared>>
      %dma_start3A_47 = arith.constant 0 : i32
      %dma_start3A_48 = tpu.memref_slice %arg4[%add3A_22, %dma_start3A_47] : memref<10240x16xf32, #tpu.memory_space<vmem_shared>> -> memref<128x16xf32, #tpu.memory_space<vmem_shared>>
      tpu.enqueue_dma source(%arg5 : memref<128x16xf32, #tpu.memory_space<vmem>>) target(%dma_start3A_48 : memref<128x16xf32, #tpu.memory_space<vmem_shared>>) target_semaphore(%run_scoped3A : memref<!tpu.dma_semaphore, #tpu.memory_space<semaphore_mem>>)
      %dma_wait3A = arith.constant 0 : i32
      %dma_wait3A_49 = tpu.memref_slice %arg4[%add3A_22, %dma_wait3A] : memref<10240x16xf32, #tpu.memory_space<vmem_shared>> -> memref<128x16xf32, #tpu.memory_space<vmem_shared>>
      %dma_wait3A_50 = arith.constant 0 : i32
      %dma_wait3A_51 = tpu.memref_slice %arg4[%add3A_22, %dma_wait3A_50] : memref<10240x16xf32, #tpu.memory_space<vmem_shared>> -> memref<128x16xf32, #tpu.memory_space<vmem_shared>>
      tpu.wait_dma2 semaphore(%run_scoped3A : memref<!tpu.dma_semaphore, #tpu.memory_space<semaphore_mem>>) src(%arg5 : memref<128x16xf32, #tpu.memory_space<vmem>>) dst(%dma_wait3A_51 : memref<128x16xf32, #tpu.memory_space<vmem_shared>>)
      tpu.yield
    }) : () -> ()
    %mul3A_23 = arith.constant 640 : i32
    %mul3A_24 = arith.muli %arg1, %mul3A_23 : i32
    %add3A_25 = arith.constant 256 : i32
    %add3A_26 = arith.addi %mul3A_24, %add3A_25 : i32
    "tpu.region"() ({
      %run_scoped3A = tpu.sem_alloc : memref<!tpu.dma_semaphore, #tpu.memory_space<semaphore_mem>>
      %dma_start3A = arith.constant 0 : i32
      %dma_start3A_46 = tpu.memref_slice %arg4[%add3A_26, %dma_start3A] : memref<10240x16xf32, #tpu.memory_space<vmem_shared>> -> memref<128x16xf32, #tpu.memory_space<vmem_shared>>
      %dma_start3A_47 = arith.constant 0 : i32
      %dma_start3A_48 = tpu.memref_slice %arg4[%add3A_26, %dma_start3A_47] : memref<10240x16xf32, #tpu.memory_space<vmem_shared>> -> memref<128x16xf32, #tpu.memory_space<vmem_shared>>
      tpu.enqueue_dma source(%arg5 : memref<128x16xf32, #tpu.memory_space<vmem>>) target(%dma_start3A_48 : memref<128x16xf32, #tpu.memory_space<vmem_shared>>) target_semaphore(%run_scoped3A : memref<!tpu.dma_semaphore, #tpu.memory_space<semaphore_mem>>)
      %dma_wait3A = arith.constant 0 : i32
      %dma_wait3A_49 = tpu.memref_slice %arg4[%add3A_26, %dma_wait3A] : memref<10240x16xf32, #tpu.memory_space<vmem_shared>> -> memref<128x16xf32, #tpu.memory_space<vmem_shared>>
      %dma_wait3A_50 = arith.constant 0 : i32
      %dma_wait3A_51 = tpu.memref_slice %arg4[%add3A_26, %dma_wait3A_50] : memref<10240x16xf32, #tpu.memory_space<vmem_shared>> -> memref<128x16xf32, #tpu.memory_space<vmem_shared>>
      tpu.wait_dma2 semaphore(%run_scoped3A : memref<!tpu.dma_semaphore, #tpu.memory_space<semaphore_mem>>) src(%arg5 : memref<128x16xf32, #tpu.memory_space<vmem>>) dst(%dma_wait3A_51 : memref<128x16xf32, #tpu.memory_space<vmem_shared>>)
      tpu.yield
    }) : () -> ()
    %mul3A_27 = arith.constant 640 : i32
    %mul3A_28 = arith.muli %arg1, %mul3A_27 : i32
    %add3A_29 = arith.constant 384 : i32
    %add3A_30 = arith.addi %mul3A_28, %add3A_29 : i32
    "tpu.region"() ({
      %run_scoped3A = tpu.sem_alloc : memref<!tpu.dma_semaphore, #tpu.memory_space<semaphore_mem>>
      %dma_start3A = arith.constant 0 : i32
      %dma_start3A_46 = tpu.memref_slice %arg4[%add3A_30, %dma_start3A] : memref<10240x16xf32, #tpu.memory_space<vmem_shared>> -> memref<128x16xf32, #tpu.memory_space<vmem_shared>>
      %dma_start3A_47 = arith.constant 0 : i32
      %dma_start3A_48 = tpu.memref_slice %arg4[%add3A_30, %dma_start3A_47] : memref<10240x16xf32, #tpu.memory_space<vmem_shared>> -> memref<128x16xf32, #tpu.memory_space<vmem_shared>>
      tpu.enqueue_dma source(%arg5 : memref<128x16xf32, #tpu.memory_space<vmem>>) target(%dma_start3A_48 : memref<128x16xf32, #tpu.memory_space<vmem_shared>>) target_semaphore(%run_scoped3A : memref<!tpu.dma_semaphore, #tpu.memory_space<semaphore_mem>>)
      %dma_wait3A = arith.constant 0 : i32
      %dma_wait3A_49 = tpu.memref_slice %arg4[%add3A_30, %dma_wait3A] : memref<10240x16xf32, #tpu.memory_space<vmem_shared>> -> memref<128x16xf32, #tpu.memory_space<vmem_shared>>
      %dma_wait3A_50 = arith.constant 0 : i32
      %dma_wait3A_51 = tpu.memref_slice %arg4[%add3A_30, %dma_wait3A_50] : memref<10240x16xf32, #tpu.memory_space<vmem_shared>> -> memref<128x16xf32, #tpu.memory_space<vmem_shared>>
      tpu.wait_dma2 semaphore(%run_scoped3A : memref<!tpu.dma_semaphore, #tpu.memory_space<semaphore_mem>>) src(%arg5 : memref<128x16xf32, #tpu.memory_space<vmem>>) dst(%dma_wait3A_51 : memref<128x16xf32, #tpu.memory_space<vmem_shared>>)
      tpu.yield
    }) : () -> ()
    %mul3A_31 = arith.constant 640 : i32
    %mul3A_32 = arith.muli %arg1, %mul3A_31 : i32
    %add3A_33 = arith.constant 512 : i32
    %add3A_34 = arith.addi %mul3A_32, %add3A_33 : i32
    "tpu.region"() ({
      %run_scoped3A = tpu.sem_alloc : memref<!tpu.dma_semaphore, #tpu.memory_space<semaphore_mem>>
      %dma_start3A = arith.constant 0 : i32
      %dma_start3A_46 = tpu.memref_slice %arg4[%add3A_34, %dma_start3A] : memref<10240x16xf32, #tpu.memory_space<vmem_shared>> -> memref<128x16xf32, #tpu.memory_space<vmem_shared>>
      %dma_start3A_47 = arith.constant 0 : i32
      %dma_start3A_48 = tpu.memref_slice %arg4[%add3A_34, %dma_start3A_47] : memref<10240x16xf32, #tpu.memory_space<vmem_shared>> -> memref<128x16xf32, #tpu.memory_space<vmem_shared>>
      tpu.enqueue_dma source(%arg5 : memref<128x16xf32, #tpu.memory_space<vmem>>) target(%dma_start3A_48 : memref<128x16xf32, #tpu.memory_space<vmem_shared>>) target_semaphore(%run_scoped3A : memref<!tpu.dma_semaphore, #tpu.memory_space<semaphore_mem>>)
      %dma_wait3A = arith.constant 0 : i32
      %dma_wait3A_49 = tpu.memref_slice %arg4[%add3A_34, %dma_wait3A] : memref<10240x16xf32, #tpu.memory_space<vmem_shared>> -> memref<128x16xf32, #tpu.memory_space<vmem_shared>>
      %dma_wait3A_50 = arith.constant 0 : i32
      %dma_wait3A_51 = tpu.memref_slice %arg4[%add3A_34, %dma_wait3A_50] : memref<10240x16xf32, #tpu.memory_space<vmem_shared>> -> memref<128x16xf32, #tpu.memory_space<vmem_shared>>
      tpu.wait_dma2 semaphore(%run_scoped3A : memref<!tpu.dma_semaphore, #tpu.memory_space<semaphore_mem>>) src(%arg5 : memref<128x16xf32, #tpu.memory_space<vmem>>) dst(%dma_wait3A_51 : memref<128x16xf32, #tpu.memory_space<vmem_shared>>)
      tpu.yield
    }) : () -> ()
    %barrier3A = arith.constant 0 : index
    tpu.barrier barrier_id(%barrier3A)
    %scan3A_35 = arith.constant 0 : i32
    %scan3A_36 = arith.constant 0 : i32
    %scan3A_37 = arith.constant 125 : i32
    %scan3A_38 = arith.addi %scan3A_36, %scan3A_37 : i32
    %scan3A_39 = arith.constant 1 : i32
    scf.for %scan3A_46 = %scan3A_36 to %scan3A_38 step %scan3A_39  : i32 {
      "tpu.region"() ({
        %run_scoped3A = tpu.sem_alloc : memref<!tpu.dma_semaphore, #tpu.memory_space<semaphore_mem>>
        %dma_start3A = arith.constant 0 : i32
        %dma_start3A_47 = tpu.memref_slice %arg7[%scan3A_46, %dma_start3A] : memref<125x80xi32, #tpu.memory_space<vmem>> -> memref<1x80xi32, #tpu.memory_space<vmem>>
        %dma_start3A_48 = tpu.memref_squeeze %dma_start3A_47 : memref<1x80xi32, #tpu.memory_space<vmem>> -> memref<80xi32, #tpu.memory_space<vmem>>
        %dma_start3A_49 = arith.constant 0 : i32
        %dma_start3A_50 = arith.constant 0 : i32
        %dma_start3A_51 = tpu.memref_slice %arg4[%dma_start3A_49, %dma_start3A_50] : memref<10240x16xf32, #tpu.memory_space<vmem_shared>> -> memref<10240x16xf32, #tpu.memory_space<vmem_shared>>
        tpu.enqueue_indirect_dma source(%arg6 : memref<80x16xf32, #tpu.memory_space<vmem>>) target(%dma_start3A_51 : memref<10240x16xf32, #tpu.memory_space<vmem_shared>>) offsets(%dma_start3A_48 : memref<80xi32, #tpu.memory_space<vmem>>) semaphore(%run_scoped3A : memref<!tpu.dma_semaphore, #tpu.memory_space<semaphore_mem>>) {add = true}
        %dma_wait3A = arith.constant 0 : i32
        %dma_wait3A_52 = tpu.memref_slice %arg7[%scan3A_46, %dma_wait3A] : memref<125x80xi32, #tpu.memory_space<vmem>> -> memref<1x80xi32, #tpu.memory_space<vmem>>
        %dma_wait3A_53 = tpu.memref_squeeze %dma_wait3A_52 : memref<1x80xi32, #tpu.memory_space<vmem>> -> memref<80xi32, #tpu.memory_space<vmem>>
        %dma_wait3A_54 = arith.constant 0 : i32
        %dma_wait3A_55 = arith.constant 0 : i32
        %dma_wait3A_56 = tpu.memref_slice %arg4[%dma_wait3A_54, %dma_wait3A_55] : memref<10240x16xf32, #tpu.memory_space<vmem_shared>> -> memref<10240x16xf32, #tpu.memory_space<vmem_shared>>
        tpu.wait_indirect_dma semaphore(%run_scoped3A : memref<!tpu.dma_semaphore, #tpu.memory_space<semaphore_mem>>) src(%arg6 : memref<80x16xf32, #tpu.memory_space<vmem>>) dst(%dma_wait3A_56 : memref<10240x16xf32, #tpu.memory_space<vmem_shared>>)
        tpu.yield
      }) : () -> ()
    }
    %scan3A_40 = arith.constant 125 : i32
    %barrier3A_41 = arith.constant 0 : index
    tpu.barrier barrier_id(%barrier3A_41)
    %mul3A_42 = arith.constant 640 : i32
    %mul3A_43 = arith.muli %arg1, %mul3A_42 : i32
    %mul3A_44 = arith.constant 640 : i32
    %mul3A_45 = arith.muli %arg1, %mul3A_44 : i32
    "tpu.region"() ({
      %run_scoped3A = tpu.sem_alloc : memref<!tpu.dma_semaphore, #tpu.memory_space<semaphore_mem>>
      %dma_start3A = arith.constant 0 : i32
      %dma_start3A_46 = tpu.memref_slice %arg3[%arg0, %mul3A_45, %dma_start3A] : memref<2x10240x16xf32, #tpu.memory_space<hbm>> -> memref<1x640x16xf32, #tpu.memory_space<hbm>>
      %dma_start3A_47 = tpu.memref_squeeze %dma_start3A_46 : memref<1x640x16xf32, #tpu.memory_space<hbm>> -> memref<640x16xf32, #tpu.memory_space<hbm>>
      %dma_start3A_48 = arith.constant 0 : i32
      %dma_start3A_49 = tpu.memref_slice %arg4[%mul3A_43, %dma_start3A_48] : memref<10240x16xf32, #tpu.memory_space<vmem_shared>> -> memref<640x16xf32, #tpu.memory_space<vmem_shared>>
      tpu.enqueue_dma source(%dma_start3A_49 : memref<640x16xf32, #tpu.memory_space<vmem_shared>>) target(%dma_start3A_47 : memref<640x16xf32, #tpu.memory_space<hbm>>) target_semaphore(%run_scoped3A : memref<!tpu.dma_semaphore, #tpu.memory_space<semaphore_mem>>)
      %dma_wait3A = arith.constant 0 : i32
      %dma_wait3A_50 = tpu.memref_slice %arg3[%arg0, %mul3A_45, %dma_wait3A] : memref<2x10240x16xf32, #tpu.memory_space<hbm>> -> memref<1x640x16xf32, #tpu.memory_space<hbm>>
      %dma_wait3A_51 = tpu.memref_squeeze %dma_wait3A_50 : memref<1x640x16xf32, #tpu.memory_space<hbm>> -> memref<640x16xf32, #tpu.memory_space<hbm>>
      %dma_wait3A_52 = arith.constant 0 : i32
      %dma_wait3A_53 = tpu.memref_slice %arg4[%mul3A_43, %dma_wait3A_52] : memref<10240x16xf32, #tpu.memory_space<vmem_shared>> -> memref<640x16xf32, #tpu.memory_space<vmem_shared>>
      tpu.wait_dma2 semaphore(%run_scoped3A : memref<!tpu.dma_semaphore, #tpu.memory_space<semaphore_mem>>) src(%dma_wait3A_53 : memref<640x16xf32, #tpu.memory_space<vmem_shared>>) dst(%dma_wait3A_51 : memref<640x16xf32, #tpu.memory_space<hbm>>)
      tpu.yield
    }) : () -> ()
    return
  }
}

#map = affine_map<(d0, d1) -> (0, 0)>
#map1 = affine_map<(d0, d1) -> (0, 0, 0)>
#map2 = affine_map<(d0, d1) -> (0, 0, 0, 0)>
module attributes {stable_mosaic.version = 14 : i64} {
  func.func @aggk(%arg0: i32, %arg1: i32, %arg2: memref<20000x32xf32, #tpu.memory_space<hbm>>, %arg3: memref<16x250x80xi32, #tpu.memory_space<hbm>>, %arg4: memref<16x250x80xi32, #tpu.memory_space<hbm>>, %arg5: memref<2x1x10240x32xf32, #tpu.memory_space<hbm>>, %arg6: memref<10240x32xf32, #tpu.memory_space<vmem_shared>>, %arg7: memref<128x32xf32, #tpu.memory_space<vmem>>, %arg8: memref<250x80xi32, #tpu.memory_space<vmem>>, %arg9: memref<250x80xi32, #tpu.memory_space<vmem>>, %arg10: memref<80x32xf32, #tpu.memory_space<vmem>>, %arg11: memref<80x32xf32, #tpu.memory_space<vmem>>, %arg12: memref<80x32xf32, #tpu.memory_space<vmem>>, %arg13: memref<80x32xf32, #tpu.memory_space<vmem>>, %arg14: memref<!tpu.dma_semaphore, #tpu.memory_space<semaphore_mem>>, %arg15: memref<!tpu.dma_semaphore, #tpu.memory_space<semaphore_mem>>, %arg16: memref<!tpu.dma_semaphore, #tpu.memory_space<semaphore_mem>>, %arg17: memref<!tpu.dma_semaphore, #tpu.memory_space<semaphore_mem>>, %arg18: memref<!tpu.dma_semaphore, #tpu.memory_space<semaphore_mem>>, %arg19: memref<!tpu.dma_semaphore, #tpu.memory_space<semaphore_mem>>, %arg20: memref<!tpu.dma_semaphore, #tpu.memory_space<semaphore_mem>>, %arg21: memref<!tpu.dma_semaphore, #tpu.memory_space<semaphore_mem>>) attributes {dimension_semantics = [#tpu.dimension_semantics<core_parallel>, #tpu.dimension_semantics<subcore_parallel>], iteration_bounds = array<i64: 2, 16>, scalar_prefetch = 0 : i64, scratch_operands = 16 : i64, tpu.core_type = #tpu.core_type<sc_vector_subcore>, window_params = [{transform_indices = #map}, {transform_indices = #map1}, {transform_indices = #map1}, {transform_indices = #map2}]} {
    %mul3A = arith.constant 10000 : i32
    %mul3A_0 = arith.muli %arg0, %mul3A : i32
    %broadcast_in_dim3A = vector.broadcast %mul3A_0 : i32 to vector<16xi32>
    %broadcast_in_dim3A_1 = arith.constant 0.000000e+00 : f32
    %broadcast_in_dim3A_2 = vector.broadcast %broadcast_in_dim3A_1 : f32 to vector<16xf32>
    %scan3A = arith.constant 0 : i32
    %scan3A_3 = arith.constant 0 : i32
    %scan3A_4 = arith.constant 128 : i32
    %scan3A_5 = arith.addi %scan3A_3, %scan3A_4 : i32
    %scan3A_6 = arith.constant 1 : i32
    scf.for %scan3A_210 = %scan3A_3 to %scan3A_5 step %scan3A_6  : i32 {
      %swap3A = arith.index_cast %scan3A_210 : i32 to index
      %swap3A_211 = arith.constant 0 : index
      %swap3A_212 = tpu.vector_load %arg7[%swap3A, %swap3A_211] {strides = array<i32>} : memref<128x32xf32, #tpu.memory_space<vmem>>, vector<1x16xf32>,
      %swap3A_213 = vector.shape_cast %swap3A_212 : vector<1x16xf32> to vector<16xf32>
      %swap3A_214 = vector.shape_cast %broadcast_in_dim3A_2 : vector<16xf32> to vector<1x16xf32>
      tpu.vector_store %arg7[%swap3A, %swap3A_211], %swap3A_214 {strides = array<i32>} : memref<128x32xf32, #tpu.memory_space<vmem>>, vector<1x16xf32>,
      %swap3A_215 = arith.index_cast %scan3A_210 : i32 to index
      %swap3A_216 = arith.constant 16 : index
      %swap3A_217 = tpu.vector_load %arg7[%swap3A_215, %swap3A_216] {strides = array<i32>} : memref<128x32xf32, #tpu.memory_space<vmem>>, vector<1x16xf32>,
      %swap3A_218 = vector.shape_cast %swap3A_217 : vector<1x16xf32> to vector<16xf32>
      %swap3A_219 = vector.shape_cast %broadcast_in_dim3A_2 : vector<16xf32> to vector<1x16xf32>
      tpu.vector_store %arg7[%swap3A_215, %swap3A_216], %swap3A_219 {strides = array<i32>} : memref<128x32xf32, #tpu.memory_space<vmem>>, vector<1x16xf32>,
    }
    %scan3A_7 = arith.constant 128 : i32
    %mul3A_8 = arith.constant 640 : i32
    %mul3A_9 = arith.muli %arg1, %mul3A_8 : i32
    %add3A = arith.constant 0 : i32
    %add3A_10 = arith.addi %mul3A_9, %add3A : i32
    "tpu.region"() ({
      %run_scoped3A_210 = tpu.sem_alloc : memref<!tpu.dma_semaphore, #tpu.memory_space<semaphore_mem>>
      %dma_start3A_211 = arith.constant 0 : i32
      %dma_start3A_212 = tpu.memref_slice %arg6[%add3A_10, %dma_start3A_211] : memref<10240x32xf32, #tpu.memory_space<vmem_shared>> -> memref<128x32xf32, #tpu.memory_space<vmem_shared>>
      %dma_start3A_213 = arith.constant 0 : i32
      %dma_start3A_214 = tpu.memref_slice %arg6[%add3A_10, %dma_start3A_213] : memref<10240x32xf32, #tpu.memory_space<vmem_shared>> -> memref<128x32xf32, #tpu.memory_space<vmem_shared>>
      tpu.enqueue_dma source(%arg7 : memref<128x32xf32, #tpu.memory_space<vmem>>) target(%dma_start3A_214 : memref<128x32xf32, #tpu.memory_space<vmem_shared>>) target_semaphore(%run_scoped3A_210 : memref<!tpu.dma_semaphore, #tpu.memory_space<semaphore_mem>>)
      %dma_wait3A_215 = arith.constant 0 : i32
      %dma_wait3A_216 = tpu.memref_slice %arg6[%add3A_10, %dma_wait3A_215] : memref<10240x32xf32, #tpu.memory_space<vmem_shared>> -> memref<128x32xf32, #tpu.memory_space<vmem_shared>>
      %dma_wait3A_217 = arith.constant 0 : i32
      %dma_wait3A_218 = tpu.memref_slice %arg6[%add3A_10, %dma_wait3A_217] : memref<10240x32xf32, #tpu.memory_space<vmem_shared>> -> memref<128x32xf32, #tpu.memory_space<vmem_shared>>
      tpu.wait_dma2 semaphore(%run_scoped3A_210 : memref<!tpu.dma_semaphore, #tpu.memory_space<semaphore_mem>>) src(%arg7 : memref<128x32xf32, #tpu.memory_space<vmem>>) dst(%dma_wait3A_218 : memref<128x32xf32, #tpu.memory_space<vmem_shared>>)
      tpu.yield
    }) : () -> ()
    %mul3A_11 = arith.constant 640 : i32
    %mul3A_12 = arith.muli %arg1, %mul3A_11 : i32
    %add3A_13 = arith.constant 128 : i32
    %add3A_14 = arith.addi %mul3A_12, %add3A_13 : i32
    "tpu.region"() ({
      %run_scoped3A_210 = tpu.sem_alloc : memref<!tpu.dma_semaphore, #tpu.memory_space<semaphore_mem>>
      %dma_start3A_211 = arith.constant 0 : i32
      %dma_start3A_212 = tpu.memref_slice %arg6[%add3A_14, %dma_start3A_211] : memref<10240x32xf32, #tpu.memory_space<vmem_shared>> -> memref<128x32xf32, #tpu.memory_space<vmem_shared>>
      %dma_start3A_213 = arith.constant 0 : i32
      %dma_start3A_214 = tpu.memref_slice %arg6[%add3A_14, %dma_start3A_213] : memref<10240x32xf32, #tpu.memory_space<vmem_shared>> -> memref<128x32xf32, #tpu.memory_space<vmem_shared>>
      tpu.enqueue_dma source(%arg7 : memref<128x32xf32, #tpu.memory_space<vmem>>) target(%dma_start3A_214 : memref<128x32xf32, #tpu.memory_space<vmem_shared>>) target_semaphore(%run_scoped3A_210 : memref<!tpu.dma_semaphore, #tpu.memory_space<semaphore_mem>>)
      %dma_wait3A_215 = arith.constant 0 : i32
      %dma_wait3A_216 = tpu.memref_slice %arg6[%add3A_14, %dma_wait3A_215] : memref<10240x32xf32, #tpu.memory_space<vmem_shared>> -> memref<128x32xf32, #tpu.memory_space<vmem_shared>>
      %dma_wait3A_217 = arith.constant 0 : i32
      %dma_wait3A_218 = tpu.memref_slice %arg6[%add3A_14, %dma_wait3A_217] : memref<10240x32xf32, #tpu.memory_space<vmem_shared>> -> memref<128x32xf32, #tpu.memory_space<vmem_shared>>
      tpu.wait_dma2 semaphore(%run_scoped3A_210 : memref<!tpu.dma_semaphore, #tpu.memory_space<semaphore_mem>>) src(%arg7 : memref<128x32xf32, #tpu.memory_space<vmem>>) dst(%dma_wait3A_218 : memref<128x32xf32, #tpu.memory_space<vmem_shared>>)
      tpu.yield
    }) : () -> ()
    %mul3A_15 = arith.constant 640 : i32
    %mul3A_16 = arith.muli %arg1, %mul3A_15 : i32
    %add3A_17 = arith.constant 256 : i32
    %add3A_18 = arith.addi %mul3A_16, %add3A_17 : i32
    "tpu.region"() ({
      %run_scoped3A_210 = tpu.sem_alloc : memref<!tpu.dma_semaphore, #tpu.memory_space<semaphore_mem>>
      %dma_start3A_211 = arith.constant 0 : i32
      %dma_start3A_212 = tpu.memref_slice %arg6[%add3A_18, %dma_start3A_211] : memref<10240x32xf32, #tpu.memory_space<vmem_shared>> -> memref<128x32xf32, #tpu.memory_space<vmem_shared>>
      %dma_start3A_213 = arith.constant 0 : i32
      %dma_start3A_214 = tpu.memref_slice %arg6[%add3A_18, %dma_start3A_213] : memref<10240x32xf32, #tpu.memory_space<vmem_shared>> -> memref<128x32xf32, #tpu.memory_space<vmem_shared>>
      tpu.enqueue_dma source(%arg7 : memref<128x32xf32, #tpu.memory_space<vmem>>) target(%dma_start3A_214 : memref<128x32xf32, #tpu.memory_space<vmem_shared>>) target_semaphore(%run_scoped3A_210 : memref<!tpu.dma_semaphore, #tpu.memory_space<semaphore_mem>>)
      %dma_wait3A_215 = arith.constant 0 : i32
      %dma_wait3A_216 = tpu.memref_slice %arg6[%add3A_18, %dma_wait3A_215] : memref<10240x32xf32, #tpu.memory_space<vmem_shared>> -> memref<128x32xf32, #tpu.memory_space<vmem_shared>>
      %dma_wait3A_217 = arith.constant 0 : i32
      %dma_wait3A_218 = tpu.memref_slice %arg6[%add3A_18, %dma_wait3A_217] : memref<10240x32xf32, #tpu.memory_space<vmem_shared>> -> memref<128x32xf32, #tpu.memory_space<vmem_shared>>
      tpu.wait_dma2 semaphore(%run_scoped3A_210 : memref<!tpu.dma_semaphore, #tpu.memory_space<semaphore_mem>>) src(%arg7 : memref<128x32xf32, #tpu.memory_space<vmem>>) dst(%dma_wait3A_218 : memref<128x32xf32, #tpu.memory_space<vmem_shared>>)
      tpu.yield
    }) : () -> ()
    %mul3A_19 = arith.constant 640 : i32
    %mul3A_20 = arith.muli %arg1, %mul3A_19 : i32
    %add3A_21 = arith.constant 384 : i32
    %add3A_22 = arith.addi %mul3A_20, %add3A_21 : i32
    "tpu.region"() ({
      %run_scoped3A_210 = tpu.sem_alloc : memref<!tpu.dma_semaphore, #tpu.memory_space<semaphore_mem>>
      %dma_start3A_211 = arith.constant 0 : i32
      %dma_start3A_212 = tpu.memref_slice %arg6[%add3A_22, %dma_start3A_211] : memref<10240x32xf32, #tpu.memory_space<vmem_shared>> -> memref<128x32xf32, #tpu.memory_space<vmem_shared>>
      %dma_start3A_213 = arith.constant 0 : i32
      %dma_start3A_214 = tpu.memref_slice %arg6[%add3A_22, %dma_start3A_213] : memref<10240x32xf32, #tpu.memory_space<vmem_shared>> -> memref<128x32xf32, #tpu.memory_space<vmem_shared>>
      tpu.enqueue_dma source(%arg7 : memref<128x32xf32, #tpu.memory_space<vmem>>) target(%dma_start3A_214 : memref<128x32xf32, #tpu.memory_space<vmem_shared>>) target_semaphore(%run_scoped3A_210 : memref<!tpu.dma_semaphore, #tpu.memory_space<semaphore_mem>>)
      %dma_wait3A_215 = arith.constant 0 : i32
      %dma_wait3A_216 = tpu.memref_slice %arg6[%add3A_22, %dma_wait3A_215] : memref<10240x32xf32, #tpu.memory_space<vmem_shared>> -> memref<128x32xf32, #tpu.memory_space<vmem_shared>>
      %dma_wait3A_217 = arith.constant 0 : i32
      %dma_wait3A_218 = tpu.memref_slice %arg6[%add3A_22, %dma_wait3A_217] : memref<10240x32xf32, #tpu.memory_space<vmem_shared>> -> memref<128x32xf32, #tpu.memory_space<vmem_shared>>
      tpu.wait_dma2 semaphore(%run_scoped3A_210 : memref<!tpu.dma_semaphore, #tpu.memory_space<semaphore_mem>>) src(%arg7 : memref<128x32xf32, #tpu.memory_space<vmem>>) dst(%dma_wait3A_218 : memref<128x32xf32, #tpu.memory_space<vmem_shared>>)
      tpu.yield
    }) : () -> ()
    %mul3A_23 = arith.constant 640 : i32
    %mul3A_24 = arith.muli %arg1, %mul3A_23 : i32
    %add3A_25 = arith.constant 512 : i32
    %add3A_26 = arith.addi %mul3A_24, %add3A_25 : i32
    "tpu.region"() ({
      %run_scoped3A_210 = tpu.sem_alloc : memref<!tpu.dma_semaphore, #tpu.memory_space<semaphore_mem>>
      %dma_start3A_211 = arith.constant 0 : i32
      %dma_start3A_212 = tpu.memref_slice %arg6[%add3A_26, %dma_start3A_211] : memref<10240x32xf32, #tpu.memory_space<vmem_shared>> -> memref<128x32xf32, #tpu.memory_space<vmem_shared>>
      %dma_start3A_213 = arith.constant 0 : i32
      %dma_start3A_214 = tpu.memref_slice %arg6[%add3A_26, %dma_start3A_213] : memref<10240x32xf32, #tpu.memory_space<vmem_shared>> -> memref<128x32xf32, #tpu.memory_space<vmem_shared>>
      tpu.enqueue_dma source(%arg7 : memref<128x32xf32, #tpu.memory_space<vmem>>) target(%dma_start3A_214 : memref<128x32xf32, #tpu.memory_space<vmem_shared>>) target_semaphore(%run_scoped3A_210 : memref<!tpu.dma_semaphore, #tpu.memory_space<semaphore_mem>>)
      %dma_wait3A_215 = arith.constant 0 : i32
      %dma_wait3A_216 = tpu.memref_slice %arg6[%add3A_26, %dma_wait3A_215] : memref<10240x32xf32, #tpu.memory_space<vmem_shared>> -> memref<128x32xf32, #tpu.memory_space<vmem_shared>>
      %dma_wait3A_217 = arith.constant 0 : i32
      %dma_wait3A_218 = tpu.memref_slice %arg6[%add3A_26, %dma_wait3A_217] : memref<10240x32xf32, #tpu.memory_space<vmem_shared>> -> memref<128x32xf32, #tpu.memory_space<vmem_shared>>
      tpu.wait_dma2 semaphore(%run_scoped3A_210 : memref<!tpu.dma_semaphore, #tpu.memory_space<semaphore_mem>>) src(%arg7 : memref<128x32xf32, #tpu.memory_space<vmem>>) dst(%dma_wait3A_218 : memref<128x32xf32, #tpu.memory_space<vmem_shared>>)
      tpu.yield
    }) : () -> ()
    %barrier3A = arith.constant 0 : index
    tpu.barrier barrier_id(%barrier3A)
    "tpu.region"() ({
      %run_scoped3A_210 = tpu.sem_alloc : memref<!tpu.dma_semaphore, #tpu.memory_space<semaphore_mem>>
      %dma_start3A_211 = arith.constant 0 : i32
      %dma_start3A_212 = arith.constant 0 : i32
      %dma_start3A_213 = tpu.memref_slice %arg3[%arg1, %dma_start3A_211, %dma_start3A_212] : memref<16x250x80xi32, #tpu.memory_space<hbm>> -> memref<1x250x80xi32, #tpu.memory_space<hbm>>
      %dma_start3A_214 = tpu.memref_squeeze %dma_start3A_213 : memref<1x250x80xi32, #tpu.memory_space<hbm>> -> memref<250x80xi32, #tpu.memory_space<hbm>>
      %dma_start3A_215 = arith.constant 0 : i32
      %dma_start3A_216 = arith.constant 0 : i32
      %dma_start3A_217 = tpu.memref_slice %arg3[%arg1, %dma_start3A_215, %dma_start3A_216] : memref<16x250x80xi32, #tpu.memory_space<hbm>> -> memref<1x250x80xi32, #tpu.memory_space<hbm>>
      %dma_start3A_218 = tpu.memref_squeeze %dma_start3A_217 : memref<1x250x80xi32, #tpu.memory_space<hbm>> -> memref<250x80xi32, #tpu.memory_space<hbm>>
      tpu.enqueue_dma source(%dma_start3A_218 : memref<250x80xi32, #tpu.memory_space<hbm>>) target(%arg8 : memref<250x80xi32, #tpu.memory_space<vmem>>) target_semaphore(%run_scoped3A_210 : memref<!tpu.dma_semaphore, #tpu.memory_space<semaphore_mem>>)
      %dma_wait3A_219 = arith.constant 0 : i32
      %dma_wait3A_220 = arith.constant 0 : i32
      %dma_wait3A_221 = tpu.memref_slice %arg3[%arg1, %dma_wait3A_219, %dma_wait3A_220] : memref<16x250x80xi32, #tpu.memory_space<hbm>> -> memref<1x250x80xi32, #tpu.memory_space<hbm>>
      %dma_wait3A_222 = tpu.memref_squeeze %dma_wait3A_221 : memref<1x250x80xi32, #tpu.memory_space<hbm>> -> memref<250x80xi32, #tpu.memory_space<hbm>>
      %dma_wait3A_223 = arith.constant 0 : i32
      %dma_wait3A_224 = arith.constant 0 : i32
      %dma_wait3A_225 = tpu.memref_slice %arg3[%arg1, %dma_wait3A_223, %dma_wait3A_224] : memref<16x250x80xi32, #tpu.memory_space<hbm>> -> memref<1x250x80xi32, #tpu.memory_space<hbm>>
      %dma_wait3A_226 = tpu.memref_squeeze %dma_wait3A_225 : memref<1x250x80xi32, #tpu.memory_space<hbm>> -> memref<250x80xi32, #tpu.memory_space<hbm>>
      tpu.wait_dma2 semaphore(%run_scoped3A_210 : memref<!tpu.dma_semaphore, #tpu.memory_space<semaphore_mem>>) src(%dma_wait3A_226 : memref<250x80xi32, #tpu.memory_space<hbm>>) dst(%arg8 : memref<250x80xi32, #tpu.memory_space<vmem>>)
      tpu.yield
    }) : () -> ()
    "tpu.region"() ({
      %run_scoped3A_210 = tpu.sem_alloc : memref<!tpu.dma_semaphore, #tpu.memory_space<semaphore_mem>>
      %dma_start3A_211 = arith.constant 0 : i32
      %dma_start3A_212 = arith.constant 0 : i32
      %dma_start3A_213 = tpu.memref_slice %arg4[%arg1, %dma_start3A_211, %dma_start3A_212] : memref<16x250x80xi32, #tpu.memory_space<hbm>> -> memref<1x250x80xi32, #tpu.memory_space<hbm>>
      %dma_start3A_214 = tpu.memref_squeeze %dma_start3A_213 : memref<1x250x80xi32, #tpu.memory_space<hbm>> -> memref<250x80xi32, #tpu.memory_space<hbm>>
      %dma_start3A_215 = arith.constant 0 : i32
      %dma_start3A_216 = arith.constant 0 : i32
      %dma_start3A_217 = tpu.memref_slice %arg4[%arg1, %dma_start3A_215, %dma_start3A_216] : memref<16x250x80xi32, #tpu.memory_space<hbm>> -> memref<1x250x80xi32, #tpu.memory_space<hbm>>
      %dma_start3A_218 = tpu.memref_squeeze %dma_start3A_217 : memref<1x250x80xi32, #tpu.memory_space<hbm>> -> memref<250x80xi32, #tpu.memory_space<hbm>>
      tpu.enqueue_dma source(%dma_start3A_218 : memref<250x80xi32, #tpu.memory_space<hbm>>) target(%arg9 : memref<250x80xi32, #tpu.memory_space<vmem>>) target_semaphore(%run_scoped3A_210 : memref<!tpu.dma_semaphore, #tpu.memory_space<semaphore_mem>>)
      %dma_wait3A_219 = arith.constant 0 : i32
      %dma_wait3A_220 = arith.constant 0 : i32
      %dma_wait3A_221 = tpu.memref_slice %arg4[%arg1, %dma_wait3A_219, %dma_wait3A_220] : memref<16x250x80xi32, #tpu.memory_space<hbm>> -> memref<1x250x80xi32, #tpu.memory_space<hbm>>
      %dma_wait3A_222 = tpu.memref_squeeze %dma_wait3A_221 : memref<1x250x80xi32, #tpu.memory_space<hbm>> -> memref<250x80xi32, #tpu.memory_space<hbm>>
      %dma_wait3A_223 = arith.constant 0 : i32
      %dma_wait3A_224 = arith.constant 0 : i32
      %dma_wait3A_225 = tpu.memref_slice %arg4[%arg1, %dma_wait3A_223, %dma_wait3A_224] : memref<16x250x80xi32, #tpu.memory_space<hbm>> -> memref<1x250x80xi32, #tpu.memory_space<hbm>>
      %dma_wait3A_226 = tpu.memref_squeeze %dma_wait3A_225 : memref<1x250x80xi32, #tpu.memory_space<hbm>> -> memref<250x80xi32, #tpu.memory_space<hbm>>
      tpu.wait_dma2 semaphore(%run_scoped3A_210 : memref<!tpu.dma_semaphore, #tpu.memory_space<semaphore_mem>>) src(%dma_wait3A_226 : memref<250x80xi32, #tpu.memory_space<hbm>>) dst(%arg9 : memref<250x80xi32, #tpu.memory_space<vmem>>)
      tpu.yield
    }) : () -> ()
    %scan3A_27 = arith.constant 0 : i32
    %scan3A_28 = arith.constant 0 : i32
    %scan3A_29 = arith.constant 250 : i32
    %scan3A_30 = arith.addi %scan3A_28, %scan3A_29 : i32
    %scan3A_31 = arith.constant 1 : i32
    scf.for %scan3A_210 = %scan3A_28 to %scan3A_30 step %scan3A_31  : i32 {
      %get3A = arith.index_cast %scan3A_210 : i32 to index
      %get3A_211 = arith.constant 0 : index
      %get3A_212 = tpu.vector_load %arg8[%get3A, %get3A_211] {strides = array<i32>} : memref<250x80xi32, #tpu.memory_space<vmem>>, vector<1x16xi32>,
      %get3A_213 = vector.shape_cast %get3A_212 : vector<1x16xi32> to vector<16xi32>
      %add3A_214 = arith.addi %get3A_213, %broadcast_in_dim3A : vector<16xi32>
      %swap3A = arith.index_cast %scan3A_210 : i32 to index
      %swap3A_215 = arith.constant 0 : index
      %swap3A_216 = tpu.vector_load %arg8[%swap3A, %swap3A_215] {strides = array<i32>} : memref<250x80xi32, #tpu.memory_space<vmem>>, vector<1x16xi32>,
      %swap3A_217 = vector.shape_cast %swap3A_216 : vector<1x16xi32> to vector<16xi32>
      %swap3A_218 = vector.shape_cast %add3A_214 : vector<16xi32> to vector<1x16xi32>
      tpu.vector_store %arg8[%swap3A, %swap3A_215], %swap3A_218 {strides = array<i32>} : memref<250x80xi32, #tpu.memory_space<vmem>>, vector<1x16xi32>,
      %get3A_219 = arith.index_cast %scan3A_210 : i32 to index
      %get3A_220 = arith.constant 16 : index
      %get3A_221 = tpu.vector_load %arg8[%get3A_219, %get3A_220] {strides = array<i32>} : memref<250x80xi32, #tpu.memory_space<vmem>>, vector<1x16xi32>,
      %get3A_222 = vector.shape_cast %get3A_221 : vector<1x16xi32> to vector<16xi32>
      %add3A_223 = arith.addi %get3A_222, %broadcast_in_dim3A : vector<16xi32>
      %swap3A_224 = arith.index_cast %scan3A_210 : i32 to index
      %swap3A_225 = arith.constant 16 : index
      %swap3A_226 = tpu.vector_load %arg8[%swap3A_224, %swap3A_225] {strides = array<i32>} : memref<250x80xi32, #tpu.memory_space<vmem>>, vector<1x16xi32>,
      %swap3A_227 = vector.shape_cast %swap3A_226 : vector<1x16xi32> to vector<16xi32>
      %swap3A_228 = vector.shape_cast %add3A_223 : vector<16xi32> to vector<1x16xi32>
      tpu.vector_store %arg8[%swap3A_224, %swap3A_225], %swap3A_228 {strides = array<i32>} : memref<250x80xi32, #tpu.memory_space<vmem>>, vector<1x16xi32>,
      %get3A_229 = arith.index_cast %scan3A_210 : i32 to index
      %get3A_230 = arith.constant 32 : index
      %get3A_231 = tpu.vector_load %arg8[%get3A_229, %get3A_230] {strides = array<i32>} : memref<250x80xi32, #tpu.memory_space<vmem>>, vector<1x16xi32>,
      %get3A_232 = vector.shape_cast %get3A_231 : vector<1x16xi32> to vector<16xi32>
      %add3A_233 = arith.addi %get3A_232, %broadcast_in_dim3A : vector<16xi32>
      %swap3A_234 = arith.index_cast %scan3A_210 : i32 to index
      %swap3A_235 = arith.constant 32 : index
      %swap3A_236 = tpu.vector_load %arg8[%swap3A_234, %swap3A_235] {strides = array<i32>} : memref<250x80xi32, #tpu.memory_space<vmem>>, vector<1x16xi32>,
      %swap3A_237 = vector.shape_cast %swap3A_236 : vector<1x16xi32> to vector<16xi32>
      %swap3A_238 = vector.shape_cast %add3A_233 : vector<16xi32> to vector<1x16xi32>
      tpu.vector_store %arg8[%swap3A_234, %swap3A_235], %swap3A_238 {strides = array<i32>} : memref<250x80xi32, #tpu.memory_space<vmem>>, vector<1x16xi32>,
      %get3A_239 = arith.index_cast %scan3A_210 : i32 to index
      %get3A_240 = arith.constant 48 : index
      %get3A_241 = tpu.vector_load %arg8[%get3A_239, %get3A_240] {strides = array<i32>} : memref<250x80xi32, #tpu.memory_space<vmem>>, vector<1x16xi32>,
      %get3A_242 = vector.shape_cast %get3A_241 : vector<1x16xi32> to vector<16xi32>
      %add3A_243 = arith.addi %get3A_242, %broadcast_in_dim3A : vector<16xi32>
      %swap3A_244 = arith.index_cast %scan3A_210 : i32 to index
      %swap3A_245 = arith.constant 48 : index
      %swap3A_246 = tpu.vector_load %arg8[%swap3A_244, %swap3A_245] {strides = array<i32>} : memref<250x80xi32, #tpu.memory_space<vmem>>, vector<1x16xi32>,
      %swap3A_247 = vector.shape_cast %swap3A_246 : vector<1x16xi32> to vector<16xi32>
      %swap3A_248 = vector.shape_cast %add3A_243 : vector<16xi32> to vector<1x16xi32>
      tpu.vector_store %arg8[%swap3A_244, %swap3A_245], %swap3A_248 {strides = array<i32>} : memref<250x80xi32, #tpu.memory_space<vmem>>, vector<1x16xi32>,
      %get3A_249 = arith.index_cast %scan3A_210 : i32 to index
      %get3A_250 = arith.constant 64 : index
      %get3A_251 = tpu.vector_load %arg8[%get3A_249, %get3A_250] {strides = array<i32>} : memref<250x80xi32, #tpu.memory_space<vmem>>, vector<1x16xi32>,
      %get3A_252 = vector.shape_cast %get3A_251 : vector<1x16xi32> to vector<16xi32>
      %add3A_253 = arith.addi %get3A_252, %broadcast_in_dim3A : vector<16xi32>
      %swap3A_254 = arith.index_cast %scan3A_210 : i32 to index
      %swap3A_255 = arith.constant 64 : index
      %swap3A_256 = tpu.vector_load %arg8[%swap3A_254, %swap3A_255] {strides = array<i32>} : memref<250x80xi32, #tpu.memory_space<vmem>>, vector<1x16xi32>,
      %swap3A_257 = vector.shape_cast %swap3A_256 : vector<1x16xi32> to vector<16xi32>
      %swap3A_258 = vector.shape_cast %add3A_253 : vector<16xi32> to vector<1x16xi32>
      tpu.vector_store %arg8[%swap3A_254, %swap3A_255], %swap3A_258 {strides = array<i32>} : memref<250x80xi32, #tpu.memory_space<vmem>>, vector<1x16xi32>,
    }
    %scan3A_32 = arith.constant 250 : i32
    %dma_start3A = arith.constant 0 : i32
    %dma_start3A_33 = arith.constant 0 : i32
    %dma_start3A_34 = tpu.memref_slice %arg8[%dma_start3A, %dma_start3A_33] : memref<250x80xi32, #tpu.memory_space<vmem>> -> memref<1x80xi32, #tpu.memory_space<vmem>>
    %dma_start3A_35 = tpu.memref_squeeze %dma_start3A_34 : memref<1x80xi32, #tpu.memory_space<vmem>> -> memref<80xi32, #tpu.memory_space<vmem>>
    %dma_start3A_36 = arith.constant 0 : i32
    %dma_start3A_37 = arith.constant 0 : i32
    %dma_start3A_38 = tpu.memref_slice %arg2[%dma_start3A_36, %dma_start3A_37] : memref<20000x32xf32, #tpu.memory_space<hbm>> -> memref<20000x32xf32, #tpu.memory_space<hbm>>
    tpu.enqueue_indirect_dma source(%dma_start3A_38 : memref<20000x32xf32, #tpu.memory_space<hbm>>) target(%arg10 : memref<80x32xf32, #tpu.memory_space<vmem>>) offsets(%dma_start3A_35 : memref<80xi32, #tpu.memory_space<vmem>>) semaphore(%arg14 : memref<!tpu.dma_semaphore, #tpu.memory_space<semaphore_mem>>)
    %dma_start3A_39 = arith.constant 1 : i32
    %dma_start3A_40 = arith.constant 0 : i32
    %dma_start3A_41 = tpu.memref_slice %arg8[%dma_start3A_39, %dma_start3A_40] : memref<250x80xi32, #tpu.memory_space<vmem>> -> memref<1x80xi32, #tpu.memory_space<vmem>>
    %dma_start3A_42 = tpu.memref_squeeze %dma_start3A_41 : memref<1x80xi32, #tpu.memory_space<vmem>> -> memref<80xi32, #tpu.memory_space<vmem>>
    %dma_start3A_43 = arith.constant 0 : i32
    %dma_start3A_44 = arith.constant 0 : i32
    %dma_start3A_45 = tpu.memref_slice %arg2[%dma_start3A_43, %dma_start3A_44] : memref<20000x32xf32, #tpu.memory_space<hbm>> -> memref<20000x32xf32, #tpu.memory_space<hbm>>
    tpu.enqueue_indirect_dma source(%dma_start3A_45 : memref<20000x32xf32, #tpu.memory_space<hbm>>) target(%arg11 : memref<80x32xf32, #tpu.memory_space<vmem>>) offsets(%dma_start3A_42 : memref<80xi32, #tpu.memory_space<vmem>>) semaphore(%arg15 : memref<!tpu.dma_semaphore, #tpu.memory_space<semaphore_mem>>)
    %dma_wait3A = arith.constant 0 : i32
    %dma_wait3A_46 = arith.constant 0 : i32
    %dma_wait3A_47 = tpu.memref_slice %arg8[%dma_wait3A, %dma_wait3A_46] : memref<250x80xi32, #tpu.memory_space<vmem>> -> memref<1x80xi32, #tpu.memory_space<vmem>>
    %dma_wait3A_48 = tpu.memref_squeeze %dma_wait3A_47 : memref<1x80xi32, #tpu.memory_space<vmem>> -> memref<80xi32, #tpu.memory_space<vmem>>
    %dma_wait3A_49 = arith.constant 0 : i32
    %dma_wait3A_50 = arith.constant 0 : i32
    %dma_wait3A_51 = tpu.memref_slice %arg2[%dma_wait3A_49, %dma_wait3A_50] : memref<20000x32xf32, #tpu.memory_space<hbm>> -> memref<20000x32xf32, #tpu.memory_space<hbm>>
    tpu.wait_indirect_dma semaphore(%arg14 : memref<!tpu.dma_semaphore, #tpu.memory_space<semaphore_mem>>) src(%dma_wait3A_51 : memref<20000x32xf32, #tpu.memory_space<hbm>>) dst(%arg10 : memref<80x32xf32, #tpu.memory_space<vmem>>)
    %dma_start3A_52 = arith.constant 0 : i32
    %dma_start3A_53 = arith.constant 0 : i32
    %dma_start3A_54 = tpu.memref_slice %arg9[%dma_start3A_52, %dma_start3A_53] : memref<250x80xi32, #tpu.memory_space<vmem>> -> memref<1x80xi32, #tpu.memory_space<vmem>>
    %dma_start3A_55 = tpu.memref_squeeze %dma_start3A_54 : memref<1x80xi32, #tpu.memory_space<vmem>> -> memref<80xi32, #tpu.memory_space<vmem>>
    %dma_start3A_56 = arith.constant 0 : i32
    %dma_start3A_57 = arith.constant 0 : i32
    %dma_start3A_58 = tpu.memref_slice %arg6[%dma_start3A_56, %dma_start3A_57] : memref<10240x32xf32, #tpu.memory_space<vmem_shared>> -> memref<10240x32xf32, #tpu.memory_space<vmem_shared>>
    tpu.enqueue_indirect_dma source(%arg10 : memref<80x32xf32, #tpu.memory_space<vmem>>) target(%dma_start3A_58 : memref<10240x32xf32, #tpu.memory_space<vmem_shared>>) offsets(%dma_start3A_55 : memref<80xi32, #tpu.memory_space<vmem>>) semaphore(%arg18 : memref<!tpu.dma_semaphore, #tpu.memory_space<semaphore_mem>>) {add = true}
    %dma_start3A_59 = arith.constant 2 : i32
    %dma_start3A_60 = arith.constant 0 : i32
    %dma_start3A_61 = tpu.memref_slice %arg8[%dma_start3A_59, %dma_start3A_60] : memref<250x80xi32, #tpu.memory_space<vmem>> -> memref<1x80xi32, #tpu.memory_space<vmem>>
    %dma_start3A_62 = tpu.memref_squeeze %dma_start3A_61 : memref<1x80xi32, #tpu.memory_space<vmem>> -> memref<80xi32, #tpu.memory_space<vmem>>
    %dma_start3A_63 = arith.constant 0 : i32
    %dma_start3A_64 = arith.constant 0 : i32
    %dma_start3A_65 = tpu.memref_slice %arg2[%dma_start3A_63, %dma_start3A_64] : memref<20000x32xf32, #tpu.memory_space<hbm>> -> memref<20000x32xf32, #tpu.memory_space<hbm>>
    tpu.enqueue_indirect_dma source(%dma_start3A_65 : memref<20000x32xf32, #tpu.memory_space<hbm>>) target(%arg12 : memref<80x32xf32, #tpu.memory_space<vmem>>) offsets(%dma_start3A_62 : memref<80xi32, #tpu.memory_space<vmem>>) semaphore(%arg16 : memref<!tpu.dma_semaphore, #tpu.memory_space<semaphore_mem>>)
    %dma_wait3A_66 = arith.constant 1 : i32
    %dma_wait3A_67 = arith.constant 0 : i32
    %dma_wait3A_68 = tpu.memref_slice %arg8[%dma_wait3A_66, %dma_wait3A_67] : memref<250x80xi32, #tpu.memory_space<vmem>> -> memref<1x80xi32, #tpu.memory_space<vmem>>
    %dma_wait3A_69 = tpu.memref_squeeze %dma_wait3A_68 : memref<1x80xi32, #tpu.memory_space<vmem>> -> memref<80xi32, #tpu.memory_space<vmem>>
    %dma_wait3A_70 = arith.constant 0 : i32
    %dma_wait3A_71 = arith.constant 0 : i32
    %dma_wait3A_72 = tpu.memref_slice %arg2[%dma_wait3A_70, %dma_wait3A_71] : memref<20000x32xf32, #tpu.memory_space<hbm>> -> memref<20000x32xf32, #tpu.memory_space<hbm>>
    tpu.wait_indirect_dma semaphore(%arg15 : memref<!tpu.dma_semaphore, #tpu.memory_space<semaphore_mem>>) src(%dma_wait3A_72 : memref<20000x32xf32, #tpu.memory_space<hbm>>) dst(%arg11 : memref<80x32xf32, #tpu.memory_space<vmem>>)
    %dma_wait3A_73 = arith.constant 0 : i32
    %dma_wait3A_74 = arith.constant 0 : i32
    %dma_wait3A_75 = tpu.memref_slice %arg9[%dma_wait3A_73, %dma_wait3A_74] : memref<250x80xi32, #tpu.memory_space<vmem>> -> memref<1x80xi32, #tpu.memory_space<vmem>>
    %dma_wait3A_76 = tpu.memref_squeeze %dma_wait3A_75 : memref<1x80xi32, #tpu.memory_space<vmem>> -> memref<80xi32, #tpu.memory_space<vmem>>
    %dma_wait3A_77 = arith.constant 0 : i32
    %dma_wait3A_78 = arith.constant 0 : i32
    %dma_wait3A_79 = tpu.memref_slice %arg6[%dma_wait3A_77, %dma_wait3A_78] : memref<10240x32xf32, #tpu.memory_space<vmem_shared>> -> memref<10240x32xf32, #tpu.memory_space<vmem_shared>>
    tpu.wait_indirect_dma semaphore(%arg18 : memref<!tpu.dma_semaphore, #tpu.memory_space<semaphore_mem>>) src(%arg10 : memref<80x32xf32, #tpu.memory_space<vmem>>) dst(%dma_wait3A_79 : memref<10240x32xf32, #tpu.memory_space<vmem_shared>>)
    %dma_start3A_80 = arith.constant 1 : i32
    %dma_start3A_81 = arith.constant 0 : i32
    %dma_start3A_82 = tpu.memref_slice %arg9[%dma_start3A_80, %dma_start3A_81] : memref<250x80xi32, #tpu.memory_space<vmem>> -> memref<1x80xi32, #tpu.memory_space<vmem>>
    %dma_start3A_83 = tpu.memref_squeeze %dma_start3A_82 : memref<1x80xi32, #tpu.memory_space<vmem>> -> memref<80xi32, #tpu.memory_space<vmem>>
    %dma_start3A_84 = arith.constant 0 : i32
    %dma_start3A_85 = arith.constant 0 : i32
    %dma_start3A_86 = tpu.memref_slice %arg6[%dma_start3A_84, %dma_start3A_85] : memref<10240x32xf32, #tpu.memory_space<vmem_shared>> -> memref<10240x32xf32, #tpu.memory_space<vmem_shared>>
    tpu.enqueue_indirect_dma source(%arg11 : memref<80x32xf32, #tpu.memory_space<vmem>>) target(%dma_start3A_86 : memref<10240x32xf32, #tpu.memory_space<vmem_shared>>) offsets(%dma_start3A_83 : memref<80xi32, #tpu.memory_space<vmem>>) semaphore(%arg19 : memref<!tpu.dma_semaphore, #tpu.memory_space<semaphore_mem>>) {add = true}
    %dma_start3A_87 = arith.constant 3 : i32
    %dma_start3A_88 = arith.constant 0 : i32
    %dma_start3A_89 = tpu.memref_slice %arg8[%dma_start3A_87, %dma_start3A_88] : memref<250x80xi32, #tpu.memory_space<vmem>> -> memref<1x80xi32, #tpu.memory_space<vmem>>
    %dma_start3A_90 = tpu.memref_squeeze %dma_start3A_89 : memref<1x80xi32, #tpu.memory_space<vmem>> -> memref<80xi32, #tpu.memory_space<vmem>>
    %dma_start3A_91 = arith.constant 0 : i32
    %dma_start3A_92 = arith.constant 0 : i32
    %dma_start3A_93 = tpu.memref_slice %arg2[%dma_start3A_91, %dma_start3A_92] : memref<20000x32xf32, #tpu.memory_space<hbm>> -> memref<20000x32xf32, #tpu.memory_space<hbm>>
    tpu.enqueue_indirect_dma source(%dma_start3A_93 : memref<20000x32xf32, #tpu.memory_space<hbm>>) target(%arg13 : memref<80x32xf32, #tpu.memory_space<vmem>>) offsets(%dma_start3A_90 : memref<80xi32, #tpu.memory_space<vmem>>) semaphore(%arg17 : memref<!tpu.dma_semaphore, #tpu.memory_space<semaphore_mem>>)
    %dma_wait3A_94 = arith.constant 2 : i32
    %dma_wait3A_95 = arith.constant 0 : i32
    %dma_wait3A_96 = tpu.memref_slice %arg8[%dma_wait3A_94, %dma_wait3A_95] : memref<250x80xi32, #tpu.memory_space<vmem>> -> memref<1x80xi32, #tpu.memory_space<vmem>>
    %dma_wait3A_97 = tpu.memref_squeeze %dma_wait3A_96 : memref<1x80xi32, #tpu.memory_space<vmem>> -> memref<80xi32, #tpu.memory_space<vmem>>
    %dma_wait3A_98 = arith.constant 0 : i32
    %dma_wait3A_99 = arith.constant 0 : i32
    %dma_wait3A_100 = tpu.memref_slice %arg2[%dma_wait3A_98, %dma_wait3A_99] : memref<20000x32xf32, #tpu.memory_space<hbm>> -> memref<20000x32xf32, #tpu.memory_space<hbm>>
    tpu.wait_indirect_dma semaphore(%arg16 : memref<!tpu.dma_semaphore, #tpu.memory_space<semaphore_mem>>) src(%dma_wait3A_100 : memref<20000x32xf32, #tpu.memory_space<hbm>>) dst(%arg12 : memref<80x32xf32, #tpu.memory_space<vmem>>)
    %dma_wait3A_101 = arith.constant 1 : i32
    %dma_wait3A_102 = arith.constant 0 : i32
    %dma_wait3A_103 = tpu.memref_slice %arg9[%dma_wait3A_101, %dma_wait3A_102] : memref<250x80xi32, #tpu.memory_space<vmem>> -> memref<1x80xi32, #tpu.memory_space<vmem>>
    %dma_wait3A_104 = tpu.memref_squeeze %dma_wait3A_103 : memref<1x80xi32, #tpu.memory_space<vmem>> -> memref<80xi32, #tpu.memory_space<vmem>>
    %dma_wait3A_105 = arith.constant 0 : i32
    %dma_wait3A_106 = arith.constant 0 : i32
    %dma_wait3A_107 = tpu.memref_slice %arg6[%dma_wait3A_105, %dma_wait3A_106] : memref<10240x32xf32, #tpu.memory_space<vmem_shared>> -> memref<10240x32xf32, #tpu.memory_space<vmem_shared>>
    tpu.wait_indirect_dma semaphore(%arg19 : memref<!tpu.dma_semaphore, #tpu.memory_space<semaphore_mem>>) src(%arg11 : memref<80x32xf32, #tpu.memory_space<vmem>>) dst(%dma_wait3A_107 : memref<10240x32xf32, #tpu.memory_space<vmem_shared>>)
    %dma_start3A_108 = arith.constant 2 : i32
    %dma_start3A_109 = arith.constant 0 : i32
    %dma_start3A_110 = tpu.memref_slice %arg9[%dma_start3A_108, %dma_start3A_109] : memref<250x80xi32, #tpu.memory_space<vmem>> -> memref<1x80xi32, #tpu.memory_space<vmem>>
    %dma_start3A_111 = tpu.memref_squeeze %dma_start3A_110 : memref<1x80xi32, #tpu.memory_space<vmem>> -> memref<80xi32, #tpu.memory_space<vmem>>
    %dma_start3A_112 = arith.constant 0 : i32
    %dma_start3A_113 = arith.constant 0 : i32
    %dma_start3A_114 = tpu.memref_slice %arg6[%dma_start3A_112, %dma_start3A_113] : memref<10240x32xf32, #tpu.memory_space<vmem_shared>> -> memref<10240x32xf32, #tpu.memory_space<vmem_shared>>
    tpu.enqueue_indirect_dma source(%arg12 : memref<80x32xf32, #tpu.memory_space<vmem>>) target(%dma_start3A_114 : memref<10240x32xf32, #tpu.memory_space<vmem_shared>>) offsets(%dma_start3A_111 : memref<80xi32, #tpu.memory_space<vmem>>) semaphore(%arg20 : memref<!tpu.dma_semaphore, #tpu.memory_space<semaphore_mem>>) {add = true}
    %dma_start3A_115 = arith.constant 4 : i32
    %dma_start3A_116 = arith.constant 0 : i32
    %dma_start3A_117 = tpu.memref_slice %arg8[%dma_start3A_115, %dma_start3A_116] : memref<250x80xi32, #tpu.memory_space<vmem>> -> memref<1x80xi32, #tpu.memory_space<vmem>>
    %dma_start3A_118 = tpu.memref_squeeze %dma_start3A_117 : memref<1x80xi32, #tpu.memory_space<vmem>> -> memref<80xi32, #tpu.memory_space<vmem>>
    %dma_start3A_119 = arith.constant 0 : i32
    %dma_start3A_120 = arith.constant 0 : i32
    %dma_start3A_121 = tpu.memref_slice %arg2[%dma_start3A_119, %dma_start3A_120] : memref<20000x32xf32, #tpu.memory_space<hbm>> -> memref<20000x32xf32, #tpu.memory_space<hbm>>
    tpu.enqueue_indirect_dma source(%dma_start3A_121 : memref<20000x32xf32, #tpu.memory_space<hbm>>) target(%arg10 : memref<80x32xf32, #tpu.memory_space<vmem>>) offsets(%dma_start3A_118 : memref<80xi32, #tpu.memory_space<vmem>>) semaphore(%arg14 : memref<!tpu.dma_semaphore, #tpu.memory_space<semaphore_mem>>)
    %dma_wait3A_122 = arith.constant 3 : i32
    %dma_wait3A_123 = arith.constant 0 : i32
    %dma_wait3A_124 = tpu.memref_slice %arg8[%dma_wait3A_122, %dma_wait3A_123] : memref<250x80xi32, #tpu.memory_space<vmem>> -> memref<1x80xi32, #tpu.memory_space<vmem>>
    %dma_wait3A_125 = tpu.memref_squeeze %dma_wait3A_124 : memref<1x80xi32, #tpu.memory_space<vmem>> -> memref<80xi32, #tpu.memory_space<vmem>>
    %dma_wait3A_126 = arith.constant 0 : i32
    %dma_wait3A_127 = arith.constant 0 : i32
    %dma_wait3A_128 = tpu.memref_slice %arg2[%dma_wait3A_126, %dma_wait3A_127] : memref<20000x32xf32, #tpu.memory_space<hbm>> -> memref<20000x32xf32, #tpu.memory_space<hbm>>
    tpu.wait_indirect_dma semaphore(%arg17 : memref<!tpu.dma_semaphore, #tpu.memory_space<semaphore_mem>>) src(%dma_wait3A_128 : memref<20000x32xf32, #tpu.memory_space<hbm>>) dst(%arg13 : memref<80x32xf32, #tpu.memory_space<vmem>>)
    %dma_wait3A_129 = arith.constant 2 : i32
    %dma_wait3A_130 = arith.constant 0 : i32
    %dma_wait3A_131 = tpu.memref_slice %arg9[%dma_wait3A_129, %dma_wait3A_130] : memref<250x80xi32, #tpu.memory_space<vmem>> -> memref<1x80xi32, #tpu.memory_space<vmem>>
    %dma_wait3A_132 = tpu.memref_squeeze %dma_wait3A_131 : memref<1x80xi32, #tpu.memory_space<vmem>> -> memref<80xi32, #tpu.memory_space<vmem>>
    %dma_wait3A_133 = arith.constant 0 : i32
    %dma_wait3A_134 = arith.constant 0 : i32
    %dma_wait3A_135 = tpu.memref_slice %arg6[%dma_wait3A_133, %dma_wait3A_134] : memref<10240x32xf32, #tpu.memory_space<vmem_shared>> -> memref<10240x32xf32, #tpu.memory_space<vmem_shared>>
    tpu.wait_indirect_dma semaphore(%arg20 : memref<!tpu.dma_semaphore, #tpu.memory_space<semaphore_mem>>) src(%arg12 : memref<80x32xf32, #tpu.memory_space<vmem>>) dst(%dma_wait3A_135 : memref<10240x32xf32, #tpu.memory_space<vmem_shared>>)
    %dma_start3A_136 = arith.constant 3 : i32
    %dma_start3A_137 = arith.constant 0 : i32
    %dma_start3A_138 = tpu.memref_slice %arg9[%dma_start3A_136, %dma_start3A_137] : memref<250x80xi32, #tpu.memory_space<vmem>> -> memref<1x80xi32, #tpu.memory_space<vmem>>
    %dma_start3A_139 = tpu.memref_squeeze %dma_start3A_138 : memref<1x80xi32, #tpu.memory_space<vmem>> -> memref<80xi32, #tpu.memory_space<vmem>>
    %dma_start3A_140 = arith.constant 0 : i32
    %dma_start3A_141 = arith.constant 0 : i32
    %dma_start3A_142 = tpu.memref_slice %arg6[%dma_start3A_140, %dma_start3A_141] : memref<10240x32xf32, #tpu.memory_space<vmem_shared>> -> memref<10240x32xf32, #tpu.memory_space<vmem_shared>>
    tpu.enqueue_indirect_dma source(%arg13 : memref<80x32xf32, #tpu.memory_space<vmem>>) target(%dma_start3A_142 : memref<10240x32xf32, #tpu.memory_space<vmem_shared>>) offsets(%dma_start3A_139 : memref<80xi32, #tpu.memory_space<vmem>>) semaphore(%arg21 : memref<!tpu.dma_semaphore, #tpu.memory_space<semaphore_mem>>) {add = true}
    %dma_start3A_143 = arith.constant 5 : i32
    %dma_start3A_144 = arith.constant 0 : i32
    %dma_start3A_145 = tpu.memref_slice %arg8[%dma_start3A_143, %dma_start3A_144] : memref<250x80xi32, #tpu.memory_space<vmem>> -> memref<1x80xi32, #tpu.memory_space<vmem>>
    %dma_start3A_146 = tpu.memref_squeeze %dma_start3A_145 : memref<1x80xi32, #tpu.memory_space<vmem>> -> memref<80xi32, #tpu.memory_space<vmem>>
    %dma_start3A_147 = arith.constant 0 : i32
    %dma_start3A_148 = arith.constant 0 : i32
    %dma_start3A_149 = tpu.memref_slice %arg2[%dma_start3A_147, %dma_start3A_148] : memref<20000x32xf32, #tpu.memory_space<hbm>> -> memref<20000x32xf32, #tpu.memory_space<hbm>>
    tpu.enqueue_indirect_dma source(%dma_start3A_149 : memref<20000x32xf32, #tpu.memory_space<hbm>>) target(%arg11 : memref<80x32xf32, #tpu.memory_space<vmem>>) offsets(%dma_start3A_146 : memref<80xi32, #tpu.memory_space<vmem>>) semaphore(%arg15 : memref<!tpu.dma_semaphore, #tpu.memory_space<semaphore_mem>>)
    %scan3A_150 = arith.constant 0 : i32
    %scan3A_151 = arith.constant 1 : i32
    %scan3A_152 = arith.constant 61 : i32
    %scan3A_153 = arith.addi %scan3A_151, %scan3A_152 : i32
    %scan3A_154 = arith.constant 1 : i32
    scf.for %scan3A_210 = %scan3A_151 to %scan3A_153 step %scan3A_154  : i32 {
      %mul3A_211 = arith.constant 4 : i32
      %mul3A_212 = arith.muli %mul3A_211, %scan3A_210 : i32
      %add3A_213 = arith.constant 0 : i32
      %add3A_214 = arith.addi %mul3A_212, %add3A_213 : i32
      %dma_wait3A_215 = arith.constant 0 : i32
      %dma_wait3A_216 = tpu.memref_slice %arg8[%add3A_214, %dma_wait3A_215] : memref<250x80xi32, #tpu.memory_space<vmem>> -> memref<1x80xi32, #tpu.memory_space<vmem>>
      %dma_wait3A_217 = tpu.memref_squeeze %dma_wait3A_216 : memref<1x80xi32, #tpu.memory_space<vmem>> -> memref<80xi32, #tpu.memory_space<vmem>>
      %dma_wait3A_218 = arith.constant 0 : i32
      %dma_wait3A_219 = arith.constant 0 : i32
      %dma_wait3A_220 = tpu.memref_slice %arg2[%dma_wait3A_218, %dma_wait3A_219] : memref<20000x32xf32, #tpu.memory_space<hbm>> -> memref<20000x32xf32, #tpu.memory_space<hbm>>
      tpu.wait_indirect_dma semaphore(%arg14 : memref<!tpu.dma_semaphore, #tpu.memory_space<semaphore_mem>>) src(%dma_wait3A_220 : memref<20000x32xf32, #tpu.memory_space<hbm>>) dst(%arg10 : memref<80x32xf32, #tpu.memory_space<vmem>>)
      %sub3A = arith.constant 1 : i32
      %sub3A_221 = arith.subi %add3A_214, %sub3A : i32
      %dma_wait3A_222 = arith.constant 0 : i32
      %dma_wait3A_223 = tpu.memref_slice %arg9[%sub3A_221, %dma_wait3A_222] : memref<250x80xi32, #tpu.memory_space<vmem>> -> memref<1x80xi32, #tpu.memory_space<vmem>>
      %dma_wait3A_224 = tpu.memref_squeeze %dma_wait3A_223 : memref<1x80xi32, #tpu.memory_space<vmem>> -> memref<80xi32, #tpu.memory_space<vmem>>
      %dma_wait3A_225 = arith.constant 0 : i32
      %dma_wait3A_226 = arith.constant 0 : i32
      %dma_wait3A_227 = tpu.memref_slice %arg6[%dma_wait3A_225, %dma_wait3A_226] : memref<10240x32xf32, #tpu.memory_space<vmem_shared>> -> memref<10240x32xf32, #tpu.memory_space<vmem_shared>>
      tpu.wait_indirect_dma semaphore(%arg21 : memref<!tpu.dma_semaphore, #tpu.memory_space<semaphore_mem>>) src(%arg13 : memref<80x32xf32, #tpu.memory_space<vmem>>) dst(%dma_wait3A_227 : memref<10240x32xf32, #tpu.memory_space<vmem_shared>>)
      %dma_start3A_228 = arith.constant 0 : i32
      %dma_start3A_229 = tpu.memref_slice %arg9[%add3A_214, %dma_start3A_228] : memref<250x80xi32, #tpu.memory_space<vmem>> -> memref<1x80xi32, #tpu.memory_space<vmem>>
      %dma_start3A_230 = tpu.memref_squeeze %dma_start3A_229 : memref<1x80xi32, #tpu.memory_space<vmem>> -> memref<80xi32, #tpu.memory_space<vmem>>
      %dma_start3A_231 = arith.constant 0 : i32
      %dma_start3A_232 = arith.constant 0 : i32
      %dma_start3A_233 = tpu.memref_slice %arg6[%dma_start3A_231, %dma_start3A_232] : memref<10240x32xf32, #tpu.memory_space<vmem_shared>> -> memref<10240x32xf32, #tpu.memory_space<vmem_shared>>
      tpu.enqueue_indirect_dma source(%arg10 : memref<80x32xf32, #tpu.memory_space<vmem>>) target(%dma_start3A_233 : memref<10240x32xf32, #tpu.memory_space<vmem_shared>>) offsets(%dma_start3A_230 : memref<80xi32, #tpu.memory_space<vmem>>) semaphore(%arg18 : memref<!tpu.dma_semaphore, #tpu.memory_space<semaphore_mem>>) {add = true}
      %add3A_234 = arith.constant 2 : i32
      %add3A_235 = arith.addi %add3A_214, %add3A_234 : i32
      %dma_start3A_236 = arith.constant 0 : i32
      %dma_start3A_237 = tpu.memref_slice %arg8[%add3A_235, %dma_start3A_236] : memref<250x80xi32, #tpu.memory_space<vmem>> -> memref<1x80xi32, #tpu.memory_space<vmem>>
      %dma_start3A_238 = tpu.memref_squeeze %dma_start3A_237 : memref<1x80xi32, #tpu.memory_space<vmem>> -> memref<80xi32, #tpu.memory_space<vmem>>
      %dma_start3A_239 = arith.constant 0 : i32
      %dma_start3A_240 = arith.constant 0 : i32
      %dma_start3A_241 = tpu.memref_slice %arg2[%dma_start3A_239, %dma_start3A_240] : memref<20000x32xf32, #tpu.memory_space<hbm>> -> memref<20000x32xf32, #tpu.memory_space<hbm>>
      tpu.enqueue_indirect_dma source(%dma_start3A_241 : memref<20000x32xf32, #tpu.memory_space<hbm>>) target(%arg12 : memref<80x32xf32, #tpu.memory_space<vmem>>) offsets(%dma_start3A_238 : memref<80xi32, #tpu.memory_space<vmem>>) semaphore(%arg16 : memref<!tpu.dma_semaphore, #tpu.memory_space<semaphore_mem>>)
      %add3A_242 = arith.constant 1 : i32
      %add3A_243 = arith.addi %mul3A_212, %add3A_242 : i32
      %dma_wait3A_244 = arith.constant 0 : i32
      %dma_wait3A_245 = tpu.memref_slice %arg8[%add3A_243, %dma_wait3A_244] : memref<250x80xi32, #tpu.memory_space<vmem>> -> memref<1x80xi32, #tpu.memory_space<vmem>>
      %dma_wait3A_246 = tpu.memref_squeeze %dma_wait3A_245 : memref<1x80xi32, #tpu.memory_space<vmem>> -> memref<80xi32, #tpu.memory_space<vmem>>
      %dma_wait3A_247 = arith.constant 0 : i32
      %dma_wait3A_248 = arith.constant 0 : i32
      %dma_wait3A_249 = tpu.memref_slice %arg2[%dma_wait3A_247, %dma_wait3A_248] : memref<20000x32xf32, #tpu.memory_space<hbm>> -> memref<20000x32xf32, #tpu.memory_space<hbm>>
      tpu.wait_indirect_dma semaphore(%arg15 : memref<!tpu.dma_semaphore, #tpu.memory_space<semaphore_mem>>) src(%dma_wait3A_249 : memref<20000x32xf32, #tpu.memory_space<hbm>>) dst(%arg11 : memref<80x32xf32, #tpu.memory_space<vmem>>)
      %sub3A_250 = arith.constant 1 : i32
      %sub3A_251 = arith.subi %add3A_243, %sub3A_250 : i32
      %dma_wait3A_252 = arith.constant 0 : i32
      %dma_wait3A_253 = tpu.memref_slice %arg9[%sub3A_251, %dma_wait3A_252] : memref<250x80xi32, #tpu.memory_space<vmem>> -> memref<1x80xi32, #tpu.memory_space<vmem>>
      %dma_wait3A_254 = tpu.memref_squeeze %dma_wait3A_253 : memref<1x80xi32, #tpu.memory_space<vmem>> -> memref<80xi32, #tpu.memory_space<vmem>>
      %dma_wait3A_255 = arith.constant 0 : i32
      %dma_wait3A_256 = arith.constant 0 : i32
      %dma_wait3A_257 = tpu.memref_slice %arg6[%dma_wait3A_255, %dma_wait3A_256] : memref<10240x32xf32, #tpu.memory_space<vmem_shared>> -> memref<10240x32xf32, #tpu.memory_space<vmem_shared>>
      tpu.wait_indirect_dma semaphore(%arg18 : memref<!tpu.dma_semaphore, #tpu.memory_space<semaphore_mem>>) src(%arg10 : memref<80x32xf32, #tpu.memory_space<vmem>>) dst(%dma_wait3A_257 : memref<10240x32xf32, #tpu.memory_space<vmem_shared>>)
      %dma_start3A_258 = arith.constant 0 : i32
      %dma_start3A_259 = tpu.memref_slice %arg9[%add3A_243, %dma_start3A_258] : memref<250x80xi32, #tpu.memory_space<vmem>> -> memref<1x80xi32, #tpu.memory_space<vmem>>
      %dma_start3A_260 = tpu.memref_squeeze %dma_start3A_259 : memref<1x80xi32, #tpu.memory_space<vmem>> -> memref<80xi32, #tpu.memory_space<vmem>>
      %dma_start3A_261 = arith.constant 0 : i32
      %dma_start3A_262 = arith.constant 0 : i32
      %dma_start3A_263 = tpu.memref_slice %arg6[%dma_start3A_261, %dma_start3A_262] : memref<10240x32xf32, #tpu.memory_space<vmem_shared>> -> memref<10240x32xf32, #tpu.memory_space<vmem_shared>>
      tpu.enqueue_indirect_dma source(%arg11 : memref<80x32xf32, #tpu.memory_space<vmem>>) target(%dma_start3A_263 : memref<10240x32xf32, #tpu.memory_space<vmem_shared>>) offsets(%dma_start3A_260 : memref<80xi32, #tpu.memory_space<vmem>>) semaphore(%arg19 : memref<!tpu.dma_semaphore, #tpu.memory_space<semaphore_mem>>) {add = true}
      %add3A_264 = arith.constant 2 : i32
      %add3A_265 = arith.addi %add3A_243, %add3A_264 : i32
      %dma_start3A_266 = arith.constant 0 : i32
      %dma_start3A_267 = tpu.memref_slice %arg8[%add3A_265, %dma_start3A_266] : memref<250x80xi32, #tpu.memory_space<vmem>> -> memref<1x80xi32, #tpu.memory_space<vmem>>
      %dma_start3A_268 = tpu.memref_squeeze %dma_start3A_267 : memref<1x80xi32, #tpu.memory_space<vmem>> -> memref<80xi32, #tpu.memory_space<vmem>>
      %dma_start3A_269 = arith.constant 0 : i32
      %dma_start3A_270 = arith.constant 0 : i32
      %dma_start3A_271 = tpu.memref_slice %arg2[%dma_start3A_269, %dma_start3A_270] : memref<20000x32xf32, #tpu.memory_space<hbm>> -> memref<20000x32xf32, #tpu.memory_space<hbm>>
      tpu.enqueue_indirect_dma source(%dma_start3A_271 : memref<20000x32xf32, #tpu.memory_space<hbm>>) target(%arg13 : memref<80x32xf32, #tpu.memory_space<vmem>>) offsets(%dma_start3A_268 : memref<80xi32, #tpu.memory_space<vmem>>) semaphore(%arg17 : memref<!tpu.dma_semaphore, #tpu.memory_space<semaphore_mem>>)
      %add3A_272 = arith.constant 2 : i32
      %add3A_273 = arith.addi %mul3A_212, %add3A_272 : i32
      %dma_wait3A_274 = arith.constant 0 : i32
      %dma_wait3A_275 = tpu.memref_slice %arg8[%add3A_273, %dma_wait3A_274] : memref<250x80xi32, #tpu.memory_space<vmem>> -> memref<1x80xi32, #tpu.memory_space<vmem>>
      %dma_wait3A_276 = tpu.memref_squeeze %dma_wait3A_275 : memref<1x80xi32, #tpu.memory_space<vmem>> -> memref<80xi32, #tpu.memory_space<vmem>>
      %dma_wait3A_277 = arith.constant 0 : i32
      %dma_wait3A_278 = arith.constant 0 : i32
      %dma_wait3A_279 = tpu.memref_slice %arg2[%dma_wait3A_277, %dma_wait3A_278] : memref<20000x32xf32, #tpu.memory_space<hbm>> -> memref<20000x32xf32, #tpu.memory_space<hbm>>
      tpu.wait_indirect_dma semaphore(%arg16 : memref<!tpu.dma_semaphore, #tpu.memory_space<semaphore_mem>>) src(%dma_wait3A_279 : memref<20000x32xf32, #tpu.memory_space<hbm>>) dst(%arg12 : memref<80x32xf32, #tpu.memory_space<vmem>>)
      %sub3A_280 = arith.constant 1 : i32
      %sub3A_281 = arith.subi %add3A_273, %sub3A_280 : i32
      %dma_wait3A_282 = arith.constant 0 : i32
      %dma_wait3A_283 = tpu.memref_slice %arg9[%sub3A_281, %dma_wait3A_282] : memref<250x80xi32, #tpu.memory_space<vmem>> -> memref<1x80xi32, #tpu.memory_space<vmem>>
      %dma_wait3A_284 = tpu.memref_squeeze %dma_wait3A_283 : memref<1x80xi32, #tpu.memory_space<vmem>> -> memref<80xi32, #tpu.memory_space<vmem>>
      %dma_wait3A_285 = arith.constant 0 : i32
      %dma_wait3A_286 = arith.constant 0 : i32
      %dma_wait3A_287 = tpu.memref_slice %arg6[%dma_wait3A_285, %dma_wait3A_286] : memref<10240x32xf32, #tpu.memory_space<vmem_shared>> -> memref<10240x32xf32, #tpu.memory_space<vmem_shared>>
      tpu.wait_indirect_dma semaphore(%arg19 : memref<!tpu.dma_semaphore, #tpu.memory_space<semaphore_mem>>) src(%arg11 : memref<80x32xf32, #tpu.memory_space<vmem>>) dst(%dma_wait3A_287 : memref<10240x32xf32, #tpu.memory_space<vmem_shared>>)
      %dma_start3A_288 = arith.constant 0 : i32
      %dma_start3A_289 = tpu.memref_slice %arg9[%add3A_273, %dma_start3A_288] : memref<250x80xi32, #tpu.memory_space<vmem>> -> memref<1x80xi32, #tpu.memory_space<vmem>>
      %dma_start3A_290 = tpu.memref_squeeze %dma_start3A_289 : memref<1x80xi32, #tpu.memory_space<vmem>> -> memref<80xi32, #tpu.memory_space<vmem>>
      %dma_start3A_291 = arith.constant 0 : i32
      %dma_start3A_292 = arith.constant 0 : i32
      %dma_start3A_293 = tpu.memref_slice %arg6[%dma_start3A_291, %dma_start3A_292] : memref<10240x32xf32, #tpu.memory_space<vmem_shared>> -> memref<10240x32xf32, #tpu.memory_space<vmem_shared>>
      tpu.enqueue_indirect_dma source(%arg12 : memref<80x32xf32, #tpu.memory_space<vmem>>) target(%dma_start3A_293 : memref<10240x32xf32, #tpu.memory_space<vmem_shared>>) offsets(%dma_start3A_290 : memref<80xi32, #tpu.memory_space<vmem>>) semaphore(%arg20 : memref<!tpu.dma_semaphore, #tpu.memory_space<semaphore_mem>>) {add = true}
      %add3A_294 = arith.constant 2 : i32
      %add3A_295 = arith.addi %add3A_273, %add3A_294 : i32
      %dma_start3A_296 = arith.constant 0 : i32
      %dma_start3A_297 = tpu.memref_slice %arg8[%add3A_295, %dma_start3A_296] : memref<250x80xi32, #tpu.memory_space<vmem>> -> memref<1x80xi32, #tpu.memory_space<vmem>>
      %dma_start3A_298 = tpu.memref_squeeze %dma_start3A_297 : memref<1x80xi32, #tpu.memory_space<vmem>> -> memref<80xi32, #tpu.memory_space<vmem>>
      %dma_start3A_299 = arith.constant 0 : i32
      %dma_start3A_300 = arith.constant 0 : i32
      %dma_start3A_301 = tpu.memref_slice %arg2[%dma_start3A_299, %dma_start3A_300] : memref<20000x32xf32, #tpu.memory_space<hbm>> -> memref<20000x32xf32, #tpu.memory_space<hbm>>
      tpu.enqueue_indirect_dma source(%dma_start3A_301 : memref<20000x32xf32, #tpu.memory_space<hbm>>) target(%arg10 : memref<80x32xf32, #tpu.memory_space<vmem>>) offsets(%dma_start3A_298 : memref<80xi32, #tpu.memory_space<vmem>>) semaphore(%arg14 : memref<!tpu.dma_semaphore, #tpu.memory_space<semaphore_mem>>)
      %add3A_302 = arith.constant 3 : i32
      %add3A_303 = arith.addi %mul3A_212, %add3A_302 : i32
      %dma_wait3A_304 = arith.constant 0 : i32
      %dma_wait3A_305 = tpu.memref_slice %arg8[%add3A_303, %dma_wait3A_304] : memref<250x80xi32, #tpu.memory_space<vmem>> -> memref<1x80xi32, #tpu.memory_space<vmem>>
      %dma_wait3A_306 = tpu.memref_squeeze %dma_wait3A_305 : memref<1x80xi32, #tpu.memory_space<vmem>> -> memref<80xi32, #tpu.memory_space<vmem>>
      %dma_wait3A_307 = arith.constant 0 : i32
      %dma_wait3A_308 = arith.constant 0 : i32
      %dma_wait3A_309 = tpu.memref_slice %arg2[%dma_wait3A_307, %dma_wait3A_308] : memref<20000x32xf32, #tpu.memory_space<hbm>> -> memref<20000x32xf32, #tpu.memory_space<hbm>>
      tpu.wait_indirect_dma semaphore(%arg17 : memref<!tpu.dma_semaphore, #tpu.memory_space<semaphore_mem>>) src(%dma_wait3A_309 : memref<20000x32xf32, #tpu.memory_space<hbm>>) dst(%arg13 : memref<80x32xf32, #tpu.memory_space<vmem>>)
      %sub3A_310 = arith.constant 1 : i32
      %sub3A_311 = arith.subi %add3A_303, %sub3A_310 : i32
      %dma_wait3A_312 = arith.constant 0 : i32
      %dma_wait3A_313 = tpu.memref_slice %arg9[%sub3A_311, %dma_wait3A_312] : memref<250x80xi32, #tpu.memory_space<vmem>> -> memref<1x80xi32, #tpu.memory_space<vmem>>
      %dma_wait3A_314 = tpu.memref_squeeze %dma_wait3A_313 : memref<1x80xi32, #tpu.memory_space<vmem>> -> memref<80xi32, #tpu.memory_space<vmem>>
      %dma_wait3A_315 = arith.constant 0 : i32
      %dma_wait3A_316 = arith.constant 0 : i32
      %dma_wait3A_317 = tpu.memref_slice %arg6[%dma_wait3A_315, %dma_wait3A_316] : memref<10240x32xf32, #tpu.memory_space<vmem_shared>> -> memref<10240x32xf32, #tpu.memory_space<vmem_shared>>
      tpu.wait_indirect_dma semaphore(%arg20 : memref<!tpu.dma_semaphore, #tpu.memory_space<semaphore_mem>>) src(%arg12 : memref<80x32xf32, #tpu.memory_space<vmem>>) dst(%dma_wait3A_317 : memref<10240x32xf32, #tpu.memory_space<vmem_shared>>)
      %dma_start3A_318 = arith.constant 0 : i32
      %dma_start3A_319 = tpu.memref_slice %arg9[%add3A_303, %dma_start3A_318] : memref<250x80xi32, #tpu.memory_space<vmem>> -> memref<1x80xi32, #tpu.memory_space<vmem>>
      %dma_start3A_320 = tpu.memref_squeeze %dma_start3A_319 : memref<1x80xi32, #tpu.memory_space<vmem>> -> memref<80xi32, #tpu.memory_space<vmem>>
      %dma_start3A_321 = arith.constant 0 : i32
      %dma_start3A_322 = arith.constant 0 : i32
      %dma_start3A_323 = tpu.memref_slice %arg6[%dma_start3A_321, %dma_start3A_322] : memref<10240x32xf32, #tpu.memory_space<vmem_shared>> -> memref<10240x32xf32, #tpu.memory_space<vmem_shared>>
      tpu.enqueue_indirect_dma source(%arg13 : memref<80x32xf32, #tpu.memory_space<vmem>>) target(%dma_start3A_323 : memref<10240x32xf32, #tpu.memory_space<vmem_shared>>) offsets(%dma_start3A_320 : memref<80xi32, #tpu.memory_space<vmem>>) semaphore(%arg21 : memref<!tpu.dma_semaphore, #tpu.memory_space<semaphore_mem>>) {add = true}
      %add3A_324 = arith.constant 2 : i32
      %add3A_325 = arith.addi %add3A_303, %add3A_324 : i32
      %dma_start3A_326 = arith.constant 0 : i32
      %dma_start3A_327 = tpu.memref_slice %arg8[%add3A_325, %dma_start3A_326] : memref<250x80xi32, #tpu.memory_space<vmem>> -> memref<1x80xi32, #tpu.memory_space<vmem>>
      %dma_start3A_328 = tpu.memref_squeeze %dma_start3A_327 : memref<1x80xi32, #tpu.memory_space<vmem>> -> memref<80xi32, #tpu.memory_space<vmem>>
      %dma_start3A_329 = arith.constant 0 : i32
      %dma_start3A_330 = arith.constant 0 : i32
      %dma_start3A_331 = tpu.memref_slice %arg2[%dma_start3A_329, %dma_start3A_330] : memref<20000x32xf32, #tpu.memory_space<hbm>> -> memref<20000x32xf32, #tpu.memory_space<hbm>>
      tpu.enqueue_indirect_dma source(%dma_start3A_331 : memref<20000x32xf32, #tpu.memory_space<hbm>>) target(%arg11 : memref<80x32xf32, #tpu.memory_space<vmem>>) offsets(%dma_start3A_328 : memref<80xi32, #tpu.memory_space<vmem>>) semaphore(%arg15 : memref<!tpu.dma_semaphore, #tpu.memory_space<semaphore_mem>>)
    }
    %scan3A_155 = arith.constant 61 : i32
    %dma_wait3A_156 = arith.constant 248 : i32
    %dma_wait3A_157 = arith.constant 0 : i32
    %dma_wait3A_158 = tpu.memref_slice %arg8[%dma_wait3A_156, %dma_wait3A_157] : memref<250x80xi32, #tpu.memory_space<vmem>> -> memref<1x80xi32, #tpu.memory_space<vmem>>
    %dma_wait3A_159 = tpu.memref_squeeze %dma_wait3A_158 : memref<1x80xi32, #tpu.memory_space<vmem>> -> memref<80xi32, #tpu.memory_space<vmem>>
    %dma_wait3A_160 = arith.constant 0 : i32
    %dma_wait3A_161 = arith.constant 0 : i32
    %dma_wait3A_162 = tpu.memref_slice %arg2[%dma_wait3A_160, %dma_wait3A_161] : memref<20000x32xf32, #tpu.memory_space<hbm>> -> memref<20000x32xf32, #tpu.memory_space<hbm>>
    tpu.wait_indirect_dma semaphore(%arg14 : memref<!tpu.dma_semaphore, #tpu.memory_space<semaphore_mem>>) src(%dma_wait3A_162 : memref<20000x32xf32, #tpu.memory_space<hbm>>) dst(%arg10 : memref<80x32xf32, #tpu.memory_space<vmem>>)
    %dma_wait3A_163 = arith.constant 247 : i32
    %dma_wait3A_164 = arith.constant 0 : i32
    %dma_wait3A_165 = tpu.memref_slice %arg9[%dma_wait3A_163, %dma_wait3A_164] : memref<250x80xi32, #tpu.memory_space<vmem>> -> memref<1x80xi32, #tpu.memory_space<vmem>>
    %dma_wait3A_166 = tpu.memref_squeeze %dma_wait3A_165 : memref<1x80xi32, #tpu.memory_space<vmem>> -> memref<80xi32, #tpu.memory_space<vmem>>
    %dma_wait3A_167 = arith.constant 0 : i32
    %dma_wait3A_168 = arith.constant 0 : i32
    %dma_wait3A_169 = tpu.memref_slice %arg6[%dma_wait3A_167, %dma_wait3A_168] : memref<10240x32xf32, #tpu.memory_space<vmem_shared>> -> memref<10240x32xf32, #tpu.memory_space<vmem_shared>>
    tpu.wait_indirect_dma semaphore(%arg21 : memref<!tpu.dma_semaphore, #tpu.memory_space<semaphore_mem>>) src(%arg13 : memref<80x32xf32, #tpu.memory_space<vmem>>) dst(%dma_wait3A_169 : memref<10240x32xf32, #tpu.memory_space<vmem_shared>>)
    %dma_start3A_170 = arith.constant 248 : i32
    %dma_start3A_171 = arith.constant 0 : i32
    %dma_start3A_172 = tpu.memref_slice %arg9[%dma_start3A_170, %dma_start3A_171] : memref<250x80xi32, #tpu.memory_space<vmem>> -> memref<1x80xi32, #tpu.memory_space<vmem>>
    %dma_start3A_173 = tpu.memref_squeeze %dma_start3A_172 : memref<1x80xi32, #tpu.memory_space<vmem>> -> memref<80xi32, #tpu.memory_space<vmem>>
    %dma_start3A_174 = arith.constant 0 : i32
    %dma_start3A_175 = arith.constant 0 : i32
    %dma_start3A_176 = tpu.memref_slice %arg6[%dma_start3A_174, %dma_start3A_175] : memref<10240x32xf32, #tpu.memory_space<vmem_shared>> -> memref<10240x32xf32, #tpu.memory_space<vmem_shared>>
    tpu.enqueue_indirect_dma source(%arg10 : memref<80x32xf32, #tpu.memory_space<vmem>>) target(%dma_start3A_176 : memref<10240x32xf32, #tpu.memory_space<vmem_shared>>) offsets(%dma_start3A_173 : memref<80xi32, #tpu.memory_space<vmem>>) semaphore(%arg18 : memref<!tpu.dma_semaphore, #tpu.memory_space<semaphore_mem>>) {add = true}
    %dma_wait3A_177 = arith.constant 249 : i32
    %dma_wait3A_178 = arith.constant 0 : i32
    %dma_wait3A_179 = tpu.memref_slice %arg8[%dma_wait3A_177, %dma_wait3A_178] : memref<250x80xi32, #tpu.memory_space<vmem>> -> memref<1x80xi32, #tpu.memory_space<vmem>>
    %dma_wait3A_180 = tpu.memref_squeeze %dma_wait3A_179 : memref<1x80xi32, #tpu.memory_space<vmem>> -> memref<80xi32, #tpu.memory_space<vmem>>
    %dma_wait3A_181 = arith.constant 0 : i32
    %dma_wait3A_182 = arith.constant 0 : i32
    %dma_wait3A_183 = tpu.memref_slice %arg2[%dma_wait3A_181, %dma_wait3A_182] : memref<20000x32xf32, #tpu.memory_space<hbm>> -> memref<20000x32xf32, #tpu.memory_space<hbm>>
    tpu.wait_indirect_dma semaphore(%arg15 : memref<!tpu.dma_semaphore, #tpu.memory_space<semaphore_mem>>) src(%dma_wait3A_183 : memref<20000x32xf32, #tpu.memory_space<hbm>>) dst(%arg11 : memref<80x32xf32, #tpu.memory_space<vmem>>)
    %dma_wait3A_184 = arith.constant 248 : i32
    %dma_wait3A_185 = arith.constant 0 : i32
    %dma_wait3A_186 = tpu.memref_slice %arg9[%dma_wait3A_184, %dma_wait3A_185] : memref<250x80xi32, #tpu.memory_space<vmem>> -> memref<1x80xi32, #tpu.memory_space<vmem>>
    %dma_wait3A_187 = tpu.memref_squeeze %dma_wait3A_186 : memref<1x80xi32, #tpu.memory_space<vmem>> -> memref<80xi32, #tpu.memory_space<vmem>>
    %dma_wait3A_188 = arith.constant 0 : i32
    %dma_wait3A_189 = arith.constant 0 : i32
    %dma_wait3A_190 = tpu.memref_slice %arg6[%dma_wait3A_188, %dma_wait3A_189] : memref<10240x32xf32, #tpu.memory_space<vmem_shared>> -> memref<10240x32xf32, #tpu.memory_space<vmem_shared>>
    tpu.wait_indirect_dma semaphore(%arg18 : memref<!tpu.dma_semaphore, #tpu.memory_space<semaphore_mem>>) src(%arg10 : memref<80x32xf32, #tpu.memory_space<vmem>>) dst(%dma_wait3A_190 : memref<10240x32xf32, #tpu.memory_space<vmem_shared>>)
    %dma_start3A_191 = arith.constant 249 : i32
    %dma_start3A_192 = arith.constant 0 : i32
    %dma_start3A_193 = tpu.memref_slice %arg9[%dma_start3A_191, %dma_start3A_192] : memref<250x80xi32, #tpu.memory_space<vmem>> -> memref<1x80xi32, #tpu.memory_space<vmem>>
    %dma_start3A_194 = tpu.memref_squeeze %dma_start3A_193 : memref<1x80xi32, #tpu.memory_space<vmem>> -> memref<80xi32, #tpu.memory_space<vmem>>
    %dma_start3A_195 = arith.constant 0 : i32
    %dma_start3A_196 = arith.constant 0 : i32
    %dma_start3A_197 = tpu.memref_slice %arg6[%dma_start3A_195, %dma_start3A_196] : memref<10240x32xf32, #tpu.memory_space<vmem_shared>> -> memref<10240x32xf32, #tpu.memory_space<vmem_shared>>
    tpu.enqueue_indirect_dma source(%arg11 : memref<80x32xf32, #tpu.memory_space<vmem>>) target(%dma_start3A_197 : memref<10240x32xf32, #tpu.memory_space<vmem_shared>>) offsets(%dma_start3A_194 : memref<80xi32, #tpu.memory_space<vmem>>) semaphore(%arg19 : memref<!tpu.dma_semaphore, #tpu.memory_space<semaphore_mem>>) {add = true}
    %dma_wait3A_198 = arith.constant 249 : i32
    %dma_wait3A_199 = arith.constant 0 : i32
    %dma_wait3A_200 = tpu.memref_slice %arg9[%dma_wait3A_198, %dma_wait3A_199] : memref<250x80xi32, #tpu.memory_space<vmem>> -> memref<1x80xi32, #tpu.memory_space<vmem>>
    %dma_wait3A_201 = tpu.memref_squeeze %dma_wait3A_200 : memref<1x80xi32, #tpu.memory_space<vmem>> -> memref<80xi32, #tpu.memory_space<vmem>>
    %dma_wait3A_202 = arith.constant 0 : i32
    %dma_wait3A_203 = arith.constant 0 : i32
    %dma_wait3A_204 = tpu.memref_slice %arg6[%dma_wait3A_202, %dma_wait3A_203] : memref<10240x32xf32, #tpu.memory_space<vmem_shared>> -> memref<10240x32xf32, #tpu.memory_space<vmem_shared>>
    tpu.wait_indirect_dma semaphore(%arg19 : memref<!tpu.dma_semaphore, #tpu.memory_space<semaphore_mem>>) src(%arg11 : memref<80x32xf32, #tpu.memory_space<vmem>>) dst(%dma_wait3A_204 : memref<10240x32xf32, #tpu.memory_space<vmem_shared>>)
    %barrier3A_205 = arith.constant 0 : index
    tpu.barrier barrier_id(%barrier3A_205)
    %mul3A_206 = arith.constant 640 : i32
    %mul3A_207 = arith.muli %arg1, %mul3A_206 : i32
    %mul3A_208 = arith.constant 640 : i32
    %mul3A_209 = arith.muli %arg1, %mul3A_208 : i32
    %run_scoped3A = arith.constant 0 : i32
    "tpu.region"() ({
      %run_scoped3A_210 = tpu.sem_alloc : memref<!tpu.dma_semaphore, #tpu.memory_space<semaphore_mem>>
      %dma_start3A_211 = arith.constant 0 : i32
      %dma_start3A_212 = tpu.memref_slice %arg5[%arg0, %run_scoped3A, %mul3A_209, %dma_start3A_211] : memref<2x1x10240x32xf32, #tpu.memory_space<hbm>> -> memref<1x1x640x32xf32, #tpu.memory_space<hbm>>
      %dma_start3A_213 = tpu.memref_squeeze %dma_start3A_212 : memref<1x1x640x32xf32, #tpu.memory_space<hbm>> -> memref<640x32xf32, #tpu.memory_space<hbm>>
      %dma_start3A_214 = arith.constant 0 : i32
      %dma_start3A_215 = tpu.memref_slice %arg6[%mul3A_207, %dma_start3A_214] : memref<10240x32xf32, #tpu.memory_space<vmem_shared>> -> memref<640x32xf32, #tpu.memory_space<vmem_shared>>
      tpu.enqueue_dma source(%dma_start3A_215 : memref<640x32xf32, #tpu.memory_space<vmem_shared>>) target(%dma_start3A_213 : memref<640x32xf32, #tpu.memory_space<hbm>>) target_semaphore(%run_scoped3A_210 : memref<!tpu.dma_semaphore, #tpu.memory_space<semaphore_mem>>)
      %dma_wait3A_216 = arith.constant 0 : i32
      %dma_wait3A_217 = tpu.memref_slice %arg5[%arg0, %run_scoped3A, %mul3A_209, %dma_wait3A_216] : memref<2x1x10240x32xf32, #tpu.memory_space<hbm>> -> memref<1x1x640x32xf32, #tpu.memory_space<hbm>>
      %dma_wait3A_218 = tpu.memref_squeeze %dma_wait3A_217 : memref<1x1x640x32xf32, #tpu.memory_space<hbm>> -> memref<640x32xf32, #tpu.memory_space<hbm>>
      %dma_wait3A_219 = arith.constant 0 : i32
      %dma_wait3A_220 = tpu.memref_slice %arg6[%mul3A_207, %dma_wait3A_219] : memref<10240x32xf32, #tpu.memory_space<vmem_shared>> -> memref<640x32xf32, #tpu.memory_space<vmem_shared>>
      tpu.wait_dma2 semaphore(%run_scoped3A_210 : memref<!tpu.dma_semaphore, #tpu.memory_space<semaphore_mem>>) src(%dma_wait3A_220 : memref<640x32xf32, #tpu.memory_space<vmem_shared>>) dst(%dma_wait3A_218 : memref<640x32xf32, #tpu.memory_space<hbm>>)
      tpu.yield
    }) : () -> ()
    return
  }
}

#map = affine_map<(d0, d1) -> (0, 0)>
#map1 = affine_map<(d0, d1) -> (0, 0, 0)>
#map2 = affine_map<(d0, d1) -> (0, 0, 0, 0)>
module attributes {stable_mosaic.version = 14 : i64} {
  func.func @aggk(%arg0: i32, %arg1: i32, %arg2: memref<20000x64xf32, #tpu.memory_space<hbm>>, %arg3: memref<16x250x80xi32, #tpu.memory_space<hbm>>, %arg4: memref<16x250x80xi32, #tpu.memory_space<hbm>>, %arg5: memref<2x1x10240x64xf32, #tpu.memory_space<hbm>>, %arg6: memref<10240x64xf32, #tpu.memory_space<vmem_shared>>, %arg7: memref<128x64xf32, #tpu.memory_space<vmem>>, %arg8: memref<250x80xi32, #tpu.memory_space<vmem>>, %arg9: memref<250x80xi32, #tpu.memory_space<vmem>>, %arg10: memref<80x64xf32, #tpu.memory_space<vmem>>, %arg11: memref<80x64xf32, #tpu.memory_space<vmem>>, %arg12: memref<80x64xf32, #tpu.memory_space<vmem>>, %arg13: memref<80x64xf32, #tpu.memory_space<vmem>>, %arg14: memref<!tpu.dma_semaphore, #tpu.memory_space<semaphore_mem>>, %arg15: memref<!tpu.dma_semaphore, #tpu.memory_space<semaphore_mem>>, %arg16: memref<!tpu.dma_semaphore, #tpu.memory_space<semaphore_mem>>, %arg17: memref<!tpu.dma_semaphore, #tpu.memory_space<semaphore_mem>>, %arg18: memref<!tpu.dma_semaphore, #tpu.memory_space<semaphore_mem>>, %arg19: memref<!tpu.dma_semaphore, #tpu.memory_space<semaphore_mem>>, %arg20: memref<!tpu.dma_semaphore, #tpu.memory_space<semaphore_mem>>, %arg21: memref<!tpu.dma_semaphore, #tpu.memory_space<semaphore_mem>>) attributes {dimension_semantics = [#tpu.dimension_semantics<core_parallel>, #tpu.dimension_semantics<subcore_parallel>], iteration_bounds = array<i64: 2, 16>, scalar_prefetch = 0 : i64, scratch_operands = 16 : i64, tpu.core_type = #tpu.core_type<sc_vector_subcore>, window_params = [{transform_indices = #map}, {transform_indices = #map1}, {transform_indices = #map1}, {transform_indices = #map2}]} {
    %mul3A = arith.constant 10000 : i32
    %mul3A_0 = arith.muli %arg0, %mul3A : i32
    %broadcast_in_dim3A = vector.broadcast %mul3A_0 : i32 to vector<16xi32>
    %broadcast_in_dim3A_1 = arith.constant 0.000000e+00 : f32
    %broadcast_in_dim3A_2 = vector.broadcast %broadcast_in_dim3A_1 : f32 to vector<16xf32>
    %scan3A = arith.constant 0 : i32
    %scan3A_3 = arith.constant 0 : i32
    %scan3A_4 = arith.constant 128 : i32
    %scan3A_5 = arith.addi %scan3A_3, %scan3A_4 : i32
    %scan3A_6 = arith.constant 1 : i32
    scf.for %scan3A_210 = %scan3A_3 to %scan3A_5 step %scan3A_6  : i32 {
      %swap3A = arith.index_cast %scan3A_210 : i32 to index
      %swap3A_211 = arith.constant 0 : index
      %swap3A_212 = tpu.vector_load %arg7[%swap3A, %swap3A_211] {strides = array<i32>} : memref<128x64xf32, #tpu.memory_space<vmem>>, vector<1x16xf32>,
      %swap3A_213 = vector.shape_cast %swap3A_212 : vector<1x16xf32> to vector<16xf32>
      %swap3A_214 = vector.shape_cast %broadcast_in_dim3A_2 : vector<16xf32> to vector<1x16xf32>
      tpu.vector_store %arg7[%swap3A, %swap3A_211], %swap3A_214 {strides = array<i32>} : memref<128x64xf32, #tpu.memory_space<vmem>>, vector<1x16xf32>,
      %swap3A_215 = arith.index_cast %scan3A_210 : i32 to index
      %swap3A_216 = arith.constant 16 : index
      %swap3A_217 = tpu.vector_load %arg7[%swap3A_215, %swap3A_216] {strides = array<i32>} : memref<128x64xf32, #tpu.memory_space<vmem>>, vector<1x16xf32>,
      %swap3A_218 = vector.shape_cast %swap3A_217 : vector<1x16xf32> to vector<16xf32>
      %swap3A_219 = vector.shape_cast %broadcast_in_dim3A_2 : vector<16xf32> to vector<1x16xf32>
      tpu.vector_store %arg7[%swap3A_215, %swap3A_216], %swap3A_219 {strides = array<i32>} : memref<128x64xf32, #tpu.memory_space<vmem>>, vector<1x16xf32>,
      %swap3A_220 = arith.index_cast %scan3A_210 : i32 to index
      %swap3A_221 = arith.constant 32 : index
      %swap3A_222 = tpu.vector_load %arg7[%swap3A_220, %swap3A_221] {strides = array<i32>} : memref<128x64xf32, #tpu.memory_space<vmem>>, vector<1x16xf32>,
      %swap3A_223 = vector.shape_cast %swap3A_222 : vector<1x16xf32> to vector<16xf32>
      %swap3A_224 = vector.shape_cast %broadcast_in_dim3A_2 : vector<16xf32> to vector<1x16xf32>
      tpu.vector_store %arg7[%swap3A_220, %swap3A_221], %swap3A_224 {strides = array<i32>} : memref<128x64xf32, #tpu.memory_space<vmem>>, vector<1x16xf32>,
      %swap3A_225 = arith.index_cast %scan3A_210 : i32 to index
      %swap3A_226 = arith.constant 48 : index
      %swap3A_227 = tpu.vector_load %arg7[%swap3A_225, %swap3A_226] {strides = array<i32>} : memref<128x64xf32, #tpu.memory_space<vmem>>, vector<1x16xf32>,
      %swap3A_228 = vector.shape_cast %swap3A_227 : vector<1x16xf32> to vector<16xf32>
      %swap3A_229 = vector.shape_cast %broadcast_in_dim3A_2 : vector<16xf32> to vector<1x16xf32>
      tpu.vector_store %arg7[%swap3A_225, %swap3A_226], %swap3A_229 {strides = array<i32>} : memref<128x64xf32, #tpu.memory_space<vmem>>, vector<1x16xf32>,
    }
    %scan3A_7 = arith.constant 128 : i32
    %mul3A_8 = arith.constant 640 : i32
    %mul3A_9 = arith.muli %arg1, %mul3A_8 : i32
    %add3A = arith.constant 0 : i32
    %add3A_10 = arith.addi %mul3A_9, %add3A : i32
    "tpu.region"() ({
      %run_scoped3A_210 = tpu.sem_alloc : memref<!tpu.dma_semaphore, #tpu.memory_space<semaphore_mem>>
      %dma_start3A_211 = arith.constant 0 : i32
      %dma_start3A_212 = tpu.memref_slice %arg6[%add3A_10, %dma_start3A_211] : memref<10240x64xf32, #tpu.memory_space<vmem_shared>> -> memref<128x64xf32, #tpu.memory_space<vmem_shared>>
      %dma_start3A_213 = arith.constant 0 : i32
      %dma_start3A_214 = tpu.memref_slice %arg6[%add3A_10, %dma_start3A_213] : memref<10240x64xf32, #tpu.memory_space<vmem_shared>> -> memref<128x64xf32, #tpu.memory_space<vmem_shared>>
      tpu.enqueue_dma source(%arg7 : memref<128x64xf32, #tpu.memory_space<vmem>>) target(%dma_start3A_214 : memref<128x64xf32, #tpu.memory_space<vmem_shared>>) target_semaphore(%run_scoped3A_210 : memref<!tpu.dma_semaphore, #tpu.memory_space<semaphore_mem>>)
      %dma_wait3A_215 = arith.constant 0 : i32
      %dma_wait3A_216 = tpu.memref_slice %arg6[%add3A_10, %dma_wait3A_215] : memref<10240x64xf32, #tpu.memory_space<vmem_shared>> -> memref<128x64xf32, #tpu.memory_space<vmem_shared>>
      %dma_wait3A_217 = arith.constant 0 : i32
      %dma_wait3A_218 = tpu.memref_slice %arg6[%add3A_10, %dma_wait3A_217] : memref<10240x64xf32, #tpu.memory_space<vmem_shared>> -> memref<128x64xf32, #tpu.memory_space<vmem_shared>>
      tpu.wait_dma2 semaphore(%run_scoped3A_210 : memref<!tpu.dma_semaphore, #tpu.memory_space<semaphore_mem>>) src(%arg7 : memref<128x64xf32, #tpu.memory_space<vmem>>) dst(%dma_wait3A_218 : memref<128x64xf32, #tpu.memory_space<vmem_shared>>)
      tpu.yield
    }) : () -> ()
    %mul3A_11 = arith.constant 640 : i32
    %mul3A_12 = arith.muli %arg1, %mul3A_11 : i32
    %add3A_13 = arith.constant 128 : i32
    %add3A_14 = arith.addi %mul3A_12, %add3A_13 : i32
    "tpu.region"() ({
      %run_scoped3A_210 = tpu.sem_alloc : memref<!tpu.dma_semaphore, #tpu.memory_space<semaphore_mem>>
      %dma_start3A_211 = arith.constant 0 : i32
      %dma_start3A_212 = tpu.memref_slice %arg6[%add3A_14, %dma_start3A_211] : memref<10240x64xf32, #tpu.memory_space<vmem_shared>> -> memref<128x64xf32, #tpu.memory_space<vmem_shared>>
      %dma_start3A_213 = arith.constant 0 : i32
      %dma_start3A_214 = tpu.memref_slice %arg6[%add3A_14, %dma_start3A_213] : memref<10240x64xf32, #tpu.memory_space<vmem_shared>> -> memref<128x64xf32, #tpu.memory_space<vmem_shared>>
      tpu.enqueue_dma source(%arg7 : memref<128x64xf32, #tpu.memory_space<vmem>>) target(%dma_start3A_214 : memref<128x64xf32, #tpu.memory_space<vmem_shared>>) target_semaphore(%run_scoped3A_210 : memref<!tpu.dma_semaphore, #tpu.memory_space<semaphore_mem>>)
      %dma_wait3A_215 = arith.constant 0 : i32
      %dma_wait3A_216 = tpu.memref_slice %arg6[%add3A_14, %dma_wait3A_215] : memref<10240x64xf32, #tpu.memory_space<vmem_shared>> -> memref<128x64xf32, #tpu.memory_space<vmem_shared>>
      %dma_wait3A_217 = arith.constant 0 : i32
      %dma_wait3A_218 = tpu.memref_slice %arg6[%add3A_14, %dma_wait3A_217] : memref<10240x64xf32, #tpu.memory_space<vmem_shared>> -> memref<128x64xf32, #tpu.memory_space<vmem_shared>>
      tpu.wait_dma2 semaphore(%run_scoped3A_210 : memref<!tpu.dma_semaphore, #tpu.memory_space<semaphore_mem>>) src(%arg7 : memref<128x64xf32, #tpu.memory_space<vmem>>) dst(%dma_wait3A_218 : memref<128x64xf32, #tpu.memory_space<vmem_shared>>)
      tpu.yield
    }) : () -> ()
    %mul3A_15 = arith.constant 640 : i32
    %mul3A_16 = arith.muli %arg1, %mul3A_15 : i32
    %add3A_17 = arith.constant 256 : i32
    %add3A_18 = arith.addi %mul3A_16, %add3A_17 : i32
    "tpu.region"() ({
      %run_scoped3A_210 = tpu.sem_alloc : memref<!tpu.dma_semaphore, #tpu.memory_space<semaphore_mem>>
      %dma_start3A_211 = arith.constant 0 : i32
      %dma_start3A_212 = tpu.memref_slice %arg6[%add3A_18, %dma_start3A_211] : memref<10240x64xf32, #tpu.memory_space<vmem_shared>> -> memref<128x64xf32, #tpu.memory_space<vmem_shared>>
      %dma_start3A_213 = arith.constant 0 : i32
      %dma_start3A_214 = tpu.memref_slice %arg6[%add3A_18, %dma_start3A_213] : memref<10240x64xf32, #tpu.memory_space<vmem_shared>> -> memref<128x64xf32, #tpu.memory_space<vmem_shared>>
      tpu.enqueue_dma source(%arg7 : memref<128x64xf32, #tpu.memory_space<vmem>>) target(%dma_start3A_214 : memref<128x64xf32, #tpu.memory_space<vmem_shared>>) target_semaphore(%run_scoped3A_210 : memref<!tpu.dma_semaphore, #tpu.memory_space<semaphore_mem>>)
      %dma_wait3A_215 = arith.constant 0 : i32
      %dma_wait3A_216 = tpu.memref_slice %arg6[%add3A_18, %dma_wait3A_215] : memref<10240x64xf32, #tpu.memory_space<vmem_shared>> -> memref<128x64xf32, #tpu.memory_space<vmem_shared>>
      %dma_wait3A_217 = arith.constant 0 : i32
      %dma_wait3A_218 = tpu.memref_slice %arg6[%add3A_18, %dma_wait3A_217] : memref<10240x64xf32, #tpu.memory_space<vmem_shared>> -> memref<128x64xf32, #tpu.memory_space<vmem_shared>>
      tpu.wait_dma2 semaphore(%run_scoped3A_210 : memref<!tpu.dma_semaphore, #tpu.memory_space<semaphore_mem>>) src(%arg7 : memref<128x64xf32, #tpu.memory_space<vmem>>) dst(%dma_wait3A_218 : memref<128x64xf32, #tpu.memory_space<vmem_shared>>)
      tpu.yield
    }) : () -> ()
    %mul3A_19 = arith.constant 640 : i32
    %mul3A_20 = arith.muli %arg1, %mul3A_19 : i32
    %add3A_21 = arith.constant 384 : i32
    %add3A_22 = arith.addi %mul3A_20, %add3A_21 : i32
    "tpu.region"() ({
      %run_scoped3A_210 = tpu.sem_alloc : memref<!tpu.dma_semaphore, #tpu.memory_space<semaphore_mem>>
      %dma_start3A_211 = arith.constant 0 : i32
      %dma_start3A_212 = tpu.memref_slice %arg6[%add3A_22, %dma_start3A_211] : memref<10240x64xf32, #tpu.memory_space<vmem_shared>> -> memref<128x64xf32, #tpu.memory_space<vmem_shared>>
      %dma_start3A_213 = arith.constant 0 : i32
      %dma_start3A_214 = tpu.memref_slice %arg6[%add3A_22, %dma_start3A_213] : memref<10240x64xf32, #tpu.memory_space<vmem_shared>> -> memref<128x64xf32, #tpu.memory_space<vmem_shared>>
      tpu.enqueue_dma source(%arg7 : memref<128x64xf32, #tpu.memory_space<vmem>>) target(%dma_start3A_214 : memref<128x64xf32, #tpu.memory_space<vmem_shared>>) target_semaphore(%run_scoped3A_210 : memref<!tpu.dma_semaphore, #tpu.memory_space<semaphore_mem>>)
      %dma_wait3A_215 = arith.constant 0 : i32
      %dma_wait3A_216 = tpu.memref_slice %arg6[%add3A_22, %dma_wait3A_215] : memref<10240x64xf32, #tpu.memory_space<vmem_shared>> -> memref<128x64xf32, #tpu.memory_space<vmem_shared>>
      %dma_wait3A_217 = arith.constant 0 : i32
      %dma_wait3A_218 = tpu.memref_slice %arg6[%add3A_22, %dma_wait3A_217] : memref<10240x64xf32, #tpu.memory_space<vmem_shared>> -> memref<128x64xf32, #tpu.memory_space<vmem_shared>>
      tpu.wait_dma2 semaphore(%run_scoped3A_210 : memref<!tpu.dma_semaphore, #tpu.memory_space<semaphore_mem>>) src(%arg7 : memref<128x64xf32, #tpu.memory_space<vmem>>) dst(%dma_wait3A_218 : memref<128x64xf32, #tpu.memory_space<vmem_shared>>)
      tpu.yield
    }) : () -> ()
    %mul3A_23 = arith.constant 640 : i32
    %mul3A_24 = arith.muli %arg1, %mul3A_23 : i32
    %add3A_25 = arith.constant 512 : i32
    %add3A_26 = arith.addi %mul3A_24, %add3A_25 : i32
    "tpu.region"() ({
      %run_scoped3A_210 = tpu.sem_alloc : memref<!tpu.dma_semaphore, #tpu.memory_space<semaphore_mem>>
      %dma_start3A_211 = arith.constant 0 : i32
      %dma_start3A_212 = tpu.memref_slice %arg6[%add3A_26, %dma_start3A_211] : memref<10240x64xf32, #tpu.memory_space<vmem_shared>> -> memref<128x64xf32, #tpu.memory_space<vmem_shared>>
      %dma_start3A_213 = arith.constant 0 : i32
      %dma_start3A_214 = tpu.memref_slice %arg6[%add3A_26, %dma_start3A_213] : memref<10240x64xf32, #tpu.memory_space<vmem_shared>> -> memref<128x64xf32, #tpu.memory_space<vmem_shared>>
      tpu.enqueue_dma source(%arg7 : memref<128x64xf32, #tpu.memory_space<vmem>>) target(%dma_start3A_214 : memref<128x64xf32, #tpu.memory_space<vmem_shared>>) target_semaphore(%run_scoped3A_210 : memref<!tpu.dma_semaphore, #tpu.memory_space<semaphore_mem>>)
      %dma_wait3A_215 = arith.constant 0 : i32
      %dma_wait3A_216 = tpu.memref_slice %arg6[%add3A_26, %dma_wait3A_215] : memref<10240x64xf32, #tpu.memory_space<vmem_shared>> -> memref<128x64xf32, #tpu.memory_space<vmem_shared>>
      %dma_wait3A_217 = arith.constant 0 : i32
      %dma_wait3A_218 = tpu.memref_slice %arg6[%add3A_26, %dma_wait3A_217] : memref<10240x64xf32, #tpu.memory_space<vmem_shared>> -> memref<128x64xf32, #tpu.memory_space<vmem_shared>>
      tpu.wait_dma2 semaphore(%run_scoped3A_210 : memref<!tpu.dma_semaphore, #tpu.memory_space<semaphore_mem>>) src(%arg7 : memref<128x64xf32, #tpu.memory_space<vmem>>) dst(%dma_wait3A_218 : memref<128x64xf32, #tpu.memory_space<vmem_shared>>)
      tpu.yield
    }) : () -> ()
    %barrier3A = arith.constant 0 : index
    tpu.barrier barrier_id(%barrier3A)
    "tpu.region"() ({
      %run_scoped3A_210 = tpu.sem_alloc : memref<!tpu.dma_semaphore, #tpu.memory_space<semaphore_mem>>
      %dma_start3A_211 = arith.constant 0 : i32
      %dma_start3A_212 = arith.constant 0 : i32
      %dma_start3A_213 = tpu.memref_slice %arg3[%arg1, %dma_start3A_211, %dma_start3A_212] : memref<16x250x80xi32, #tpu.memory_space<hbm>> -> memref<1x250x80xi32, #tpu.memory_space<hbm>>
      %dma_start3A_214 = tpu.memref_squeeze %dma_start3A_213 : memref<1x250x80xi32, #tpu.memory_space<hbm>> -> memref<250x80xi32, #tpu.memory_space<hbm>>
      %dma_start3A_215 = arith.constant 0 : i32
      %dma_start3A_216 = arith.constant 0 : i32
      %dma_start3A_217 = tpu.memref_slice %arg3[%arg1, %dma_start3A_215, %dma_start3A_216] : memref<16x250x80xi32, #tpu.memory_space<hbm>> -> memref<1x250x80xi32, #tpu.memory_space<hbm>>
      %dma_start3A_218 = tpu.memref_squeeze %dma_start3A_217 : memref<1x250x80xi32, #tpu.memory_space<hbm>> -> memref<250x80xi32, #tpu.memory_space<hbm>>
      tpu.enqueue_dma source(%dma_start3A_218 : memref<250x80xi32, #tpu.memory_space<hbm>>) target(%arg8 : memref<250x80xi32, #tpu.memory_space<vmem>>) target_semaphore(%run_scoped3A_210 : memref<!tpu.dma_semaphore, #tpu.memory_space<semaphore_mem>>)
      %dma_wait3A_219 = arith.constant 0 : i32
      %dma_wait3A_220 = arith.constant 0 : i32
      %dma_wait3A_221 = tpu.memref_slice %arg3[%arg1, %dma_wait3A_219, %dma_wait3A_220] : memref<16x250x80xi32, #tpu.memory_space<hbm>> -> memref<1x250x80xi32, #tpu.memory_space<hbm>>
      %dma_wait3A_222 = tpu.memref_squeeze %dma_wait3A_221 : memref<1x250x80xi32, #tpu.memory_space<hbm>> -> memref<250x80xi32, #tpu.memory_space<hbm>>
      %dma_wait3A_223 = arith.constant 0 : i32
      %dma_wait3A_224 = arith.constant 0 : i32
      %dma_wait3A_225 = tpu.memref_slice %arg3[%arg1, %dma_wait3A_223, %dma_wait3A_224] : memref<16x250x80xi32, #tpu.memory_space<hbm>> -> memref<1x250x80xi32, #tpu.memory_space<hbm>>
      %dma_wait3A_226 = tpu.memref_squeeze %dma_wait3A_225 : memref<1x250x80xi32, #tpu.memory_space<hbm>> -> memref<250x80xi32, #tpu.memory_space<hbm>>
      tpu.wait_dma2 semaphore(%run_scoped3A_210 : memref<!tpu.dma_semaphore, #tpu.memory_space<semaphore_mem>>) src(%dma_wait3A_226 : memref<250x80xi32, #tpu.memory_space<hbm>>) dst(%arg8 : memref<250x80xi32, #tpu.memory_space<vmem>>)
      tpu.yield
    }) : () -> ()
    "tpu.region"() ({
      %run_scoped3A_210 = tpu.sem_alloc : memref<!tpu.dma_semaphore, #tpu.memory_space<semaphore_mem>>
      %dma_start3A_211 = arith.constant 0 : i32
      %dma_start3A_212 = arith.constant 0 : i32
      %dma_start3A_213 = tpu.memref_slice %arg4[%arg1, %dma_start3A_211, %dma_start3A_212] : memref<16x250x80xi32, #tpu.memory_space<hbm>> -> memref<1x250x80xi32, #tpu.memory_space<hbm>>
      %dma_start3A_214 = tpu.memref_squeeze %dma_start3A_213 : memref<1x250x80xi32, #tpu.memory_space<hbm>> -> memref<250x80xi32, #tpu.memory_space<hbm>>
      %dma_start3A_215 = arith.constant 0 : i32
      %dma_start3A_216 = arith.constant 0 : i32
      %dma_start3A_217 = tpu.memref_slice %arg4[%arg1, %dma_start3A_215, %dma_start3A_216] : memref<16x250x80xi32, #tpu.memory_space<hbm>> -> memref<1x250x80xi32, #tpu.memory_space<hbm>>
      %dma_start3A_218 = tpu.memref_squeeze %dma_start3A_217 : memref<1x250x80xi32, #tpu.memory_space<hbm>> -> memref<250x80xi32, #tpu.memory_space<hbm>>
      tpu.enqueue_dma source(%dma_start3A_218 : memref<250x80xi32, #tpu.memory_space<hbm>>) target(%arg9 : memref<250x80xi32, #tpu.memory_space<vmem>>) target_semaphore(%run_scoped3A_210 : memref<!tpu.dma_semaphore, #tpu.memory_space<semaphore_mem>>)
      %dma_wait3A_219 = arith.constant 0 : i32
      %dma_wait3A_220 = arith.constant 0 : i32
      %dma_wait3A_221 = tpu.memref_slice %arg4[%arg1, %dma_wait3A_219, %dma_wait3A_220] : memref<16x250x80xi32, #tpu.memory_space<hbm>> -> memref<1x250x80xi32, #tpu.memory_space<hbm>>
      %dma_wait3A_222 = tpu.memref_squeeze %dma_wait3A_221 : memref<1x250x80xi32, #tpu.memory_space<hbm>> -> memref<250x80xi32, #tpu.memory_space<hbm>>
      %dma_wait3A_223 = arith.constant 0 : i32
      %dma_wait3A_224 = arith.constant 0 : i32
      %dma_wait3A_225 = tpu.memref_slice %arg4[%arg1, %dma_wait3A_223, %dma_wait3A_224] : memref<16x250x80xi32, #tpu.memory_space<hbm>> -> memref<1x250x80xi32, #tpu.memory_space<hbm>>
      %dma_wait3A_226 = tpu.memref_squeeze %dma_wait3A_225 : memref<1x250x80xi32, #tpu.memory_space<hbm>> -> memref<250x80xi32, #tpu.memory_space<hbm>>
      tpu.wait_dma2 semaphore(%run_scoped3A_210 : memref<!tpu.dma_semaphore, #tpu.memory_space<semaphore_mem>>) src(%dma_wait3A_226 : memref<250x80xi32, #tpu.memory_space<hbm>>) dst(%arg9 : memref<250x80xi32, #tpu.memory_space<vmem>>)
      tpu.yield
    }) : () -> ()
    %scan3A_27 = arith.constant 0 : i32
    %scan3A_28 = arith.constant 0 : i32
    %scan3A_29 = arith.constant 250 : i32
    %scan3A_30 = arith.addi %scan3A_28, %scan3A_29 : i32
    %scan3A_31 = arith.constant 1 : i32
    scf.for %scan3A_210 = %scan3A_28 to %scan3A_30 step %scan3A_31  : i32 {
      %get3A = arith.index_cast %scan3A_210 : i32 to index
      %get3A_211 = arith.constant 0 : index
      %get3A_212 = tpu.vector_load %arg8[%get3A, %get3A_211] {strides = array<i32>} : memref<250x80xi32, #tpu.memory_space<vmem>>, vector<1x16xi32>,
      %get3A_213 = vector.shape_cast %get3A_212 : vector<1x16xi32> to vector<16xi32>
      %add3A_214 = arith.addi %get3A_213, %broadcast_in_dim3A : vector<16xi32>
      %swap3A = arith.index_cast %scan3A_210 : i32 to index
      %swap3A_215 = arith.constant 0 : index
      %swap3A_216 = tpu.vector_load %arg8[%swap3A, %swap3A_215] {strides = array<i32>} : memref<250x80xi32, #tpu.memory_space<vmem>>, vector<1x16xi32>,
      %swap3A_217 = vector.shape_cast %swap3A_216 : vector<1x16xi32> to vector<16xi32>
      %swap3A_218 = vector.shape_cast %add3A_214 : vector<16xi32> to vector<1x16xi32>
      tpu.vector_store %arg8[%swap3A, %swap3A_215], %swap3A_218 {strides = array<i32>} : memref<250x80xi32, #tpu.memory_space<vmem>>, vector<1x16xi32>,
      %get3A_219 = arith.index_cast %scan3A_210 : i32 to index
      %get3A_220 = arith.constant 16 : index
      %get3A_221 = tpu.vector_load %arg8[%get3A_219, %get3A_220] {strides = array<i32>} : memref<250x80xi32, #tpu.memory_space<vmem>>, vector<1x16xi32>,
      %get3A_222 = vector.shape_cast %get3A_221 : vector<1x16xi32> to vector<16xi32>
      %add3A_223 = arith.addi %get3A_222, %broadcast_in_dim3A : vector<16xi32>
      %swap3A_224 = arith.index_cast %scan3A_210 : i32 to index
      %swap3A_225 = arith.constant 16 : index
      %swap3A_226 = tpu.vector_load %arg8[%swap3A_224, %swap3A_225] {strides = array<i32>} : memref<250x80xi32, #tpu.memory_space<vmem>>, vector<1x16xi32>,
      %swap3A_227 = vector.shape_cast %swap3A_226 : vector<1x16xi32> to vector<16xi32>
      %swap3A_228 = vector.shape_cast %add3A_223 : vector<16xi32> to vector<1x16xi32>
      tpu.vector_store %arg8[%swap3A_224, %swap3A_225], %swap3A_228 {strides = array<i32>} : memref<250x80xi32, #tpu.memory_space<vmem>>, vector<1x16xi32>,
      %get3A_229 = arith.index_cast %scan3A_210 : i32 to index
      %get3A_230 = arith.constant 32 : index
      %get3A_231 = tpu.vector_load %arg8[%get3A_229, %get3A_230] {strides = array<i32>} : memref<250x80xi32, #tpu.memory_space<vmem>>, vector<1x16xi32>,
      %get3A_232 = vector.shape_cast %get3A_231 : vector<1x16xi32> to vector<16xi32>
      %add3A_233 = arith.addi %get3A_232, %broadcast_in_dim3A : vector<16xi32>
      %swap3A_234 = arith.index_cast %scan3A_210 : i32 to index
      %swap3A_235 = arith.constant 32 : index
      %swap3A_236 = tpu.vector_load %arg8[%swap3A_234, %swap3A_235] {strides = array<i32>} : memref<250x80xi32, #tpu.memory_space<vmem>>, vector<1x16xi32>,
      %swap3A_237 = vector.shape_cast %swap3A_236 : vector<1x16xi32> to vector<16xi32>
      %swap3A_238 = vector.shape_cast %add3A_233 : vector<16xi32> to vector<1x16xi32>
      tpu.vector_store %arg8[%swap3A_234, %swap3A_235], %swap3A_238 {strides = array<i32>} : memref<250x80xi32, #tpu.memory_space<vmem>>, vector<1x16xi32>,
      %get3A_239 = arith.index_cast %scan3A_210 : i32 to index
      %get3A_240 = arith.constant 48 : index
      %get3A_241 = tpu.vector_load %arg8[%get3A_239, %get3A_240] {strides = array<i32>} : memref<250x80xi32, #tpu.memory_space<vmem>>, vector<1x16xi32>,
      %get3A_242 = vector.shape_cast %get3A_241 : vector<1x16xi32> to vector<16xi32>
      %add3A_243 = arith.addi %get3A_242, %broadcast_in_dim3A : vector<16xi32>
      %swap3A_244 = arith.index_cast %scan3A_210 : i32 to index
      %swap3A_245 = arith.constant 48 : index
      %swap3A_246 = tpu.vector_load %arg8[%swap3A_244, %swap3A_245] {strides = array<i32>} : memref<250x80xi32, #tpu.memory_space<vmem>>, vector<1x16xi32>,
      %swap3A_247 = vector.shape_cast %swap3A_246 : vector<1x16xi32> to vector<16xi32>
      %swap3A_248 = vector.shape_cast %add3A_243 : vector<16xi32> to vector<1x16xi32>
      tpu.vector_store %arg8[%swap3A_244, %swap3A_245], %swap3A_248 {strides = array<i32>} : memref<250x80xi32, #tpu.memory_space<vmem>>, vector<1x16xi32>,
      %get3A_249 = arith.index_cast %scan3A_210 : i32 to index
      %get3A_250 = arith.constant 64 : index
      %get3A_251 = tpu.vector_load %arg8[%get3A_249, %get3A_250] {strides = array<i32>} : memref<250x80xi32, #tpu.memory_space<vmem>>, vector<1x16xi32>,
      %get3A_252 = vector.shape_cast %get3A_251 : vector<1x16xi32> to vector<16xi32>
      %add3A_253 = arith.addi %get3A_252, %broadcast_in_dim3A : vector<16xi32>
      %swap3A_254 = arith.index_cast %scan3A_210 : i32 to index
      %swap3A_255 = arith.constant 64 : index
      %swap3A_256 = tpu.vector_load %arg8[%swap3A_254, %swap3A_255] {strides = array<i32>} : memref<250x80xi32, #tpu.memory_space<vmem>>, vector<1x16xi32>,
      %swap3A_257 = vector.shape_cast %swap3A_256 : vector<1x16xi32> to vector<16xi32>
      %swap3A_258 = vector.shape_cast %add3A_253 : vector<16xi32> to vector<1x16xi32>
      tpu.vector_store %arg8[%swap3A_254, %swap3A_255], %swap3A_258 {strides = array<i32>} : memref<250x80xi32, #tpu.memory_space<vmem>>, vector<1x16xi32>,
    }
    %scan3A_32 = arith.constant 250 : i32
    %dma_start3A = arith.constant 0 : i32
    %dma_start3A_33 = arith.constant 0 : i32
    %dma_start3A_34 = tpu.memref_slice %arg8[%dma_start3A, %dma_start3A_33] : memref<250x80xi32, #tpu.memory_space<vmem>> -> memref<1x80xi32, #tpu.memory_space<vmem>>
    %dma_start3A_35 = tpu.memref_squeeze %dma_start3A_34 : memref<1x80xi32, #tpu.memory_space<vmem>> -> memref<80xi32, #tpu.memory_space<vmem>>
    %dma_start3A_36 = arith.constant 0 : i32
    %dma_start3A_37 = arith.constant 0 : i32
    %dma_start3A_38 = tpu.memref_slice %arg2[%dma_start3A_36, %dma_start3A_37] : memref<20000x64xf32, #tpu.memory_space<hbm>> -> memref<20000x64xf32, #tpu.memory_space<hbm>>
    tpu.enqueue_indirect_dma source(%dma_start3A_38 : memref<20000x64xf32, #tpu.memory_space<hbm>>) target(%arg10 : memref<80x64xf32, #tpu.memory_space<vmem>>) offsets(%dma_start3A_35 : memref<80xi32, #tpu.memory_space<vmem>>) semaphore(%arg14 : memref<!tpu.dma_semaphore, #tpu.memory_space<semaphore_mem>>)
    %dma_start3A_39 = arith.constant 1 : i32
    %dma_start3A_40 = arith.constant 0 : i32
    %dma_start3A_41 = tpu.memref_slice %arg8[%dma_start3A_39, %dma_start3A_40] : memref<250x80xi32, #tpu.memory_space<vmem>> -> memref<1x80xi32, #tpu.memory_space<vmem>>
    %dma_start3A_42 = tpu.memref_squeeze %dma_start3A_41 : memref<1x80xi32, #tpu.memory_space<vmem>> -> memref<80xi32, #tpu.memory_space<vmem>>
    %dma_start3A_43 = arith.constant 0 : i32
    %dma_start3A_44 = arith.constant 0 : i32
    %dma_start3A_45 = tpu.memref_slice %arg2[%dma_start3A_43, %dma_start3A_44] : memref<20000x64xf32, #tpu.memory_space<hbm>> -> memref<20000x64xf32, #tpu.memory_space<hbm>>
    tpu.enqueue_indirect_dma source(%dma_start3A_45 : memref<20000x64xf32, #tpu.memory_space<hbm>>) target(%arg11 : memref<80x64xf32, #tpu.memory_space<vmem>>) offsets(%dma_start3A_42 : memref<80xi32, #tpu.memory_space<vmem>>) semaphore(%arg15 : memref<!tpu.dma_semaphore, #tpu.memory_space<semaphore_mem>>)
    %dma_wait3A = arith.constant 0 : i32
    %dma_wait3A_46 = arith.constant 0 : i32
    %dma_wait3A_47 = tpu.memref_slice %arg8[%dma_wait3A, %dma_wait3A_46] : memref<250x80xi32, #tpu.memory_space<vmem>> -> memref<1x80xi32, #tpu.memory_space<vmem>>
    %dma_wait3A_48 = tpu.memref_squeeze %dma_wait3A_47 : memref<1x80xi32, #tpu.memory_space<vmem>> -> memref<80xi32, #tpu.memory_space<vmem>>
    %dma_wait3A_49 = arith.constant 0 : i32
    %dma_wait3A_50 = arith.constant 0 : i32
    %dma_wait3A_51 = tpu.memref_slice %arg2[%dma_wait3A_49, %dma_wait3A_50] : memref<20000x64xf32, #tpu.memory_space<hbm>> -> memref<20000x64xf32, #tpu.memory_space<hbm>>
    tpu.wait_indirect_dma semaphore(%arg14 : memref<!tpu.dma_semaphore, #tpu.memory_space<semaphore_mem>>) src(%dma_wait3A_51 : memref<20000x64xf32, #tpu.memory_space<hbm>>) dst(%arg10 : memref<80x64xf32, #tpu.memory_space<vmem>>)
    %dma_start3A_52 = arith.constant 0 : i32
    %dma_start3A_53 = arith.constant 0 : i32
    %dma_start3A_54 = tpu.memref_slice %arg9[%dma_start3A_52, %dma_start3A_53] : memref<250x80xi32, #tpu.memory_space<vmem>> -> memref<1x80xi32, #tpu.memory_space<vmem>>
    %dma_start3A_55 = tpu.memref_squeeze %dma_start3A_54 : memref<1x80xi32, #tpu.memory_space<vmem>> -> memref<80xi32, #tpu.memory_space<vmem>>
    %dma_start3A_56 = arith.constant 0 : i32
    %dma_start3A_57 = arith.constant 0 : i32
    %dma_start3A_58 = tpu.memref_slice %arg6[%dma_start3A_56, %dma_start3A_57] : memref<10240x64xf32, #tpu.memory_space<vmem_shared>> -> memref<10240x64xf32, #tpu.memory_space<vmem_shared>>
    tpu.enqueue_indirect_dma source(%arg10 : memref<80x64xf32, #tpu.memory_space<vmem>>) target(%dma_start3A_58 : memref<10240x64xf32, #tpu.memory_space<vmem_shared>>) offsets(%dma_start3A_55 : memref<80xi32, #tpu.memory_space<vmem>>) semaphore(%arg18 : memref<!tpu.dma_semaphore, #tpu.memory_space<semaphore_mem>>) {add = true}
    %dma_start3A_59 = arith.constant 2 : i32
    %dma_start3A_60 = arith.constant 0 : i32
    %dma_start3A_61 = tpu.memref_slice %arg8[%dma_start3A_59, %dma_start3A_60] : memref<250x80xi32, #tpu.memory_space<vmem>> -> memref<1x80xi32, #tpu.memory_space<vmem>>
    %dma_start3A_62 = tpu.memref_squeeze %dma_start3A_61 : memref<1x80xi32, #tpu.memory_space<vmem>> -> memref<80xi32, #tpu.memory_space<vmem>>
    %dma_start3A_63 = arith.constant 0 : i32
    %dma_start3A_64 = arith.constant 0 : i32
    %dma_start3A_65 = tpu.memref_slice %arg2[%dma_start3A_63, %dma_start3A_64] : memref<20000x64xf32, #tpu.memory_space<hbm>> -> memref<20000x64xf32, #tpu.memory_space<hbm>>
    tpu.enqueue_indirect_dma source(%dma_start3A_65 : memref<20000x64xf32, #tpu.memory_space<hbm>>) target(%arg12 : memref<80x64xf32, #tpu.memory_space<vmem>>) offsets(%dma_start3A_62 : memref<80xi32, #tpu.memory_space<vmem>>) semaphore(%arg16 : memref<!tpu.dma_semaphore, #tpu.memory_space<semaphore_mem>>)
    %dma_wait3A_66 = arith.constant 1 : i32
    %dma_wait3A_67 = arith.constant 0 : i32
    %dma_wait3A_68 = tpu.memref_slice %arg8[%dma_wait3A_66, %dma_wait3A_67] : memref<250x80xi32, #tpu.memory_space<vmem>> -> memref<1x80xi32, #tpu.memory_space<vmem>>
    %dma_wait3A_69 = tpu.memref_squeeze %dma_wait3A_68 : memref<1x80xi32, #tpu.memory_space<vmem>> -> memref<80xi32, #tpu.memory_space<vmem>>
    %dma_wait3A_70 = arith.constant 0 : i32
    %dma_wait3A_71 = arith.constant 0 : i32
    %dma_wait3A_72 = tpu.memref_slice %arg2[%dma_wait3A_70, %dma_wait3A_71] : memref<20000x64xf32, #tpu.memory_space<hbm>> -> memref<20000x64xf32, #tpu.memory_space<hbm>>
    tpu.wait_indirect_dma semaphore(%arg15 : memref<!tpu.dma_semaphore, #tpu.memory_space<semaphore_mem>>) src(%dma_wait3A_72 : memref<20000x64xf32, #tpu.memory_space<hbm>>) dst(%arg11 : memref<80x64xf32, #tpu.memory_space<vmem>>)
    %dma_wait3A_73 = arith.constant 0 : i32
    %dma_wait3A_74 = arith.constant 0 : i32
    %dma_wait3A_75 = tpu.memref_slice %arg9[%dma_wait3A_73, %dma_wait3A_74] : memref<250x80xi32, #tpu.memory_space<vmem>> -> memref<1x80xi32, #tpu.memory_space<vmem>>
    %dma_wait3A_76 = tpu.memref_squeeze %dma_wait3A_75 : memref<1x80xi32, #tpu.memory_space<vmem>> -> memref<80xi32, #tpu.memory_space<vmem>>
    %dma_wait3A_77 = arith.constant 0 : i32
    %dma_wait3A_78 = arith.constant 0 : i32
    %dma_wait3A_79 = tpu.memref_slice %arg6[%dma_wait3A_77, %dma_wait3A_78] : memref<10240x64xf32, #tpu.memory_space<vmem_shared>> -> memref<10240x64xf32, #tpu.memory_space<vmem_shared>>
    tpu.wait_indirect_dma semaphore(%arg18 : memref<!tpu.dma_semaphore, #tpu.memory_space<semaphore_mem>>) src(%arg10 : memref<80x64xf32, #tpu.memory_space<vmem>>) dst(%dma_wait3A_79 : memref<10240x64xf32, #tpu.memory_space<vmem_shared>>)
    %dma_start3A_80 = arith.constant 1 : i32
    %dma_start3A_81 = arith.constant 0 : i32
    %dma_start3A_82 = tpu.memref_slice %arg9[%dma_start3A_80, %dma_start3A_81] : memref<250x80xi32, #tpu.memory_space<vmem>> -> memref<1x80xi32, #tpu.memory_space<vmem>>
    %dma_start3A_83 = tpu.memref_squeeze %dma_start3A_82 : memref<1x80xi32, #tpu.memory_space<vmem>> -> memref<80xi32, #tpu.memory_space<vmem>>
    %dma_start3A_84 = arith.constant 0 : i32
    %dma_start3A_85 = arith.constant 0 : i32
    %dma_start3A_86 = tpu.memref_slice %arg6[%dma_start3A_84, %dma_start3A_85] : memref<10240x64xf32, #tpu.memory_space<vmem_shared>> -> memref<10240x64xf32, #tpu.memory_space<vmem_shared>>
    tpu.enqueue_indirect_dma source(%arg11 : memref<80x64xf32, #tpu.memory_space<vmem>>) target(%dma_start3A_86 : memref<10240x64xf32, #tpu.memory_space<vmem_shared>>) offsets(%dma_start3A_83 : memref<80xi32, #tpu.memory_space<vmem>>) semaphore(%arg19 : memref<!tpu.dma_semaphore, #tpu.memory_space<semaphore_mem>>) {add = true}
    %dma_start3A_87 = arith.constant 3 : i32
    %dma_start3A_88 = arith.constant 0 : i32
    %dma_start3A_89 = tpu.memref_slice %arg8[%dma_start3A_87, %dma_start3A_88] : memref<250x80xi32, #tpu.memory_space<vmem>> -> memref<1x80xi32, #tpu.memory_space<vmem>>
    %dma_start3A_90 = tpu.memref_squeeze %dma_start3A_89 : memref<1x80xi32, #tpu.memory_space<vmem>> -> memref<80xi32, #tpu.memory_space<vmem>>
    %dma_start3A_91 = arith.constant 0 : i32
    %dma_start3A_92 = arith.constant 0 : i32
    %dma_start3A_93 = tpu.memref_slice %arg2[%dma_start3A_91, %dma_start3A_92] : memref<20000x64xf32, #tpu.memory_space<hbm>> -> memref<20000x64xf32, #tpu.memory_space<hbm>>
    tpu.enqueue_indirect_dma source(%dma_start3A_93 : memref<20000x64xf32, #tpu.memory_space<hbm>>) target(%arg13 : memref<80x64xf32, #tpu.memory_space<vmem>>) offsets(%dma_start3A_90 : memref<80xi32, #tpu.memory_space<vmem>>) semaphore(%arg17 : memref<!tpu.dma_semaphore, #tpu.memory_space<semaphore_mem>>)
    %dma_wait3A_94 = arith.constant 2 : i32
    %dma_wait3A_95 = arith.constant 0 : i32
    %dma_wait3A_96 = tpu.memref_slice %arg8[%dma_wait3A_94, %dma_wait3A_95] : memref<250x80xi32, #tpu.memory_space<vmem>> -> memref<1x80xi32, #tpu.memory_space<vmem>>
    %dma_wait3A_97 = tpu.memref_squeeze %dma_wait3A_96 : memref<1x80xi32, #tpu.memory_space<vmem>> -> memref<80xi32, #tpu.memory_space<vmem>>
    %dma_wait3A_98 = arith.constant 0 : i32
    %dma_wait3A_99 = arith.constant 0 : i32
    %dma_wait3A_100 = tpu.memref_slice %arg2[%dma_wait3A_98, %dma_wait3A_99] : memref<20000x64xf32, #tpu.memory_space<hbm>> -> memref<20000x64xf32, #tpu.memory_space<hbm>>
    tpu.wait_indirect_dma semaphore(%arg16 : memref<!tpu.dma_semaphore, #tpu.memory_space<semaphore_mem>>) src(%dma_wait3A_100 : memref<20000x64xf32, #tpu.memory_space<hbm>>) dst(%arg12 : memref<80x64xf32, #tpu.memory_space<vmem>>)
    %dma_wait3A_101 = arith.constant 1 : i32
    %dma_wait3A_102 = arith.constant 0 : i32
    %dma_wait3A_103 = tpu.memref_slice %arg9[%dma_wait3A_101, %dma_wait3A_102] : memref<250x80xi32, #tpu.memory_space<vmem>> -> memref<1x80xi32, #tpu.memory_space<vmem>>
    %dma_wait3A_104 = tpu.memref_squeeze %dma_wait3A_103 : memref<1x80xi32, #tpu.memory_space<vmem>> -> memref<80xi32, #tpu.memory_space<vmem>>
    %dma_wait3A_105 = arith.constant 0 : i32
    %dma_wait3A_106 = arith.constant 0 : i32
    %dma_wait3A_107 = tpu.memref_slice %arg6[%dma_wait3A_105, %dma_wait3A_106] : memref<10240x64xf32, #tpu.memory_space<vmem_shared>> -> memref<10240x64xf32, #tpu.memory_space<vmem_shared>>
    tpu.wait_indirect_dma semaphore(%arg19 : memref<!tpu.dma_semaphore, #tpu.memory_space<semaphore_mem>>) src(%arg11 : memref<80x64xf32, #tpu.memory_space<vmem>>) dst(%dma_wait3A_107 : memref<10240x64xf32, #tpu.memory_space<vmem_shared>>)
    %dma_start3A_108 = arith.constant 2 : i32
    %dma_start3A_109 = arith.constant 0 : i32
    %dma_start3A_110 = tpu.memref_slice %arg9[%dma_start3A_108, %dma_start3A_109] : memref<250x80xi32, #tpu.memory_space<vmem>> -> memref<1x80xi32, #tpu.memory_space<vmem>>
    %dma_start3A_111 = tpu.memref_squeeze %dma_start3A_110 : memref<1x80xi32, #tpu.memory_space<vmem>> -> memref<80xi32, #tpu.memory_space<vmem>>
    %dma_start3A_112 = arith.constant 0 : i32
    %dma_start3A_113 = arith.constant 0 : i32
    %dma_start3A_114 = tpu.memref_slice %arg6[%dma_start3A_112, %dma_start3A_113] : memref<10240x64xf32, #tpu.memory_space<vmem_shared>> -> memref<10240x64xf32, #tpu.memory_space<vmem_shared>>
    tpu.enqueue_indirect_dma source(%arg12 : memref<80x64xf32, #tpu.memory_space<vmem>>) target(%dma_start3A_114 : memref<10240x64xf32, #tpu.memory_space<vmem_shared>>) offsets(%dma_start3A_111 : memref<80xi32, #tpu.memory_space<vmem>>) semaphore(%arg20 : memref<!tpu.dma_semaphore, #tpu.memory_space<semaphore_mem>>) {add = true}
    %dma_start3A_115 = arith.constant 4 : i32
    %dma_start3A_116 = arith.constant 0 : i32
    %dma_start3A_117 = tpu.memref_slice %arg8[%dma_start3A_115, %dma_start3A_116] : memref<250x80xi32, #tpu.memory_space<vmem>> -> memref<1x80xi32, #tpu.memory_space<vmem>>
    %dma_start3A_118 = tpu.memref_squeeze %dma_start3A_117 : memref<1x80xi32, #tpu.memory_space<vmem>> -> memref<80xi32, #tpu.memory_space<vmem>>
    %dma_start3A_119 = arith.constant 0 : i32
    %dma_start3A_120 = arith.constant 0 : i32
    %dma_start3A_121 = tpu.memref_slice %arg2[%dma_start3A_119, %dma_start3A_120] : memref<20000x64xf32, #tpu.memory_space<hbm>> -> memref<20000x64xf32, #tpu.memory_space<hbm>>
    tpu.enqueue_indirect_dma source(%dma_start3A_121 : memref<20000x64xf32, #tpu.memory_space<hbm>>) target(%arg10 : memref<80x64xf32, #tpu.memory_space<vmem>>) offsets(%dma_start3A_118 : memref<80xi32, #tpu.memory_space<vmem>>) semaphore(%arg14 : memref<!tpu.dma_semaphore, #tpu.memory_space<semaphore_mem>>)
    %dma_wait3A_122 = arith.constant 3 : i32
    %dma_wait3A_123 = arith.constant 0 : i32
    %dma_wait3A_124 = tpu.memref_slice %arg8[%dma_wait3A_122, %dma_wait3A_123] : memref<250x80xi32, #tpu.memory_space<vmem>> -> memref<1x80xi32, #tpu.memory_space<vmem>>
    %dma_wait3A_125 = tpu.memref_squeeze %dma_wait3A_124 : memref<1x80xi32, #tpu.memory_space<vmem>> -> memref<80xi32, #tpu.memory_space<vmem>>
    %dma_wait3A_126 = arith.constant 0 : i32
    %dma_wait3A_127 = arith.constant 0 : i32
    %dma_wait3A_128 = tpu.memref_slice %arg2[%dma_wait3A_126, %dma_wait3A_127] : memref<20000x64xf32, #tpu.memory_space<hbm>> -> memref<20000x64xf32, #tpu.memory_space<hbm>>
    tpu.wait_indirect_dma semaphore(%arg17 : memref<!tpu.dma_semaphore, #tpu.memory_space<semaphore_mem>>) src(%dma_wait3A_128 : memref<20000x64xf32, #tpu.memory_space<hbm>>) dst(%arg13 : memref<80x64xf32, #tpu.memory_space<vmem>>)
    %dma_wait3A_129 = arith.constant 2 : i32
    %dma_wait3A_130 = arith.constant 0 : i32
    %dma_wait3A_131 = tpu.memref_slice %arg9[%dma_wait3A_129, %dma_wait3A_130] : memref<250x80xi32, #tpu.memory_space<vmem>> -> memref<1x80xi32, #tpu.memory_space<vmem>>
    %dma_wait3A_132 = tpu.memref_squeeze %dma_wait3A_131 : memref<1x80xi32, #tpu.memory_space<vmem>> -> memref<80xi32, #tpu.memory_space<vmem>>
    %dma_wait3A_133 = arith.constant 0 : i32
    %dma_wait3A_134 = arith.constant 0 : i32
    %dma_wait3A_135 = tpu.memref_slice %arg6[%dma_wait3A_133, %dma_wait3A_134] : memref<10240x64xf32, #tpu.memory_space<vmem_shared>> -> memref<10240x64xf32, #tpu.memory_space<vmem_shared>>
    tpu.wait_indirect_dma semaphore(%arg20 : memref<!tpu.dma_semaphore, #tpu.memory_space<semaphore_mem>>) src(%arg12 : memref<80x64xf32, #tpu.memory_space<vmem>>) dst(%dma_wait3A_135 : memref<10240x64xf32, #tpu.memory_space<vmem_shared>>)
    %dma_start3A_136 = arith.constant 3 : i32
    %dma_start3A_137 = arith.constant 0 : i32
    %dma_start3A_138 = tpu.memref_slice %arg9[%dma_start3A_136, %dma_start3A_137] : memref<250x80xi32, #tpu.memory_space<vmem>> -> memref<1x80xi32, #tpu.memory_space<vmem>>
    %dma_start3A_139 = tpu.memref_squeeze %dma_start3A_138 : memref<1x80xi32, #tpu.memory_space<vmem>> -> memref<80xi32, #tpu.memory_space<vmem>>
    %dma_start3A_140 = arith.constant 0 : i32
    %dma_start3A_141 = arith.constant 0 : i32
    %dma_start3A_142 = tpu.memref_slice %arg6[%dma_start3A_140, %dma_start3A_141] : memref<10240x64xf32, #tpu.memory_space<vmem_shared>> -> memref<10240x64xf32, #tpu.memory_space<vmem_shared>>
    tpu.enqueue_indirect_dma source(%arg13 : memref<80x64xf32, #tpu.memory_space<vmem>>) target(%dma_start3A_142 : memref<10240x64xf32, #tpu.memory_space<vmem_shared>>) offsets(%dma_start3A_139 : memref<80xi32, #tpu.memory_space<vmem>>) semaphore(%arg21 : memref<!tpu.dma_semaphore, #tpu.memory_space<semaphore_mem>>) {add = true}
    %dma_start3A_143 = arith.constant 5 : i32
    %dma_start3A_144 = arith.constant 0 : i32
    %dma_start3A_145 = tpu.memref_slice %arg8[%dma_start3A_143, %dma_start3A_144] : memref<250x80xi32, #tpu.memory_space<vmem>> -> memref<1x80xi32, #tpu.memory_space<vmem>>
    %dma_start3A_146 = tpu.memref_squeeze %dma_start3A_145 : memref<1x80xi32, #tpu.memory_space<vmem>> -> memref<80xi32, #tpu.memory_space<vmem>>
    %dma_start3A_147 = arith.constant 0 : i32
    %dma_start3A_148 = arith.constant 0 : i32
    %dma_start3A_149 = tpu.memref_slice %arg2[%dma_start3A_147, %dma_start3A_148] : memref<20000x64xf32, #tpu.memory_space<hbm>> -> memref<20000x64xf32, #tpu.memory_space<hbm>>
    tpu.enqueue_indirect_dma source(%dma_start3A_149 : memref<20000x64xf32, #tpu.memory_space<hbm>>) target(%arg11 : memref<80x64xf32, #tpu.memory_space<vmem>>) offsets(%dma_start3A_146 : memref<80xi32, #tpu.memory_space<vmem>>) semaphore(%arg15 : memref<!tpu.dma_semaphore, #tpu.memory_space<semaphore_mem>>)
    %scan3A_150 = arith.constant 0 : i32
    %scan3A_151 = arith.constant 1 : i32
    %scan3A_152 = arith.constant 61 : i32
    %scan3A_153 = arith.addi %scan3A_151, %scan3A_152 : i32
    %scan3A_154 = arith.constant 1 : i32
    scf.for %scan3A_210 = %scan3A_151 to %scan3A_153 step %scan3A_154  : i32 {
      %mul3A_211 = arith.constant 4 : i32
      %mul3A_212 = arith.muli %mul3A_211, %scan3A_210 : i32
      %add3A_213 = arith.constant 0 : i32
      %add3A_214 = arith.addi %mul3A_212, %add3A_213 : i32
      %dma_wait3A_215 = arith.constant 0 : i32
      %dma_wait3A_216 = tpu.memref_slice %arg8[%add3A_214, %dma_wait3A_215] : memref<250x80xi32, #tpu.memory_space<vmem>> -> memref<1x80xi32, #tpu.memory_space<vmem>>
      %dma_wait3A_217 = tpu.memref_squeeze %dma_wait3A_216 : memref<1x80xi32, #tpu.memory_space<vmem>> -> memref<80xi32, #tpu.memory_space<vmem>>
      %dma_wait3A_218 = arith.constant 0 : i32
      %dma_wait3A_219 = arith.constant 0 : i32
      %dma_wait3A_220 = tpu.memref_slice %arg2[%dma_wait3A_218, %dma_wait3A_219] : memref<20000x64xf32, #tpu.memory_space<hbm>> -> memref<20000x64xf32, #tpu.memory_space<hbm>>
      tpu.wait_indirect_dma semaphore(%arg14 : memref<!tpu.dma_semaphore, #tpu.memory_space<semaphore_mem>>) src(%dma_wait3A_220 : memref<20000x64xf32, #tpu.memory_space<hbm>>) dst(%arg10 : memref<80x64xf32, #tpu.memory_space<vmem>>)
      %sub3A = arith.constant 1 : i32
      %sub3A_221 = arith.subi %add3A_214, %sub3A : i32
      %dma_wait3A_222 = arith.constant 0 : i32
      %dma_wait3A_223 = tpu.memref_slice %arg9[%sub3A_221, %dma_wait3A_222] : memref<250x80xi32, #tpu.memory_space<vmem>> -> memref<1x80xi32, #tpu.memory_space<vmem>>
      %dma_wait3A_224 = tpu.memref_squeeze %dma_wait3A_223 : memref<1x80xi32, #tpu.memory_space<vmem>> -> memref<80xi32, #tpu.memory_space<vmem>>
      %dma_wait3A_225 = arith.constant 0 : i32
      %dma_wait3A_226 = arith.constant 0 : i32
      %dma_wait3A_227 = tpu.memref_slice %arg6[%dma_wait3A_225, %dma_wait3A_226] : memref<10240x64xf32, #tpu.memory_space<vmem_shared>> -> memref<10240x64xf32, #tpu.memory_space<vmem_shared>>
      tpu.wait_indirect_dma semaphore(%arg21 : memref<!tpu.dma_semaphore, #tpu.memory_space<semaphore_mem>>) src(%arg13 : memref<80x64xf32, #tpu.memory_space<vmem>>) dst(%dma_wait3A_227 : memref<10240x64xf32, #tpu.memory_space<vmem_shared>>)
      %dma_start3A_228 = arith.constant 0 : i32
      %dma_start3A_229 = tpu.memref_slice %arg9[%add3A_214, %dma_start3A_228] : memref<250x80xi32, #tpu.memory_space<vmem>> -> memref<1x80xi32, #tpu.memory_space<vmem>>
      %dma_start3A_230 = tpu.memref_squeeze %dma_start3A_229 : memref<1x80xi32, #tpu.memory_space<vmem>> -> memref<80xi32, #tpu.memory_space<vmem>>
      %dma_start3A_231 = arith.constant 0 : i32
      %dma_start3A_232 = arith.constant 0 : i32
      %dma_start3A_233 = tpu.memref_slice %arg6[%dma_start3A_231, %dma_start3A_232] : memref<10240x64xf32, #tpu.memory_space<vmem_shared>> -> memref<10240x64xf32, #tpu.memory_space<vmem_shared>>
      tpu.enqueue_indirect_dma source(%arg10 : memref<80x64xf32, #tpu.memory_space<vmem>>) target(%dma_start3A_233 : memref<10240x64xf32, #tpu.memory_space<vmem_shared>>) offsets(%dma_start3A_230 : memref<80xi32, #tpu.memory_space<vmem>>) semaphore(%arg18 : memref<!tpu.dma_semaphore, #tpu.memory_space<semaphore_mem>>) {add = true}
      %add3A_234 = arith.constant 2 : i32
      %add3A_235 = arith.addi %add3A_214, %add3A_234 : i32
      %dma_start3A_236 = arith.constant 0 : i32
      %dma_start3A_237 = tpu.memref_slice %arg8[%add3A_235, %dma_start3A_236] : memref<250x80xi32, #tpu.memory_space<vmem>> -> memref<1x80xi32, #tpu.memory_space<vmem>>
      %dma_start3A_238 = tpu.memref_squeeze %dma_start3A_237 : memref<1x80xi32, #tpu.memory_space<vmem>> -> memref<80xi32, #tpu.memory_space<vmem>>
      %dma_start3A_239 = arith.constant 0 : i32
      %dma_start3A_240 = arith.constant 0 : i32
      %dma_start3A_241 = tpu.memref_slice %arg2[%dma_start3A_239, %dma_start3A_240] : memref<20000x64xf32, #tpu.memory_space<hbm>> -> memref<20000x64xf32, #tpu.memory_space<hbm>>
      tpu.enqueue_indirect_dma source(%dma_start3A_241 : memref<20000x64xf32, #tpu.memory_space<hbm>>) target(%arg12 : memref<80x64xf32, #tpu.memory_space<vmem>>) offsets(%dma_start3A_238 : memref<80xi32, #tpu.memory_space<vmem>>) semaphore(%arg16 : memref<!tpu.dma_semaphore, #tpu.memory_space<semaphore_mem>>)
      %add3A_242 = arith.constant 1 : i32
      %add3A_243 = arith.addi %mul3A_212, %add3A_242 : i32
      %dma_wait3A_244 = arith.constant 0 : i32
      %dma_wait3A_245 = tpu.memref_slice %arg8[%add3A_243, %dma_wait3A_244] : memref<250x80xi32, #tpu.memory_space<vmem>> -> memref<1x80xi32, #tpu.memory_space<vmem>>
      %dma_wait3A_246 = tpu.memref_squeeze %dma_wait3A_245 : memref<1x80xi32, #tpu.memory_space<vmem>> -> memref<80xi32, #tpu.memory_space<vmem>>
      %dma_wait3A_247 = arith.constant 0 : i32
      %dma_wait3A_248 = arith.constant 0 : i32
      %dma_wait3A_249 = tpu.memref_slice %arg2[%dma_wait3A_247, %dma_wait3A_248] : memref<20000x64xf32, #tpu.memory_space<hbm>> -> memref<20000x64xf32, #tpu.memory_space<hbm>>
      tpu.wait_indirect_dma semaphore(%arg15 : memref<!tpu.dma_semaphore, #tpu.memory_space<semaphore_mem>>) src(%dma_wait3A_249 : memref<20000x64xf32, #tpu.memory_space<hbm>>) dst(%arg11 : memref<80x64xf32, #tpu.memory_space<vmem>>)
      %sub3A_250 = arith.constant 1 : i32
      %sub3A_251 = arith.subi %add3A_243, %sub3A_250 : i32
      %dma_wait3A_252 = arith.constant 0 : i32
      %dma_wait3A_253 = tpu.memref_slice %arg9[%sub3A_251, %dma_wait3A_252] : memref<250x80xi32, #tpu.memory_space<vmem>> -> memref<1x80xi32, #tpu.memory_space<vmem>>
      %dma_wait3A_254 = tpu.memref_squeeze %dma_wait3A_253 : memref<1x80xi32, #tpu.memory_space<vmem>> -> memref<80xi32, #tpu.memory_space<vmem>>
      %dma_wait3A_255 = arith.constant 0 : i32
      %dma_wait3A_256 = arith.constant 0 : i32
      %dma_wait3A_257 = tpu.memref_slice %arg6[%dma_wait3A_255, %dma_wait3A_256] : memref<10240x64xf32, #tpu.memory_space<vmem_shared>> -> memref<10240x64xf32, #tpu.memory_space<vmem_shared>>
      tpu.wait_indirect_dma semaphore(%arg18 : memref<!tpu.dma_semaphore, #tpu.memory_space<semaphore_mem>>) src(%arg10 : memref<80x64xf32, #tpu.memory_space<vmem>>) dst(%dma_wait3A_257 : memref<10240x64xf32, #tpu.memory_space<vmem_shared>>)
      %dma_start3A_258 = arith.constant 0 : i32
      %dma_start3A_259 = tpu.memref_slice %arg9[%add3A_243, %dma_start3A_258] : memref<250x80xi32, #tpu.memory_space<vmem>> -> memref<1x80xi32, #tpu.memory_space<vmem>>
      %dma_start3A_260 = tpu.memref_squeeze %dma_start3A_259 : memref<1x80xi32, #tpu.memory_space<vmem>> -> memref<80xi32, #tpu.memory_space<vmem>>
      %dma_start3A_261 = arith.constant 0 : i32
      %dma_start3A_262 = arith.constant 0 : i32
      %dma_start3A_263 = tpu.memref_slice %arg6[%dma_start3A_261, %dma_start3A_262] : memref<10240x64xf32, #tpu.memory_space<vmem_shared>> -> memref<10240x64xf32, #tpu.memory_space<vmem_shared>>
      tpu.enqueue_indirect_dma source(%arg11 : memref<80x64xf32, #tpu.memory_space<vmem>>) target(%dma_start3A_263 : memref<10240x64xf32, #tpu.memory_space<vmem_shared>>) offsets(%dma_start3A_260 : memref<80xi32, #tpu.memory_space<vmem>>) semaphore(%arg19 : memref<!tpu.dma_semaphore, #tpu.memory_space<semaphore_mem>>) {add = true}
      %add3A_264 = arith.constant 2 : i32
      %add3A_265 = arith.addi %add3A_243, %add3A_264 : i32
      %dma_start3A_266 = arith.constant 0 : i32
      %dma_start3A_267 = tpu.memref_slice %arg8[%add3A_265, %dma_start3A_266] : memref<250x80xi32, #tpu.memory_space<vmem>> -> memref<1x80xi32, #tpu.memory_space<vmem>>
      %dma_start3A_268 = tpu.memref_squeeze %dma_start3A_267 : memref<1x80xi32, #tpu.memory_space<vmem>> -> memref<80xi32, #tpu.memory_space<vmem>>
      %dma_start3A_269 = arith.constant 0 : i32
      %dma_start3A_270 = arith.constant 0 : i32
      %dma_start3A_271 = tpu.memref_slice %arg2[%dma_start3A_269, %dma_start3A_270] : memref<20000x64xf32, #tpu.memory_space<hbm>> -> memref<20000x64xf32, #tpu.memory_space<hbm>>
      tpu.enqueue_indirect_dma source(%dma_start3A_271 : memref<20000x64xf32, #tpu.memory_space<hbm>>) target(%arg13 : memref<80x64xf32, #tpu.memory_space<vmem>>) offsets(%dma_start3A_268 : memref<80xi32, #tpu.memory_space<vmem>>) semaphore(%arg17 : memref<!tpu.dma_semaphore, #tpu.memory_space<semaphore_mem>>)
      %add3A_272 = arith.constant 2 : i32
      %add3A_273 = arith.addi %mul3A_212, %add3A_272 : i32
      %dma_wait3A_274 = arith.constant 0 : i32
      %dma_wait3A_275 = tpu.memref_slice %arg8[%add3A_273, %dma_wait3A_274] : memref<250x80xi32, #tpu.memory_space<vmem>> -> memref<1x80xi32, #tpu.memory_space<vmem>>
      %dma_wait3A_276 = tpu.memref_squeeze %dma_wait3A_275 : memref<1x80xi32, #tpu.memory_space<vmem>> -> memref<80xi32, #tpu.memory_space<vmem>>
      %dma_wait3A_277 = arith.constant 0 : i32
      %dma_wait3A_278 = arith.constant 0 : i32
      %dma_wait3A_279 = tpu.memref_slice %arg2[%dma_wait3A_277, %dma_wait3A_278] : memref<20000x64xf32, #tpu.memory_space<hbm>> -> memref<20000x64xf32, #tpu.memory_space<hbm>>
      tpu.wait_indirect_dma semaphore(%arg16 : memref<!tpu.dma_semaphore, #tpu.memory_space<semaphore_mem>>) src(%dma_wait3A_279 : memref<20000x64xf32, #tpu.memory_space<hbm>>) dst(%arg12 : memref<80x64xf32, #tpu.memory_space<vmem>>)
      %sub3A_280 = arith.constant 1 : i32
      %sub3A_281 = arith.subi %add3A_273, %sub3A_280 : i32
      %dma_wait3A_282 = arith.constant 0 : i32
      %dma_wait3A_283 = tpu.memref_slice %arg9[%sub3A_281, %dma_wait3A_282] : memref<250x80xi32, #tpu.memory_space<vmem>> -> memref<1x80xi32, #tpu.memory_space<vmem>>
      %dma_wait3A_284 = tpu.memref_squeeze %dma_wait3A_283 : memref<1x80xi32, #tpu.memory_space<vmem>> -> memref<80xi32, #tpu.memory_space<vmem>>
      %dma_wait3A_285 = arith.constant 0 : i32
      %dma_wait3A_286 = arith.constant 0 : i32
      %dma_wait3A_287 = tpu.memref_slice %arg6[%dma_wait3A_285, %dma_wait3A_286] : memref<10240x64xf32, #tpu.memory_space<vmem_shared>> -> memref<10240x64xf32, #tpu.memory_space<vmem_shared>>
      tpu.wait_indirect_dma semaphore(%arg19 : memref<!tpu.dma_semaphore, #tpu.memory_space<semaphore_mem>>) src(%arg11 : memref<80x64xf32, #tpu.memory_space<vmem>>) dst(%dma_wait3A_287 : memref<10240x64xf32, #tpu.memory_space<vmem_shared>>)
      %dma_start3A_288 = arith.constant 0 : i32
      %dma_start3A_289 = tpu.memref_slice %arg9[%add3A_273, %dma_start3A_288] : memref<250x80xi32, #tpu.memory_space<vmem>> -> memref<1x80xi32, #tpu.memory_space<vmem>>
      %dma_start3A_290 = tpu.memref_squeeze %dma_start3A_289 : memref<1x80xi32, #tpu.memory_space<vmem>> -> memref<80xi32, #tpu.memory_space<vmem>>
      %dma_start3A_291 = arith.constant 0 : i32
      %dma_start3A_292 = arith.constant 0 : i32
      %dma_start3A_293 = tpu.memref_slice %arg6[%dma_start3A_291, %dma_start3A_292] : memref<10240x64xf32, #tpu.memory_space<vmem_shared>> -> memref<10240x64xf32, #tpu.memory_space<vmem_shared>>
      tpu.enqueue_indirect_dma source(%arg12 : memref<80x64xf32, #tpu.memory_space<vmem>>) target(%dma_start3A_293 : memref<10240x64xf32, #tpu.memory_space<vmem_shared>>) offsets(%dma_start3A_290 : memref<80xi32, #tpu.memory_space<vmem>>) semaphore(%arg20 : memref<!tpu.dma_semaphore, #tpu.memory_space<semaphore_mem>>) {add = true}
      %add3A_294 = arith.constant 2 : i32
      %add3A_295 = arith.addi %add3A_273, %add3A_294 : i32
      %dma_start3A_296 = arith.constant 0 : i32
      %dma_start3A_297 = tpu.memref_slice %arg8[%add3A_295, %dma_start3A_296] : memref<250x80xi32, #tpu.memory_space<vmem>> -> memref<1x80xi32, #tpu.memory_space<vmem>>
      %dma_start3A_298 = tpu.memref_squeeze %dma_start3A_297 : memref<1x80xi32, #tpu.memory_space<vmem>> -> memref<80xi32, #tpu.memory_space<vmem>>
      %dma_start3A_299 = arith.constant 0 : i32
      %dma_start3A_300 = arith.constant 0 : i32
      %dma_start3A_301 = tpu.memref_slice %arg2[%dma_start3A_299, %dma_start3A_300] : memref<20000x64xf32, #tpu.memory_space<hbm>> -> memref<20000x64xf32, #tpu.memory_space<hbm>>
      tpu.enqueue_indirect_dma source(%dma_start3A_301 : memref<20000x64xf32, #tpu.memory_space<hbm>>) target(%arg10 : memref<80x64xf32, #tpu.memory_space<vmem>>) offsets(%dma_start3A_298 : memref<80xi32, #tpu.memory_space<vmem>>) semaphore(%arg14 : memref<!tpu.dma_semaphore, #tpu.memory_space<semaphore_mem>>)
      %add3A_302 = arith.constant 3 : i32
      %add3A_303 = arith.addi %mul3A_212, %add3A_302 : i32
      %dma_wait3A_304 = arith.constant 0 : i32
      %dma_wait3A_305 = tpu.memref_slice %arg8[%add3A_303, %dma_wait3A_304] : memref<250x80xi32, #tpu.memory_space<vmem>> -> memref<1x80xi32, #tpu.memory_space<vmem>>
      %dma_wait3A_306 = tpu.memref_squeeze %dma_wait3A_305 : memref<1x80xi32, #tpu.memory_space<vmem>> -> memref<80xi32, #tpu.memory_space<vmem>>
      %dma_wait3A_307 = arith.constant 0 : i32
      %dma_wait3A_308 = arith.constant 0 : i32
      %dma_wait3A_309 = tpu.memref_slice %arg2[%dma_wait3A_307, %dma_wait3A_308] : memref<20000x64xf32, #tpu.memory_space<hbm>> -> memref<20000x64xf32, #tpu.memory_space<hbm>>
      tpu.wait_indirect_dma semaphore(%arg17 : memref<!tpu.dma_semaphore, #tpu.memory_space<semaphore_mem>>) src(%dma_wait3A_309 : memref<20000x64xf32, #tpu.memory_space<hbm>>) dst(%arg13 : memref<80x64xf32, #tpu.memory_space<vmem>>)
      %sub3A_310 = arith.constant 1 : i32
      %sub3A_311 = arith.subi %add3A_303, %sub3A_310 : i32
      %dma_wait3A_312 = arith.constant 0 : i32
      %dma_wait3A_313 = tpu.memref_slice %arg9[%sub3A_311, %dma_wait3A_312] : memref<250x80xi32, #tpu.memory_space<vmem>> -> memref<1x80xi32, #tpu.memory_space<vmem>>
      %dma_wait3A_314 = tpu.memref_squeeze %dma_wait3A_313 : memref<1x80xi32, #tpu.memory_space<vmem>> -> memref<80xi32, #tpu.memory_space<vmem>>
      %dma_wait3A_315 = arith.constant 0 : i32
      %dma_wait3A_316 = arith.constant 0 : i32
      %dma_wait3A_317 = tpu.memref_slice %arg6[%dma_wait3A_315, %dma_wait3A_316] : memref<10240x64xf32, #tpu.memory_space<vmem_shared>> -> memref<10240x64xf32, #tpu.memory_space<vmem_shared>>
      tpu.wait_indirect_dma semaphore(%arg20 : memref<!tpu.dma_semaphore, #tpu.memory_space<semaphore_mem>>) src(%arg12 : memref<80x64xf32, #tpu.memory_space<vmem>>) dst(%dma_wait3A_317 : memref<10240x64xf32, #tpu.memory_space<vmem_shared>>)
      %dma_start3A_318 = arith.constant 0 : i32
      %dma_start3A_319 = tpu.memref_slice %arg9[%add3A_303, %dma_start3A_318] : memref<250x80xi32, #tpu.memory_space<vmem>> -> memref<1x80xi32, #tpu.memory_space<vmem>>
      %dma_start3A_320 = tpu.memref_squeeze %dma_start3A_319 : memref<1x80xi32, #tpu.memory_space<vmem>> -> memref<80xi32, #tpu.memory_space<vmem>>
      %dma_start3A_321 = arith.constant 0 : i32
      %dma_start3A_322 = arith.constant 0 : i32
      %dma_start3A_323 = tpu.memref_slice %arg6[%dma_start3A_321, %dma_start3A_322] : memref<10240x64xf32, #tpu.memory_space<vmem_shared>> -> memref<10240x64xf32, #tpu.memory_space<vmem_shared>>
      tpu.enqueue_indirect_dma source(%arg13 : memref<80x64xf32, #tpu.memory_space<vmem>>) target(%dma_start3A_323 : memref<10240x64xf32, #tpu.memory_space<vmem_shared>>) offsets(%dma_start3A_320 : memref<80xi32, #tpu.memory_space<vmem>>) semaphore(%arg21 : memref<!tpu.dma_semaphore, #tpu.memory_space<semaphore_mem>>) {add = true}
      %add3A_324 = arith.constant 2 : i32
      %add3A_325 = arith.addi %add3A_303, %add3A_324 : i32
      %dma_start3A_326 = arith.constant 0 : i32
      %dma_start3A_327 = tpu.memref_slice %arg8[%add3A_325, %dma_start3A_326] : memref<250x80xi32, #tpu.memory_space<vmem>> -> memref<1x80xi32, #tpu.memory_space<vmem>>
      %dma_start3A_328 = tpu.memref_squeeze %dma_start3A_327 : memref<1x80xi32, #tpu.memory_space<vmem>> -> memref<80xi32, #tpu.memory_space<vmem>>
      %dma_start3A_329 = arith.constant 0 : i32
      %dma_start3A_330 = arith.constant 0 : i32
      %dma_start3A_331 = tpu.memref_slice %arg2[%dma_start3A_329, %dma_start3A_330] : memref<20000x64xf32, #tpu.memory_space<hbm>> -> memref<20000x64xf32, #tpu.memory_space<hbm>>
      tpu.enqueue_indirect_dma source(%dma_start3A_331 : memref<20000x64xf32, #tpu.memory_space<hbm>>) target(%arg11 : memref<80x64xf32, #tpu.memory_space<vmem>>) offsets(%dma_start3A_328 : memref<80xi32, #tpu.memory_space<vmem>>) semaphore(%arg15 : memref<!tpu.dma_semaphore, #tpu.memory_space<semaphore_mem>>)
    }
    %scan3A_155 = arith.constant 61 : i32
    %dma_wait3A_156 = arith.constant 248 : i32
    %dma_wait3A_157 = arith.constant 0 : i32
    %dma_wait3A_158 = tpu.memref_slice %arg8[%dma_wait3A_156, %dma_wait3A_157] : memref<250x80xi32, #tpu.memory_space<vmem>> -> memref<1x80xi32, #tpu.memory_space<vmem>>
    %dma_wait3A_159 = tpu.memref_squeeze %dma_wait3A_158 : memref<1x80xi32, #tpu.memory_space<vmem>> -> memref<80xi32, #tpu.memory_space<vmem>>
    %dma_wait3A_160 = arith.constant 0 : i32
    %dma_wait3A_161 = arith.constant 0 : i32
    %dma_wait3A_162 = tpu.memref_slice %arg2[%dma_wait3A_160, %dma_wait3A_161] : memref<20000x64xf32, #tpu.memory_space<hbm>> -> memref<20000x64xf32, #tpu.memory_space<hbm>>
    tpu.wait_indirect_dma semaphore(%arg14 : memref<!tpu.dma_semaphore, #tpu.memory_space<semaphore_mem>>) src(%dma_wait3A_162 : memref<20000x64xf32, #tpu.memory_space<hbm>>) dst(%arg10 : memref<80x64xf32, #tpu.memory_space<vmem>>)
    %dma_wait3A_163 = arith.constant 247 : i32
    %dma_wait3A_164 = arith.constant 0 : i32
    %dma_wait3A_165 = tpu.memref_slice %arg9[%dma_wait3A_163, %dma_wait3A_164] : memref<250x80xi32, #tpu.memory_space<vmem>> -> memref<1x80xi32, #tpu.memory_space<vmem>>
    %dma_wait3A_166 = tpu.memref_squeeze %dma_wait3A_165 : memref<1x80xi32, #tpu.memory_space<vmem>> -> memref<80xi32, #tpu.memory_space<vmem>>
    %dma_wait3A_167 = arith.constant 0 : i32
    %dma_wait3A_168 = arith.constant 0 : i32
    %dma_wait3A_169 = tpu.memref_slice %arg6[%dma_wait3A_167, %dma_wait3A_168] : memref<10240x64xf32, #tpu.memory_space<vmem_shared>> -> memref<10240x64xf32, #tpu.memory_space<vmem_shared>>
    tpu.wait_indirect_dma semaphore(%arg21 : memref<!tpu.dma_semaphore, #tpu.memory_space<semaphore_mem>>) src(%arg13 : memref<80x64xf32, #tpu.memory_space<vmem>>) dst(%dma_wait3A_169 : memref<10240x64xf32, #tpu.memory_space<vmem_shared>>)
    %dma_start3A_170 = arith.constant 248 : i32
    %dma_start3A_171 = arith.constant 0 : i32
    %dma_start3A_172 = tpu.memref_slice %arg9[%dma_start3A_170, %dma_start3A_171] : memref<250x80xi32, #tpu.memory_space<vmem>> -> memref<1x80xi32, #tpu.memory_space<vmem>>
    %dma_start3A_173 = tpu.memref_squeeze %dma_start3A_172 : memref<1x80xi32, #tpu.memory_space<vmem>> -> memref<80xi32, #tpu.memory_space<vmem>>
    %dma_start3A_174 = arith.constant 0 : i32
    %dma_start3A_175 = arith.constant 0 : i32
    %dma_start3A_176 = tpu.memref_slice %arg6[%dma_start3A_174, %dma_start3A_175] : memref<10240x64xf32, #tpu.memory_space<vmem_shared>> -> memref<10240x64xf32, #tpu.memory_space<vmem_shared>>
    tpu.enqueue_indirect_dma source(%arg10 : memref<80x64xf32, #tpu.memory_space<vmem>>) target(%dma_start3A_176 : memref<10240x64xf32, #tpu.memory_space<vmem_shared>>) offsets(%dma_start3A_173 : memref<80xi32, #tpu.memory_space<vmem>>) semaphore(%arg18 : memref<!tpu.dma_semaphore, #tpu.memory_space<semaphore_mem>>) {add = true}
    %dma_wait3A_177 = arith.constant 249 : i32
    %dma_wait3A_178 = arith.constant 0 : i32
    %dma_wait3A_179 = tpu.memref_slice %arg8[%dma_wait3A_177, %dma_wait3A_178] : memref<250x80xi32, #tpu.memory_space<vmem>> -> memref<1x80xi32, #tpu.memory_space<vmem>>
    %dma_wait3A_180 = tpu.memref_squeeze %dma_wait3A_179 : memref<1x80xi32, #tpu.memory_space<vmem>> -> memref<80xi32, #tpu.memory_space<vmem>>
    %dma_wait3A_181 = arith.constant 0 : i32
    %dma_wait3A_182 = arith.constant 0 : i32
    %dma_wait3A_183 = tpu.memref_slice %arg2[%dma_wait3A_181, %dma_wait3A_182] : memref<20000x64xf32, #tpu.memory_space<hbm>> -> memref<20000x64xf32, #tpu.memory_space<hbm>>
    tpu.wait_indirect_dma semaphore(%arg15 : memref<!tpu.dma_semaphore, #tpu.memory_space<semaphore_mem>>) src(%dma_wait3A_183 : memref<20000x64xf32, #tpu.memory_space<hbm>>) dst(%arg11 : memref<80x64xf32, #tpu.memory_space<vmem>>)
    %dma_wait3A_184 = arith.constant 248 : i32
    %dma_wait3A_185 = arith.constant 0 : i32
    %dma_wait3A_186 = tpu.memref_slice %arg9[%dma_wait3A_184, %dma_wait3A_185] : memref<250x80xi32, #tpu.memory_space<vmem>> -> memref<1x80xi32, #tpu.memory_space<vmem>>
    %dma_wait3A_187 = tpu.memref_squeeze %dma_wait3A_186 : memref<1x80xi32, #tpu.memory_space<vmem>> -> memref<80xi32, #tpu.memory_space<vmem>>
    %dma_wait3A_188 = arith.constant 0 : i32
    %dma_wait3A_189 = arith.constant 0 : i32
    %dma_wait3A_190 = tpu.memref_slice %arg6[%dma_wait3A_188, %dma_wait3A_189] : memref<10240x64xf32, #tpu.memory_space<vmem_shared>> -> memref<10240x64xf32, #tpu.memory_space<vmem_shared>>
    tpu.wait_indirect_dma semaphore(%arg18 : memref<!tpu.dma_semaphore, #tpu.memory_space<semaphore_mem>>) src(%arg10 : memref<80x64xf32, #tpu.memory_space<vmem>>) dst(%dma_wait3A_190 : memref<10240x64xf32, #tpu.memory_space<vmem_shared>>)
    %dma_start3A_191 = arith.constant 249 : i32
    %dma_start3A_192 = arith.constant 0 : i32
    %dma_start3A_193 = tpu.memref_slice %arg9[%dma_start3A_191, %dma_start3A_192] : memref<250x80xi32, #tpu.memory_space<vmem>> -> memref<1x80xi32, #tpu.memory_space<vmem>>
    %dma_start3A_194 = tpu.memref_squeeze %dma_start3A_193 : memref<1x80xi32, #tpu.memory_space<vmem>> -> memref<80xi32, #tpu.memory_space<vmem>>
    %dma_start3A_195 = arith.constant 0 : i32
    %dma_start3A_196 = arith.constant 0 : i32
    %dma_start3A_197 = tpu.memref_slice %arg6[%dma_start3A_195, %dma_start3A_196] : memref<10240x64xf32, #tpu.memory_space<vmem_shared>> -> memref<10240x64xf32, #tpu.memory_space<vmem_shared>>
    tpu.enqueue_indirect_dma source(%arg11 : memref<80x64xf32, #tpu.memory_space<vmem>>) target(%dma_start3A_197 : memref<10240x64xf32, #tpu.memory_space<vmem_shared>>) offsets(%dma_start3A_194 : memref<80xi32, #tpu.memory_space<vmem>>) semaphore(%arg19 : memref<!tpu.dma_semaphore, #tpu.memory_space<semaphore_mem>>) {add = true}
    %dma_wait3A_198 = arith.constant 249 : i32
    %dma_wait3A_199 = arith.constant 0 : i32
    %dma_wait3A_200 = tpu.memref_slice %arg9[%dma_wait3A_198, %dma_wait3A_199] : memref<250x80xi32, #tpu.memory_space<vmem>> -> memref<1x80xi32, #tpu.memory_space<vmem>>
    %dma_wait3A_201 = tpu.memref_squeeze %dma_wait3A_200 : memref<1x80xi32, #tpu.memory_space<vmem>> -> memref<80xi32, #tpu.memory_space<vmem>>
    %dma_wait3A_202 = arith.constant 0 : i32
    %dma_wait3A_203 = arith.constant 0 : i32
    %dma_wait3A_204 = tpu.memref_slice %arg6[%dma_wait3A_202, %dma_wait3A_203] : memref<10240x64xf32, #tpu.memory_space<vmem_shared>> -> memref<10240x64xf32, #tpu.memory_space<vmem_shared>>
    tpu.wait_indirect_dma semaphore(%arg19 : memref<!tpu.dma_semaphore, #tpu.memory_space<semaphore_mem>>) src(%arg11 : memref<80x64xf32, #tpu.memory_space<vmem>>) dst(%dma_wait3A_204 : memref<10240x64xf32, #tpu.memory_space<vmem_shared>>)
    %barrier3A_205 = arith.constant 0 : index
    tpu.barrier barrier_id(%barrier3A_205)
    %mul3A_206 = arith.constant 640 : i32
    %mul3A_207 = arith.muli %arg1, %mul3A_206 : i32
    %mul3A_208 = arith.constant 640 : i32
    %mul3A_209 = arith.muli %arg1, %mul3A_208 : i32
    %run_scoped3A = arith.constant 0 : i32
    "tpu.region"() ({
      %run_scoped3A_210 = tpu.sem_alloc : memref<!tpu.dma_semaphore, #tpu.memory_space<semaphore_mem>>
      %dma_start3A_211 = arith.constant 0 : i32
      %dma_start3A_212 = tpu.memref_slice %arg5[%arg0, %run_scoped3A, %mul3A_209, %dma_start3A_211] : memref<2x1x10240x64xf32, #tpu.memory_space<hbm>> -> memref<1x1x640x64xf32, #tpu.memory_space<hbm>>
      %dma_start3A_213 = tpu.memref_squeeze %dma_start3A_212 : memref<1x1x640x64xf32, #tpu.memory_space<hbm>> -> memref<640x64xf32, #tpu.memory_space<hbm>>
      %dma_start3A_214 = arith.constant 0 : i32
      %dma_start3A_215 = tpu.memref_slice %arg6[%mul3A_207, %dma_start3A_214] : memref<10240x64xf32, #tpu.memory_space<vmem_shared>> -> memref<640x64xf32, #tpu.memory_space<vmem_shared>>
      tpu.enqueue_dma source(%dma_start3A_215 : memref<640x64xf32, #tpu.memory_space<vmem_shared>>) target(%dma_start3A_213 : memref<640x64xf32, #tpu.memory_space<hbm>>) target_semaphore(%run_scoped3A_210 : memref<!tpu.dma_semaphore, #tpu.memory_space<semaphore_mem>>)
      %dma_wait3A_216 = arith.constant 0 : i32
      %dma_wait3A_217 = tpu.memref_slice %arg5[%arg0, %run_scoped3A, %mul3A_209, %dma_wait3A_216] : memref<2x1x10240x64xf32, #tpu.memory_space<hbm>> -> memref<1x1x640x64xf32, #tpu.memory_space<hbm>>
      %dma_wait3A_218 = tpu.memref_squeeze %dma_wait3A_217 : memref<1x1x640x64xf32, #tpu.memory_space<hbm>> -> memref<640x64xf32, #tpu.memory_space<hbm>>
      %dma_wait3A_219 = arith.constant 0 : i32
      %dma_wait3A_220 = tpu.memref_slice %arg6[%mul3A_207, %dma_wait3A_219] : memref<10240x64xf32, #tpu.memory_space<vmem_shared>> -> memref<640x64xf32, #tpu.memory_space<vmem_shared>>
      tpu.wait_dma2 semaphore(%run_scoped3A_210 : memref<!tpu.dma_semaphore, #tpu.memory_space<semaphore_mem>>) src(%dma_wait3A_220 : memref<640x64xf32, #tpu.memory_space<vmem_shared>>) dst(%dma_wait3A_218 : memref<640x64xf32, #tpu.memory_space<hbm>>)
      tpu.yield
    }) : () -> ()
    return
  }
}

module attributes {stable_mosaic.version = 14 : i64} {
  func.func @_b_body(%arg0: i32, %arg1: memref<2x1000x16xf32, #tpu.memory_space<vmem>>, %arg2: memref<1000x128xf32, #tpu.memory_space<vmem>>, %arg3: memref<128x128xf32, #tpu.memory_space<vmem>>, %arg4: memref<2x1000x64xf32, #tpu.memory_space<vmem>>, %arg5: memref<1000x1xf32, #tpu.memory_space<vmem>>) attributes {dimension_semantics = [#tpu.dimension_semantics<arbitrary>], iteration_bounds = array<i64: 10>, scalar_prefetch = 0 : i64, scratch_operands = 0 : i64, tpu.core_type = #tpu.core_type<tc>, window_params = [{transform_indices = @transform_0, window_bounds = array<i64: 2, 1000, 16>}, {transform_indices = @transform_1, window_bounds = array<i64: 1000, 128>}, {pipeline_mode = #tpu.pipeline_mode<synchronous>, transform_indices = @transform_2, window_bounds = array<i64: 128, 128>}, {transform_indices = @transform_3, window_bounds = array<i64: 2, 1000, 64>}, {transform_indices = @transform_4, window_bounds = array<i64: 1000, 1>}]} {
    %get3A = arith.constant 0 : index
    %get3A_0 = arith.constant 0 : index
    %get3A_1 = arith.constant 0 : index
    %get3A_2 = vector.load %arg1[%get3A, %get3A_0, %get3A_1] : memref<2x1000x16xf32, #tpu.memory_space<vmem>>, vector<1x1000x1xf32>
    %get3A_3 = vector.shape_cast %get3A_2 : vector<1x1000x1xf32> to vector<1000x1xf32>
    %get3A_4 = arith.constant 1 : index
    %get3A_5 = arith.constant 0 : index
    %get3A_6 = arith.constant 0 : index
    %get3A_7 = vector.load %arg1[%get3A_4, %get3A_5, %get3A_6] : memref<2x1000x16xf32, #tpu.memory_space<vmem>>, vector<1x1000x1xf32>
    %get3A_8 = vector.shape_cast %get3A_7 : vector<1x1000x1xf32> to vector<1000x1xf32>
    %add3A = arith.addf %get3A_3, %get3A_8 : vector<1000x1xf32>
    %max3A = arith.constant 1.000000e+00 : f32
    %max3A_9 = vector.broadcast %max3A : f32 to vector<1000x1xf32>
    %max3A_10 = arith.maximumf %add3A, %max3A_9 : vector<1000x1xf32>
    %rsqrt3A = math.rsqrt %max3A_10 : vector<1000x1xf32>
    %get3A_11 = arith.constant 0 : index
    %get3A_12 = arith.constant 0 : index
    %get3A_13 = vector.load %arg2[%get3A_11, %get3A_12] : memref<1000x128xf32, #tpu.memory_space<vmem>>, vector<1000x128xf32>
    %get3A_14 = arith.constant 0 : index
    %get3A_15 = arith.constant 0 : index
    %get3A_16 = vector.load %arg3[%get3A_14, %get3A_15] : memref<128x128xf32, #tpu.memory_space<vmem>>, vector<128x128xf32>
    %dot_general3A = arith.constant dense<0.000000e+00> : vector<1000x128xf32>
    %dot_general3A_17 = tpu.matmul %get3A_13, %get3A_16, %dot_general3A {dimension_numbers = #tpu.dot_dimension_numbers<[1], [0], [0], [1], [0, 0, 1, 1], [], []>, transpose_lhs_hint = false} : vector<1000x128xf32>, vector<128x128xf32>, vector<1000x128xf32> -> vector<1000x128xf32>
    %mul3A = vector.broadcast %rsqrt3A : vector<1000x1xf32> to vector<1000x128xf32>
    %mul3A_18 = arith.mulf %dot_general3A_17, %mul3A : vector<1000x128xf32>
    %slice3A = vector.extract_strided_slice %mul3A_18 {offsets = [0, 0], sizes = [1000, 64], strides = [1, 1]} : vector<1000x128xf32> to vector<1000x64xf32>
    %swap3A = arith.constant 0 : index
    %swap3A_19 = arith.constant 0 : index
    %swap3A_20 = arith.constant 0 : index
    %swap3A_21 = vector.load %arg4[%swap3A, %swap3A_19, %swap3A_20] : memref<2x1000x64xf32, #tpu.memory_space<vmem>>, vector<1x1000x64xf32>
    %swap3A_22 = vector.shape_cast %swap3A_21 : vector<1x1000x64xf32> to vector<1000x64xf32>
    %swap3A_23 = vector.shape_cast %slice3A : vector<1000x64xf32> to vector<1x1000x64xf32>
    tpu.vector_store %arg4[%swap3A, %swap3A_19, %swap3A_20], %swap3A_23 {strides = array<i32>} : memref<2x1000x64xf32, #tpu.memory_space<vmem>>, vector<1x1000x64xf32>,
    %slice3A_24 = vector.extract_strided_slice %mul3A_18 {offsets = [0, 64], sizes = [1000, 64], strides = [1, 1]} : vector<1000x128xf32> to vector<1000x64xf32>
    %swap3A_25 = arith.constant 1 : index
    %swap3A_26 = arith.constant 0 : index
    %swap3A_27 = arith.constant 0 : index
    %swap3A_28 = vector.load %arg4[%swap3A_25, %swap3A_26, %swap3A_27] : memref<2x1000x64xf32, #tpu.memory_space<vmem>>, vector<1x1000x64xf32>
    %swap3A_29 = vector.shape_cast %swap3A_28 : vector<1x1000x64xf32> to vector<1000x64xf32>
    %swap3A_30 = vector.shape_cast %slice3A_24 : vector<1000x64xf32> to vector<1x1000x64xf32>
    tpu.vector_store %arg4[%swap3A_25, %swap3A_26, %swap3A_27], %swap3A_30 {strides = array<i32>} : memref<2x1000x64xf32, #tpu.memory_space<vmem>>, vector<1x1000x64xf32>,
    %swap3A_31 = arith.constant 0 : index
    %swap3A_32 = arith.constant 0 : index
    %swap3A_33 = vector.load %arg5[%swap3A_31, %swap3A_32] : memref<1000x1xf32, #tpu.memory_space<vmem>>, vector<1000x1xf32>
    tpu.vector_store %arg5[%swap3A_31, %swap3A_32], %rsqrt3A {strides = array<i32>} : memref<1000x1xf32, #tpu.memory_space<vmem>>, vector<1000x1xf32>,
    return
  }
  func.func @transform_0(%arg0: i32) -> (i32, i32, i32) {
    %c0_i32 = arith.constant 0 : i32
    %c0_i32_0 = arith.constant 0 : i32
    %c0_i32_1 = arith.constant 0 : i32
    return %c0_i32, %arg0, %c0_i32_0 : i32, i32, i32
  }
  func.func @transform_1(%arg0: i32) -> (i32, i32) {
    %c0_i32 = arith.constant 0 : i32
    %c0_i32_0 = arith.constant 0 : i32
    return %arg0, %c0_i32 : i32, i32
  }
  func.func @transform_2(%arg0: i32) -> (i32, i32) {
    %c0_i32 = arith.constant 0 : i32
    %c0_i32_0 = arith.constant 0 : i32
    %c0_i32_1 = arith.constant 0 : i32
    return %c0_i32, %c0_i32_0 : i32, i32
  }
  func.func @transform_3(%arg0: i32) -> (i32, i32, i32) {
    %c0_i32 = arith.constant 0 : i32
    %c0_i32_0 = arith.constant 0 : i32
    %c0_i32_1 = arith.constant 0 : i32
    return %c0_i32, %arg0, %c0_i32_0 : i32, i32, i32
  }
  func.func @transform_4(%arg0: i32) -> (i32, i32) {
    %c0_i32 = arith.constant 0 : i32
    %c0_i32_0 = arith.constant 0 : i32
    return %arg0, %c0_i32 : i32, i32
  }
}

module attributes {stable_mosaic.version = 14 : i64} {
  func.func @_d_body(%arg0: i32, %arg1: memref<2x1x1000x64xf32, #tpu.memory_space<vmem>>, %arg2: memref<1000x1xf32, #tpu.memory_space<vmem>>, %arg3: memref<1x128xf32, #tpu.memory_space<vmem>>, %arg4: memref<128x64xf32, #tpu.memory_space<vmem>>, %arg5: memref<2x1000x32xf32, #tpu.memory_space<vmem>>) attributes {dimension_semantics = [#tpu.dimension_semantics<arbitrary>], iteration_bounds = array<i64: 10>, scalar_prefetch = 0 : i64, scratch_operands = 0 : i64, tpu.core_type = #tpu.core_type<tc>, window_params = [{transform_indices = @transform_0, window_bounds = array<i64: 2, 1, 1000, 64>}, {transform_indices = @transform_1, window_bounds = array<i64: 1000, 1>}, {pipeline_mode = #tpu.pipeline_mode<synchronous>, transform_indices = @transform_2, window_bounds = array<i64: 1, 128>}, {pipeline_mode = #tpu.pipeline_mode<synchronous>, transform_indices = @transform_3, window_bounds = array<i64: 128, 64>}, {transform_indices = @transform_4, window_bounds = array<i64: 2, 1000, 32>}]} {
    %get3A = arith.constant 0 : index
    %get3A_0 = arith.constant 0 : index
    %get3A_1 = arith.constant 0 : index
    %get3A_2 = arith.constant 0 : index
    %get3A_3 = vector.load %arg1[%get3A, %get3A_0, %get3A_1, %get3A_2] : memref<2x1x1000x64xf32, #tpu.memory_space<vmem>>, vector<1x1x1000x64xf32>
    %get3A_4 = vector.shape_cast %get3A_3 : vector<1x1x1000x64xf32> to vector<1000x64xf32>
    %get3A_5 = arith.constant 1 : index
    %get3A_6 = arith.constant 0 : index
    %get3A_7 = arith.constant 0 : index
    %get3A_8 = arith.constant 0 : index
    %get3A_9 = vector.load %arg1[%get3A_5, %get3A_6, %get3A_7, %get3A_8] : memref<2x1x1000x64xf32, #tpu.memory_space<vmem>>, vector<1x1x1000x64xf32>
    %get3A_10 = vector.shape_cast %get3A_9 : vector<1x1x1000x64xf32> to vector<1000x64xf32>
    %concatenate3A = tpu.concatenate %get3A_4, %get3A_10 in 1 : vector<1000x64xf32>, vector<1000x64xf32> -> vector<1000x128xf32>
    %get3A_11 = arith.constant 0 : index
    %get3A_12 = arith.constant 0 : index
    %get3A_13 = vector.load %arg2[%get3A_11, %get3A_12] : memref<1000x1xf32, #tpu.memory_space<vmem>>, vector<1000x1xf32>
    %mul3A = vector.broadcast %get3A_13 : vector<1000x1xf32> to vector<1000x128xf32>
    %mul3A_14 = arith.mulf %concatenate3A, %mul3A : vector<1000x128xf32>
    %get3A_15 = arith.constant 0 : index
    %get3A_16 = arith.constant 0 : index
    %get3A_17 = vector.load %arg3[%get3A_15, %get3A_16] : memref<1x128xf32, #tpu.memory_space<vmem>>, vector<1x128xf32>
    %add3A = vector.broadcast %get3A_17 : vector<1x128xf32> to vector<1000x128xf32>
    %add3A_18 = arith.addf %mul3A_14, %add3A : vector<1000x128xf32>
    %max3A = arith.constant 0.000000e+00 : f32
    %max3A_19 = vector.broadcast %max3A : f32 to vector<1000x128xf32>
    %max3A_20 = arith.maximumf %add3A_18, %max3A_19 : vector<1000x128xf32>
    %get3A_21 = arith.constant 0 : index
    %get3A_22 = arith.constant 0 : index
    %get3A_23 = vector.load %arg4[%get3A_21, %get3A_22] : memref<128x64xf32, #tpu.memory_space<vmem>>, vector<128x64xf32>
    %dot_general3A = arith.constant dense<0.000000e+00> : vector<1000x64xf32>
    %dot_general3A_24 = tpu.matmul %max3A_20, %get3A_23, %dot_general3A {dimension_numbers = #tpu.dot_dimension_numbers<[1], [0], [0], [1], [0, 0, 1, 1], [], []>, transpose_lhs_hint = false} : vector<1000x128xf32>, vector<128x64xf32>, vector<1000x64xf32> -> vector<1000x64xf32>
    %mul3A_25 = vector.broadcast %get3A_13 : vector<1000x1xf32> to vector<1000x64xf32>
    %mul3A_26 = arith.mulf %dot_general3A_24, %mul3A_25 : vector<1000x64xf32>
    %slice3A = vector.extract_strided_slice %mul3A_26 {offsets = [0, 0], sizes = [1000, 32], strides = [1, 1]} : vector<1000x64xf32> to vector<1000x32xf32>
    %swap3A = arith.constant 0 : index
    %swap3A_27 = arith.constant 0 : index
    %swap3A_28 = arith.constant 0 : index
    %swap3A_29 = vector.load %arg5[%swap3A, %swap3A_27, %swap3A_28] : memref<2x1000x32xf32, #tpu.memory_space<vmem>>, vector<1x1000x32xf32>
    %swap3A_30 = vector.shape_cast %swap3A_29 : vector<1x1000x32xf32> to vector<1000x32xf32>
    %swap3A_31 = vector.shape_cast %slice3A : vector<1000x32xf32> to vector<1x1000x32xf32>
    tpu.vector_store %arg5[%swap3A, %swap3A_27, %swap3A_28], %swap3A_31 {strides = array<i32>} : memref<2x1000x32xf32, #tpu.memory_space<vmem>>, vector<1x1000x32xf32>,
    %slice3A_32 = vector.extract_strided_slice %mul3A_26 {offsets = [0, 32], sizes = [1000, 32], strides = [1, 1]} : vector<1000x64xf32> to vector<1000x32xf32>
    %swap3A_33 = arith.constant 1 : index
    %swap3A_34 = arith.constant 0 : index
    %swap3A_35 = arith.constant 0 : index
    %swap3A_36 = vector.load %arg5[%swap3A_33, %swap3A_34, %swap3A_35] : memref<2x1000x32xf32, #tpu.memory_space<vmem>>, vector<1x1000x32xf32>
    %swap3A_37 = vector.shape_cast %swap3A_36 : vector<1x1000x32xf32> to vector<1000x32xf32>
    %swap3A_38 = vector.shape_cast %slice3A_32 : vector<1000x32xf32> to vector<1x1000x32xf32>
    tpu.vector_store %arg5[%swap3A_33, %swap3A_34, %swap3A_35], %swap3A_38 {strides = array<i32>} : memref<2x1000x32xf32, #tpu.memory_space<vmem>>, vector<1x1000x32xf32>,
    return
  }
  func.func @transform_0(%arg0: i32) -> (i32, i32, i32, i32) {
    %c0_i32 = arith.constant 0 : i32
    %c0_i32_0 = arith.constant 0 : i32
    %c0_i32_1 = arith.constant 0 : i32
    %c0_i32_2 = arith.constant 0 : i32
    return %c0_i32, %c0_i32_0, %arg0, %c0_i32_1 : i32, i32, i32, i32
  }
  func.func @transform_1(%arg0: i32) -> (i32, i32) {
    %c0_i32 = arith.constant 0 : i32
    %c0_i32_0 = arith.constant 0 : i32
    return %arg0, %c0_i32 : i32, i32
  }
  func.func @transform_2(%arg0: i32) -> (i32, i32) {
    %c0_i32 = arith.constant 0 : i32
    %c0_i32_0 = arith.constant 0 : i32
    %c0_i32_1 = arith.constant 0 : i32
    return %c0_i32, %c0_i32_0 : i32, i32
  }
  func.func @transform_3(%arg0: i32) -> (i32, i32) {
    %c0_i32 = arith.constant 0 : i32
    %c0_i32_0 = arith.constant 0 : i32
    %c0_i32_1 = arith.constant 0 : i32
    return %c0_i32, %c0_i32_0 : i32, i32
  }
  func.func @transform_4(%arg0: i32) -> (i32, i32, i32) {
    %c0_i32 = arith.constant 0 : i32
    %c0_i32_0 = arith.constant 0 : i32
    %c0_i32_1 = arith.constant 0 : i32
    return %c0_i32, %arg0, %c0_i32_0 : i32, i32, i32
  }
}

module attributes {stable_mosaic.version = 14 : i64} {
  func.func @_f_body(%arg0: i32, %arg1: memref<2x1x1000x32xf32, #tpu.memory_space<vmem>>, %arg2: memref<1000x1xf32, #tpu.memory_space<vmem>>, %arg3: memref<1x40xf32, #tpu.memory_space<vmem>>, %arg4: memref<1000x40xf32, #tpu.memory_space<vmem>>) attributes {dimension_semantics = [#tpu.dimension_semantics<arbitrary>], iteration_bounds = array<i64: 10>, scalar_prefetch = 0 : i64, scratch_operands = 0 : i64, tpu.core_type = #tpu.core_type<tc>, window_params = [{transform_indices = @transform_0, window_bounds = array<i64: 2, 1, 1000, 32>}, {transform_indices = @transform_1, window_bounds = array<i64: 1000, 1>}, {pipeline_mode = #tpu.pipeline_mode<synchronous>, transform_indices = @transform_2, window_bounds = array<i64: 1, 40>}, {transform_indices = @transform_3, window_bounds = array<i64: 1000, 40>}]} {
    %get3A = arith.constant 0 : index
    %get3A_0 = arith.constant 0 : index
    %get3A_1 = arith.constant 0 : index
    %get3A_2 = arith.constant 0 : index
    %get3A_3 = vector.load %arg1[%get3A, %get3A_0, %get3A_1, %get3A_2] : memref<2x1x1000x32xf32, #tpu.memory_space<vmem>>, vector<1x1x1000x32xf32>
    %get3A_4 = vector.shape_cast %get3A_3 : vector<1x1x1000x32xf32> to vector<1000x32xf32>
    %get3A_5 = arith.constant 1 : index
    %get3A_6 = arith.constant 0 : index
    %get3A_7 = arith.constant 0 : index
    %get3A_8 = arith.constant 0 : index
    %get3A_9 = vector.load %arg1[%get3A_5, %get3A_6, %get3A_7, %get3A_8] : memref<2x1x1000x32xf32, #tpu.memory_space<vmem>>, vector<1x1x1000x32xf32>
    %get3A_10 = vector.shape_cast %get3A_9 : vector<1x1x1000x32xf32> to vector<1000x32xf32>
    %concatenate3A = tpu.concatenate %get3A_4, %get3A_10 in 1 : vector<1000x32xf32>, vector<1000x32xf32> -> vector<1000x64xf32>
    %get3A_11 = arith.constant 0 : index
    %get3A_12 = arith.constant 0 : index
    %get3A_13 = vector.load %arg2[%get3A_11, %get3A_12] : memref<1000x1xf32, #tpu.memory_space<vmem>>, vector<1000x1xf32>
    %mul3A = vector.broadcast %get3A_13 : vector<1000x1xf32> to vector<1000x64xf32>
    %mul3A_14 = arith.mulf %concatenate3A, %mul3A : vector<1000x64xf32>
    %slice3A = vector.extract_strided_slice %mul3A_14 {offsets = [0, 0], sizes = [1000, 40], strides = [1, 1]} : vector<1000x64xf32> to vector<1000x40xf32>
    %get3A_15 = arith.constant 0 : index
    %get3A_16 = arith.constant 0 : index
    %get3A_17 = vector.load %arg3[%get3A_15, %get3A_16] : memref<1x40xf32, #tpu.memory_space<vmem>>, vector<1x40xf32>
    %add3A = vector.broadcast %get3A_17 : vector<1x40xf32> to vector<1000x40xf32>
    %add3A_18 = arith.addf %slice3A, %add3A : vector<1000x40xf32>
    %swap3A = arith.constant 0 : index
    %swap3A_19 = arith.constant 0 : index
    %swap3A_20 = vector.load %arg4[%swap3A, %swap3A_19] : memref<1000x40xf32, #tpu.memory_space<vmem>>, vector<1000x40xf32>
    tpu.vector_store %arg4[%swap3A, %swap3A_19], %add3A_18 {strides = array<i32>} : memref<1000x40xf32, #tpu.memory_space<vmem>>, vector<1000x40xf32>,
    return
  }
  func.func @transform_0(%arg0: i32) -> (i32, i32, i32, i32) {
    %c0_i32 = arith.constant 0 : i32
    %c0_i32_0 = arith.constant 0 : i32
    %c0_i32_1 = arith.constant 0 : i32
    %c0_i32_2 = arith.constant 0 : i32
    return %c0_i32, %c0_i32_0, %arg0, %c0_i32_1 : i32, i32, i32, i32
  }
  func.func @transform_1(%arg0: i32) -> (i32, i32) {
    %c0_i32 = arith.constant 0 : i32
    %c0_i32_0 = arith.constant 0 : i32
    return %arg0, %c0_i32 : i32, i32
  }
  func.func @transform_2(%arg0: i32) -> (i32, i32) {
    %c0_i32 = arith.constant 0 : i32
    %c0_i32_0 = arith.constant 0 : i32
    %c0_i32_1 = arith.constant 0 : i32
    return %c0_i32, %c0_i32_0 : i32, i32
  }
  func.func @transform_3(%arg0: i32) -> (i32, i32) {
    %c0_i32 = arith.constant 0 : i32
    %c0_i32_0 = arith.constant 0 : i32
    return %arg0, %c0_i32 : i32, i32
  }
}

</mosaic_0001>

<sc_bundles>
// kernel: kernel.11.cloned.1.call-start
scs
__scs_entry_jumppad:
0x0: {  	(pc) =	sbr.rel $0x88, $3  }
0x1: {  	(tag) =	ssettag $0x0;
	lr =	simm.s32 $0x1  }
0x2: {  	[smem:$0x3F9B] =	sst lr;
	_ =	strace $0xD0000000  }
0x3: {  	_ = 	snop  }
0x4: {  	_ = 	snop  }
0x5: {  	_ = 	snop  }
0x6: {  	_ = 	snop  }
0x7: {  	_ = 	snop  }
__scs_overlays_trampoline_lowered:
0x8: {  	[smem:$0x3FAA] =	sst s0  }
0x9: {  	[smem:$0x3FAB] =	sst s1  }
0xa: {  	[smem:$0x3FAC] =	sst s2  }
0xb: {  	[smem:$0x3FAD] =	sst s3  }
0xc: {  	[smem:$0x3FAE] =	sst s4  }
0xd: {  	[smem:$0x3FAF] =	sst s5  }
0xe: {  	[smem:$0x3FB0] =	sst s6  }
0xf: {  	[smem:$0x3FB1] =	sst s7  }
0x10: {  	[smem:$0x3FB2] =	sst s8  }
0x11: {  	[smem:$0x3FB3] =	sst s9;
	s0 =	simm.s32 @!p0 $0x0  }
0x12: {  	s1 =	sld [smem:$0x3F99];
	s0 =	simm.s32 @p0 $0x1  }
0x13: {  	[smem:$0x3FB4] =	sst s0;
	s0 =	simm.s32 @!p1 $0x0  }
0x14: {  	s2 =	sld [smem:$0x3F98];
	s0 =	simm.s32 @p1 $0x1  }
0x15: {  	[smem:$0x3FB5] =	sst s0;
	s0 =	simm.s32 @!p2 $0x0  }
0x16: {  	s3 =	sld [smem:$0x3FDB];
	s0 =	simm.s32 @p2 $0x1  }
0x17: {  	s4 =	simm.s32 $0x1BF5;
	[smem:$0x3FB7] =	sst s0  }
0x18: {  	s0 =	sld [smem:$0x3F9A];
	_ =	swait.ge [sflag:s4], $0x0  }
0x19: {  	s7 =	sld [smem:$0x3F9B]  }
0x1a: {  	s8 =	sadd.s32 $0xFFFFE003, lr  }
0x1b: {  	s9 =	sadd.s32 $0xFFFFFEF7, lr;
	s5 =	simm.s32 $0xFFFFFFFF;
	p2 =	slt.u32 s8, $0xFFFFF086  }
0x1c: {  	p1 =	slt.u32 s9, $0xF7A;
	s5 =	simm.s32 @!p2 $0x0  }
0x1d: {  	s5 =	simm.s32 @p1 $0x1;
	p0 =	seq.s32 s7, s2  }
0x1e: {  	s7 =	smul.u32 @!p0 $0xF7A, s2;
	p2 =	seq.s32 @!p0 s5, $0x0  }
0x1f: {  	s9 =	smul.u32 $0xF7A, s1;
	s8 =	simm.s32 @!p0 $0x1BF5;
	p2 =	por !p2, p0  }
0x20: {  	[sflag:s8] =	ssyncset.s32 @!p0 $0xFFFFF086;
	s6 =	sadd.s32 @!p0 s3, s7;
	s7 =	simm.s32 @!p0 $0x108  }
0x21: {  	s3 =	sadd.s32 s3, s9;
	s6 =	sadd.s32 @!p0 $0x88, s6;
	s7 =	simm.s32 @p2 $0x1082  }
0x22: {  	[simem:s7], [sflag:s8] =	dma.local @!p0 [hbm:s6], $0xF7A  }
0x23: {  	s9 =	sor.u32 $0xD0000000, s2;
	s6 =	simm.s32 $0x108;
	_ =	swait.ge @!p0 [sflag:s8], $0x0  }
0x24: {  	s3 =	sadd.s32 $0x88, s3;
	s6 =	simm.s32 @!p1 $0x1082;
	[sflag:s4] =	ssyncset.s32 $0xFFFFF086  }
0x25: {  	[simem:s6], [sflag:s4] =	dma.local [hbm:s3], $0xF7A  }
0x26: {  	[smem:$0x3F9B] =	sst s1;
	(tag) =	ssettag s2;
	_ =	strace s9  }
0x27: {  	s1 =	sld [smem:$0x3FAB]  }
0x28: {  	s2 =	sld [smem:$0x3FAC]  }
0x29: {  	s4 =	sld [smem:$0x3FAE]  }
0x2a: {  	p0 =	seq.s32 s5, $0x0;
	s5 =	sld [smem:$0x3FAF]  }
0x2b: {  	s6 =	sld [smem:$0x3FB0]  }
0x2c: {  	s7 =	sld [smem:$0x3FB1]  }
0x2d: {  	s3 =	simm.s32 $0x108;
	s8 =	sld [smem:$0x3FB2]  }
0x2e: {  	s3 =	simm.s32 @!p0 $0x1082;
	s9 =	sld [smem:$0x3FB3]  }
0x2f: {  	lr =	sadd.s32 s0, s3;
	s0 =	sld [smem:$0x3FAA]  }
0x30: {  	s3 =	sld [smem:$0x3FAD]  }
0x31: {  	[smem:$0x3FB6] =	sst s10  }
0x32: {  	s10 =	sld [smem:$0x3FB4];
	_ =	sdelay $0x3  }
0x33: {  	p0 =	seq.s32 s10, $0x1;
	s10 =	sld [smem:$0x3FB6];
	_ =	sdelay $0x3  }
0x34: {  	[smem:$0x3FB6] =	sst s10  }
0x35: {  	s10 =	sld [smem:$0x3FB5];
	_ =	sdelay $0x3  }
0x36: {  	p1 =	seq.s32 s10, $0x1;
	s10 =	sld [smem:$0x3FB6];
	_ =	sdelay $0x3  }
0x37: {  	[smem:$0x3FB6] =	sst s10  }
0x38: {  	s10 =	sld [smem:$0x3FB7]  }
0x39: {  	_ = 	snop;
	(pc) =	sbr.ind lr, $3  }
0x3a: {  	_ = 	snop  }
0x3b: {  	_ = 	snop  }
0x3c: {  	p2 =	seq.s32 s10, $0x1;
	s10 =	sld [smem:$0x3FB6]  }
0x3d: {  	_ =	shalt  }
0x3e: {  	_ =	shalt  }
0x3f: {  	_ =	shalt  }
0x40: {  	_ =	shalt  }
0x41: {  	_ =	shalt  }
0x42: {  	_ =	shalt  }
0x43: {  	_ =	shalt  }
0x44: {  	_ =	shalt  }
0x45: {  	_ =	shalt  }
0x46: {  	_ =	shalt  }
0x47: {  	_ =	shalt  }
0x48: {  	_ =	shalt  }
0x49: {  	_ =	shalt  }
0x4a: {  	_ =	shalt  }
0x4b: {  	_ =	shalt  }
0x4c: {  	_ =	shalt  }
0x4d: {  	_ =	shalt  }
0x4e: {  	_ =	shalt  }
0x4f: {  	_ =	shalt  }
0x50: {  	_ =	shalt  }
0x51: {  	_ =	shalt  }
0x52: {  	_ =	shalt  }
0x53: {  	_ =	shalt  }
0x54: {  	_ =	shalt  }
0x55: {  	_ =	shalt  }
0x56: {  	_ =	shalt  }
0x57: {  	_ =	shalt  }
0x58: {  	_ =	shalt  }
0x59: {  	_ =	shalt  }
0x5a: {  	_ =	shalt  }
0x5b: {  	_ =	shalt  }
0x5c: {  	_ =	shalt  }
0x5d: {  	_ =	shalt  }
0x5e: {  	_ =	shalt  }
0x5f: {  	_ =	shalt  }
0x60: {  	_ =	shalt  }
0x61: {  	_ =	shalt  }
0x62: {  	_ =	shalt  }
0x63: {  	_ =	shalt  }
0x64: {  	_ =	shalt  }
0x65: {  	_ =	shalt  }
0x66: {  	_ =	shalt  }
0x67: {  	_ =	shalt  }
0x68: {  	_ =	shalt  }
0x69: {  	_ =	shalt  }
0x6a: {  	_ =	shalt  }
0x6b: {  	_ =	shalt  }
0x6c: {  	_ =	shalt  }
0x6d: {  	_ =	shalt  }
0x6e: {  	_ =	shalt  }
0x6f: {  	_ =	shalt  }
0x70: {  	_ =	shalt  }
0x71: {  	_ =	shalt  }
0x72: {  	_ =	shalt  }
0x73: {  	_ =	shalt  }
0x74: {  	_ =	shalt  }
0x75: {  	_ =	shalt  }
0x76: {  	_ =	shalt  }
0x77: {  	_ =	shalt  }
0x78: {  	_ =	shalt  }
0x79: {  	_ =	shalt  }
0x7a: {  	_ =	shalt  }
0x7b: {  	_ =	shalt  }
0x7c: {  	_ =	shalt  }
0x7d: {  	_ =	shalt  }
0x7e: {  	_ =	shalt  }
0x7f: {  	_ =	shalt  }
0x80: {  	_ =	shalt  }
0x81: {  	_ =	shalt  }
0x82: {  	_ =	shalt  }
0x83: {  	_ =	shalt  }
0x84: {  	_ =	shalt  }
0x85: {  	_ =	shalt  }
0x86: {  	_ =	shalt  }
0x87: {  	_ =	shalt  }
.Lfunc_end0:
.L_simem_size_0:
called_computation.1_lowered:
.L_overlay_start_0:
0x88: {  	s2 =	sld [smem:$0x3FD9]  }
0x89: {  	s3 =	sld [smem:$0x3FFE];
	_ =	sdelay $0x1  }
0x8a: {  	s1 =	srdreg.scid  }
0x8b: {  	s0 =	sand.u32 $0x1, s1  }
0x8c: {  	s16 =	sshll.u32 s0, $0xA;
	s2 =	sadd.s32 s3, s2  }
0x8d: {  	s2 =	sadd.s32 s2, s16  }
0x8e: {  	[smem:$0x3FC2] =	sst s2  }
0x8f: {  	_ = 	snop  }
0x90: {  	(tm) =	ssettm $0x1  }
0x91: {  	s17 =	sld [smem:$0x3FFB];
	_ =	sdelay $0x3  }
0x92: {  	_ =	strace s17  }
0x93: {  	s2 =	sld [smem:$0x3FFC];
	_ =	sdelay $0x3  }
0x94: {  	_ =	strace s2  }
0x95: {  	s2 =	sld [smem:$0x3FFD];
	_ =	sdelay $0x3  }
0x96: {  	_ =	strace s2  }
0x97: {  	_ =	strace $0x8FFFFFFF  }
0x98: {  	s18 =	sld [smem:$0x3FDB];
	_ =	sdelay $0x1  }
0x99: {  	s19 =	simm.s32 $_scs_section_size  }
0x9a: {  	s4 =	simm.s32 $_size__tile_overlayer_lowered;
	s5 =	simm.s32 $_tile_overlayer_lowered  }
0x9b: {  	s22 =	simm.s32 $0x1BFF;
	s21 =	sshll.u32 s5, $0x1;
	s2 =	sadd.s32 s19, s18  }
0x9c: {  	s6 =	simm.s32 $0x0;
	s20 =	sshll.u32 s4, $0x1;
	s4 =	sadd.s32 s21, s2  }
0x9d: {  	[timem:s6], [sflag:s22] =	dma.local [hbm:s4], s20  }
0x9e: {  	_ =	swait.ge [sflag:s22], s20  }
0x9f: {  	s3 =	ssub.s32 $0x0, s20;
	[sflag:s22] =	ssyncset.done $0x0  }
0xa0: {  	[sflag:s22] =	ssyncadd.s32 s3;
	_ =	sdelay $0x1  }
0xa1: {  	s23 =	simm.s32 $0x1B8B  }
0xa2: {  	_ =	swait.ge [sflag:s23], $0x1  }
0xa3: {  	[sflag:s23] =	ssyncset.done $0x0  }
0xa4: {  	s25 =	simm.s32 $0x1B8E;
	s24 =	sld [smem:$0x3FFE];
	[sflag:s23] =	ssyncadd.s32 $0xFFFFFFFF  }
0xa5: {  	s26 =	simm.s32 $execute0_lowered;
	[smem:$0x3FD2] =	sst s25  }
0xa6: {  	s4 =	sshll.u32 s26, $0x1;
	_ =	strace $0x80000049;
	[dreg:$0x1] =	wrdreg $0xFFFFFFFF  }
0xa7: {  	s28 =	simm.s32 $_size_execute0_lowered;
	s2 =	sadd.s32 s2, s4;
	[dreg:$0x0] =	wrdreg $0x0  }
0xa8: {  	s4 =	sshll.u32 s28, $0x1;
	[dreg:$0x2] =	wrdreg s2  }
0xa9: {  	[dreg:$0x3] =	wrdreg s4  }
0xaa: {  	[dreg:$0x4] =	wrdreg $0xC0  }
0xab: {  	_ =	task [dreg:s6], $0x5FFFF  }
0xac: {  	[dreg:$0x1] =	wrdreg $0xFFFFFFFF  }
0xad: {  	[dreg:$0x0] =	wrdreg $0x60  }
0xae: {  	[dreg:$0x2] =	wrdreg s24  }
0xaf: {  	[dreg:$0x3] =	wrdreg $0x0  }
0xb0: {  	[dreg:$0x4] =	wrdreg $0x9  }
0xb1: {  	_ =	task.clear_ibuf [dreg:s6], $0x5FFFF;
	_ =	strace $0x90000049  }
0xb2: {  	s29 =	simm.s32 $0x9;
	_ =	strace $0x8000004B  }
0xb3: {  	_ =	swait.ge [sflag:s29], $0x1  }
0xb4: {  	[sflag:s29] =	ssyncadd.s32 $0xFFFFFFFF  }
0xb5: {  	_ =	strace $0x9000004B  }
0xb6: {  	_ =	sfence  }
0xb7: {  	s30 =	sld [smem:$0x0];
	_ =	sdelay $0x2  }
0xb8: {  	s31 =	sshll.u32 s1, $0xD;
	s1 =	sshrl.u32 s1, $0x2  }
0xb9: {  	s3 =	sand.u32 $0x4000, s31;
	s1 =	sadd.s32 s1, s30  }
0xba: {  	s0 =	sor.u32 s3, s0;
	s1 =	sshll.u32 s1, $0x11  }
0xbb: {  	s0 =	sor.u32 s1, s0  }
0xbc: {  	s0 =	sadd.s32 $0x8F2B, s0  }
0xbd: {  	[sflag:s0] =	ssyncadd.remote.s32 $0x1  }
0xbe: {  	_ =	sfence.sel $0xFFFF  }
0xbf: {  	[dreg:$0x0] =	wrdreg $0xFFFFFFFF;
	(pc) =	sbr.abs _section_cstart, $3  }
0xc0: {  	[dreg:$0x1] =	wrdreg $0xFFFFFFFF  }
0xc1: {  	_ =	task.clear_ibuf [dreg:s6], $0x2FFFF;
	_ =	strace $0x9FFFFFFF  }
0xc2: {  	(tm) =	ssettm $0x7FFFFFFF  }
0xc3: {  	_ =	shalt  }
tec
execute0_lowered:
.L_overlay_start_1:
0x0: {  	(tag) =	ssettag $0x1  }
0x1: {  	s0 =	rddreg [dreg:$0x0]  }
0x2: {  	s2 =	rddreg [dreg:$0x1]  }
0x3: {  	s8 =	stileid.u32;
	s1 =	srdreg.scid;
	s3 =	simm.s32 $0x0  }
0x4: {  	s14 =	simm.s32 $0xA000;
	s15 =	simm.s32 $0x9;
	s16 =	simm.s32 $0xC000  }
0x5: {  	s17 =	simm.s32 $0x10E20;
	s18 =	simm.s32 $0x50;
	s19 =	simm.s32 $0x15C40  }
0x6: {  	s21 =	simm.s32 $0x17040;
	s22 =	simm.s32 $0x1;
	s24 =	simm.s32 $0x18440  }
0x7: {  	s30 =	simm.s32 $0x19840;
	s31 =	simm.s32 $0x3;
	s5 =	smul.u32 $0xA000, s8  }
0x8: {  	s23 =	simm.s32 $0x4;
	s28 =	simm.s32 $0x7;
	s7 =	smul.u32 $0x9C4, s8  }
0x9: {  	s1 =	sand.u32 $0x1, s1;
	[smem:$0x7FF] =	sst s3;
	s8 =	smul.u32 $0x28000, s8  }
0xa: {  	s4 =	sadd.s32 $0x15200, s0;
	s6 =	smul.u32 $0xA0000, s1;
	_ =	strace $0x8000004A  }
0xb: {  	s25 =	ssub.s32 $0x2, s1;
	s1 =	smul.u32 $0x2710, s1;
	s11 =	sadd.s32 s7, s0  }
0xc: {  	s26 =	sshrl.u32 s25, $0x1;
	s8 =	sshrl.u32 s8, $0x2;
	s6 =	sadd.s32 s5, s6  }
0xd: {  	s13 =	ssub.s32 s25, s26;
	s9 =	sadd.s32 s8, s2;
	s5 =	sadd.s32 s5, s2  }
0xe: {  	s10 =	sadd.s32 $0x1600, s11;
	s11 =	sadd.s32 $0xB400, s11;
	s25 =	simm.s32 $0x2  }
0xf: {  	s26 =	simm.s32 $0x5;
	v0 =	vmov s1;
	s1 =	simm.s32 $0x8;
	s6 =	sshrl.u32 s6, $0x3  }
0x10: {  	s29 =	sadd.s32 $0x2000, s9;
	s7 =	sadd.s32 $0x4000, s9;
	s8 =	sadd.s32 $0x6000, s9  }
0x11: {  	s9 =	sadd.s32 $0x8000, s9;
	s13 =	smax.u32 s13, $0x1;
	s0 =	sadd.s32 s6, s0  }
0x12: {  	v1 =	vimm.f32 $0.0e+00;
	[dreg:$0x3] =	wrdreg s29;
	s12 =	sadd.s32 $0x3C400, s0;
	s0 =	simm.s32 $0x6  }
.LBB2_1:
0x13: {  	s29 =	simm.s32 $0x100;
	s20 =	simm.s32 $0x0  }
.LBB2_2:
0x14: {  	p0 =	sne.s32 s29, $0x7F00;
	[tilespmem:s20+$0xA030] =	vst v1;
	s6 =	smov.u32 s29;
	s29 =	sadd.s32 $0x100, s29  }
.Ltmp0:
0x15: {  	[tilespmem:s20+$0xA020] =	vst v1;
	(pc) =	sbr.rel @p0 .LBB2_2-.Ltmp0, $3  }
0x16: {  	[tilespmem:s20+$0xA000] =	vst v1  }
0x17: {  	[tilespmem:s20+$0xA010] =	vst v1;
	_ =	sdelay $0x1  }
0x18: {  	s20 =	sshra.s32 s6, $0x2  }
0x19: {  	[tilespmem:s20+$0xA030] =	vst v1  }
0x1a: {  	[tilespmem:s20+$0xA020] =	vst v1  }
0x1b: {  	[tilespmem:s20+$0xA000] =	vst v1  }
0x1c: {  	[tilespmem:s20+$0xA010] =	vst v1  }
0x1d: {  	[spmem:s5] =	stream.linear.scatter [tilespmem:s14], [sflag:$0x9], $0x2000, $0x38;
	[tilespmem:$0x1AC40] =	vst v63  }
0x1e: {  	_ =	swait.ge [sflag:s15], $0x2000  }
0x1f: {  	[sflag:s15] =	ssyncset.done $0x0  }
0x20: {  	s6 =	rddreg [dreg:$0x3];
	[sflag:s15] =	ssyncadd.s32 $0xFFFFE000  }
0x21: {  	[spmem:s6] =	stream.linear.scatter [tilespmem:s14], [sflag:$0x9], $0x2000, $0x38;
	[tilespmem:$0x1AC40] =	vst v63  }
0x22: {  	_ =	swait.ge [sflag:s15], $0x2000  }
0x23: {  	[sflag:s15] =	ssyncset.done $0x0  }
0x24: {  	[sflag:s15] =	ssyncadd.s32 $0xFFFFE000  }
0x25: {  	[spmem:s7] =	stream.linear.scatter [tilespmem:s14], [sflag:$0x9], $0x2000, $0x38;
	[tilespmem:$0x1AC40] =	vst v63  }
0x26: {  	_ =	swait.ge [sflag:s15], $0x2000  }
0x27: {  	[sflag:s15] =	ssyncset.done $0x0  }
0x28: {  	[sflag:s15] =	ssyncadd.s32 $0xFFFFE000  }
0x29: {  	[spmem:s8] =	stream.linear.scatter [tilespmem:s14], [sflag:$0x9], $0x2000, $0x38;
	[tilespmem:$0x1AC40] =	vst v63  }
0x2a: {  	_ =	swait.ge [sflag:s15], $0x2000  }
0x2b: {  	[sflag:s15] =	ssyncset.done $0x0  }
0x2c: {  	[sflag:s15] =	ssyncadd.s32 $0xFFFFE000  }
0x2d: {  	[spmem:s9] =	stream.linear.scatter [tilespmem:s14], [sflag:$0x9], $0x2000, $0x38;
	[tilespmem:$0x1AC40] =	vst v63  }
0x2e: {  	_ =	swait.ge [sflag:s15], $0x2000  }
0x2f: {  	[sflag:s15] =	ssyncset.done $0x0  }
0x30: {  	[sflag:s15] =	ssyncadd.s32 $0xFFFFE000  }
0x31: {  	s20 =	simm.s32 $0x0;
	[bflag:$0x0] =	sbarrier.arrive $0xFFFF  }
0x32: {  	[tilespmem:s16], [sflag:$0x9] =	stream.linear.gather [hbm4b:s10+s20], $0x4E20, $0x38;
	[tilespmem:$0x1AC40] =	vst v63  }
0x33: {  	_ =	swait.ge [sflag:s15], $0x4E20  }
0x34: {  	[sflag:s15] =	ssyncset.done $0x0  }
0x35: {  	[sflag:s15] =	ssyncadd.s32 $0xFFFFB1E0  }
0x36: {  	[tilespmem:s17], [sflag:$0x9] =	stream.linear.gather [hbm4b:s11+s20], $0x4E20, $0x38;
	[tilespmem:$0x1AC40] =	vst v63  }
0x37: {  	_ =	swait.ge [sflag:s15], $0x4E20  }
0x38: {  	[sflag:s15] =	ssyncset.done $0x0  }
0x39: {  	s20 =	simm.s32 $0x0;
	[sflag:s15] =	ssyncadd.s32 $0xFFFFB1E0  }
0x3a: {  	v5 =	vld [tilespmem:s20+$0xC000]  }
0x3b: {  	v4 =	vld [tilespmem:s20+$0xC010]  }
0x3c: {  	v3 =	vld [tilespmem:s20+$0xC020]  }
0x3d: {  	s29 =	simm.s32 $0x140;
	v2 =	vld [tilespmem:s20+$0xC030]  }
.LBB2_4:
0x3e: {  	p0 =	sne.s32 s29, $0x13740;
	v6 =	vld [tilespmem:s20+$0xC040]  }
0x3f: {  	v5 =	vadd.s32 v0, v5  }
.Ltmp1:
0x40: {  	s6 =	sshra.s32 s29, $0x2;
	[tilespmem:s20+$0xC000] =	vst v5;
	v4 =	vadd.s32 v0, v4;
	(pc) =	sbr.rel @p0 .LBB2_4-.Ltmp1, $4  }
0x41: {  	v5 =	vld [tilespmem:s6+$0xC000];
	[tilespmem:s20+$0xC010] =	vst v4;
	v3 =	vadd.s32 v0, v3  }
0x42: {  	v4 =	vld [tilespmem:s6+$0xC010];
	[tilespmem:s20+$0xC020] =	vst v3;
	v2 =	vadd.s32 v0, v2  }
0x43: {  	v3 =	vld [tilespmem:s6+$0xC020];
	[tilespmem:s20+$0xC030] =	vst v2;
	v6 =	vadd.s32 v0, v6  }
0x44: {  	s29 =	sadd.s32 $0x140, s29;
	v2 =	vld [tilespmem:s6+$0xC030];
	[tilespmem:s20+$0xC040] =	vst v6;
	s20 =	smov.u32 s6  }
0x45: {  	v6 =	vld [tilespmem:s20+$0xC040]  }
0x46: {  	v5 =	vadd.s32 v0, v5  }
0x47: {  	[tilespmem:s20+$0xC000] =	vst v5;
	v4 =	vadd.s32 v0, v4  }
0x48: {  	[tilespmem:s20+$0xC010] =	vst v4;
	v3 =	vadd.s32 v0, v3  }
0x49: {  	[tilespmem:s20+$0xC020] =	vst v3;
	v2 =	vadd.s32 v0, v2  }
0x4a: {  	[tilespmem:s20+$0xC030] =	vst v2;
	v2 =	vadd.s32 v0, v6  }
0x4b: {  	[tilespmem:s20+$0xC040] =	vst v2  }
0x4c: {  	[tilespmem:s19], [sflag:$0x1] =	stream.indirect.gather [hbm4b:s4+s18], $0x40, s16, s18, $0xb8;
	[tilespmem:$0x1AC40] =	vst v63  }
0x4d: {  	s6 =	simm.s32 $0xC050  }
0x4e: {  	[tilespmem:s21], [sflag:$0x2] =	stream.indirect.gather [hbm4b:s4+s18], $0x40, s6, s18, $0xb8;
	[tilespmem:$0x1AC40] =	vst v63  }
0x4f: {  	_ =	swait.ge [sflag:s22], $0x1400  }
0x50: {  	[sflag:s22] =	ssyncset.done $0x0  }
0x51: {  	[sflag:s22] =	ssyncadd.s32 $0xFFFFEC00  }
0x52: {  	[spmem:s2] =	stream.indirect.scatter.add.f32 [tilespmem:s19], [sflag:$0x5], $0x40, s17, s18, $0xb8;
	[tilespmem:$0x1AC40] =	vst v63  }
0x53: {  	s20 =	simm.s32 $0xC0A0  }
0x54: {  	[tilespmem:s24], [sflag:$0x3] =	stream.indirect.gather [hbm4b:s4+s18], $0x40, s20, s18, $0xb8;
	[tilespmem:$0x1AC40] =	vst v63  }
0x55: {  	_ =	swait.ge [sflag:s25], $0x1400  }
0x56: {  	[sflag:s25] =	ssyncset.done $0x0  }
0x57: {  	[sflag:s25] =	ssyncadd.s32 $0xFFFFEC00  }
0x58: {  	_ =	swait.ge [sflag:s26], $0x1400  }
0x59: {  	[sflag:s26] =	ssyncset.done $0x0  }
0x5a: {  	s20 =	simm.s32 $0x10E70;
	[sflag:s26] =	ssyncadd.s32 $0xFFFFEC00  }
0x5b: {  	[spmem:s2] =	stream.indirect.scatter.add.f32 [tilespmem:s21], [sflag:$0x6], $0x40, s20, s18, $0xb8;
	[tilespmem:$0x1AC40] =	vst v63  }
0x5c: {  	s20 =	simm.s32 $0xC0F0  }
0x5d: {  	[tilespmem:s30], [sflag:$0x4] =	stream.indirect.gather [hbm4b:s4+s18], $0x40, s20, s18, $0xb8;
	[tilespmem:$0x1AC40] =	vst v63  }
0x5e: {  	_ =	swait.ge [sflag:s31], $0x1400  }
0x5f: {  	[sflag:s31] =	ssyncset.done $0x0  }
0x60: {  	[sflag:s31] =	ssyncadd.s32 $0xFFFFEC00  }
0x61: {  	_ =	swait.ge [sflag:s0], $0x1400  }
0x62: {  	[sflag:s0] =	ssyncset.done $0x0  }
0x63: {  	s20 =	simm.s32 $0x10EC0;
	[sflag:s0] =	ssyncadd.s32 $0xFFFFEC00  }
0x64: {  	[spmem:s2] =	stream.indirect.scatter.add.f32 [tilespmem:s24], [sflag:$0x7], $0x40, s20, s18, $0xb8;
	[tilespmem:$0x1AC40] =	vst v63  }
0x65: {  	s20 =	simm.s32 $0xC140  }
0x66: {  	[tilespmem:s19], [sflag:$0x1] =	stream.indirect.gather [hbm4b:s4+s18], $0x40, s20, s18, $0xb8;
	[tilespmem:$0x1AC40] =	vst v63  }
0x67: {  	_ =	swait.ge [sflag:s23], $0x1400  }
0x68: {  	[sflag:s23] =	ssyncset.done $0x0  }
0x69: {  	[sflag:s23] =	ssyncadd.s32 $0xFFFFEC00  }
0x6a: {  	_ =	swait.ge [sflag:s28], $0x1400  }
0x6b: {  	[sflag:s28] =	ssyncset.done $0x0  }
0x6c: {  	s20 =	simm.s32 $0x10F10;
	[sflag:s28] =	ssyncadd.s32 $0xFFFFEC00  }
0x6d: {  	[spmem:s2] =	stream.indirect.scatter.add.f32 [tilespmem:s30], [sflag:$0x8], $0x40, s20, s18, $0xb8;
	[tilespmem:$0x1AC40] =	vst v63  }
0x6e: {  	s20 =	simm.s32 $0xC190  }
0x6f: {  	[tilespmem:s21], [sflag:$0x2] =	stream.indirect.gather [hbm4b:s4+s18], $0x40, s20, s18, $0xb8;
	[tilespmem:$0x1AC40] =	vst v63  }
0x70: {  	_ =	swait.ge [sflag:s22], $0x1400  }
0x71: {  	[sflag:s22] =	ssyncset.done $0x0  }
0x72: {  	[sflag:s22] =	ssyncadd.s32 $0xFFFFEC00  }
0x73: {  	_ =	swait.ge [sflag:s1], $0x1400  }
0x74: {  	[sflag:s1] =	ssyncset.done $0x0  }
0x75: {  	s20 =	simm.s32 $0x10F60;
	[sflag:s1] =	ssyncadd.s32 $0xFFFFEC00  }
0x76: {  	[spmem:s2] =	stream.indirect.scatter.add.f32 [tilespmem:s19], [sflag:$0x5], $0x40, s20, s18, $0xb8;
	[tilespmem:$0x1AC40] =	vst v63  }
0x77: {  	s20 =	simm.s32 $0xC1E0  }
0x78: {  	[tilespmem:s24], [sflag:$0x3] =	stream.indirect.gather [hbm4b:s4+s18], $0x40, s20, s18, $0xb8;
	[tilespmem:$0x1AC40] =	vst v63  }
0x79: {  	_ =	swait.ge [sflag:s25], $0x1400  }
0x7a: {  	[sflag:s25] =	ssyncset.done $0x0  }
0x7b: {  	[sflag:s25] =	ssyncadd.s32 $0xFFFFEC00  }
0x7c: {  	_ =	swait.ge [sflag:s26], $0x1400  }
0x7d: {  	[sflag:s26] =	ssyncset.done $0x0  }
0x7e: {  	s20 =	simm.s32 $0x10FB0;
	[sflag:s26] =	ssyncadd.s32 $0xFFFFEC00  }
0x7f: {  	[spmem:s2] =	stream.indirect.scatter.add.f32 [tilespmem:s21], [sflag:$0x6], $0x40, s20, s18, $0xb8;
	[tilespmem:$0x1AC40] =	vst v63  }
0x80: {  	s20 =	simm.s32 $0xC230  }
0x81: {  	[tilespmem:s30], [sflag:$0x4] =	stream.indirect.gather [hbm4b:s4+s18], $0x40, s20, s18, $0xb8;
	[tilespmem:$0x1AC40] =	vst v63  }
0x82: {  	_ =	swait.ge [sflag:s31], $0x1400  }
0x83: {  	[sflag:s31] =	ssyncset.done $0x0  }
0x84: {  	[sflag:s31] =	ssyncadd.s32 $0xFFFFEC00  }
0x85: {  	_ =	swait.ge [sflag:s0], $0x1400  }
0x86: {  	[sflag:s0] =	ssyncset.done $0x0  }
0x87: {  	s20 =	simm.s32 $0x11000;
	[sflag:s0] =	ssyncadd.s32 $0xFFFFEC00  }
0x88: {  	[spmem:s2] =	stream.indirect.scatter.add.f32 [tilespmem:s24], [sflag:$0x7], $0x40, s20, s18, $0xb8;
	[tilespmem:$0x1AC40] =	vst v63  }
0x89: {  	s20 =	simm.s32 $0xC280  }
0x8a: {  	[tilespmem:s19], [sflag:$0x1] =	stream.indirect.gather [hbm4b:s4+s18], $0x40, s20, s18, $0xb8;
	[tilespmem:$0x1AC40] =	vst v63  }
0x8b: {  	_ =	swait.ge [sflag:s23], $0x1400  }
0x8c: {  	[sflag:s23] =	ssyncset.done $0x0  }
0x8d: {  	[sflag:s23] =	ssyncadd.s32 $0xFFFFEC00  }
0x8e: {  	_ =	swait.ge [sflag:s28], $0x1400  }
0x8f: {  	[sflag:s28] =	ssyncset.done $0x0  }
0x90: {  	s20 =	simm.s32 $0x11050;
	[sflag:s28] =	ssyncadd.s32 $0xFFFFEC00  }
0x91: {  	[spmem:s2] =	stream.indirect.scatter.add.f32 [tilespmem:s30], [sflag:$0x8], $0x40, s20, s18, $0xb8;
	[tilespmem:$0x1AC40] =	vst v63  }
0x92: {  	s29 =	simm.s32 $0x500;
	s20 =	simm.s32 $0xC2D0  }
.LBB2_6:
0x93: {  	[tilespmem:s21], [sflag:$0x2] =	stream.indirect.gather [hbm4b:s4+s18], $0x40, s20, s18, $0xb8;
	[tilespmem:$0x1AC40] =	vst v63  }
0x94: {  	s6 =	smov.u32 s29  }
0x95: {  	p0 =	sne.s32 s29, $0x12C00;
	s29 =	sadd.s32 $0x500, s29;
	_ =	swait.ge [sflag:s22], $0x1400  }
0x96: {  	[sflag:s22] =	ssyncset.done $0x0  }
0x97: {  	[sflag:s22] =	ssyncadd.s32 $0xFFFFEC00  }
0x98: {  	_ =	swait.ge [sflag:s1], $0x1400  }
0x99: {  	s20 =	sshra.s32 s6, $0x2;
	[sflag:s1] =	ssyncset.done $0x0  }
0x9a: {  	s6 =	sadd.s32 $0x10F60, s20;
	[sflag:s1] =	ssyncadd.s32 $0xFFFFEC00  }
0x9b: {  	[spmem:s2] =	stream.indirect.scatter.add.f32 [tilespmem:s19], [sflag:$0x5], $0x40, s6, s18, $0xb8;
	[tilespmem:$0x1AC40] =	vst v63  }
0x9c: {  	s6 =	sadd.s32 $0xC1E0, s20  }
0x9d: {  	[tilespmem:s24], [sflag:$0x3] =	stream.indirect.gather [hbm4b:s4+s18], $0x40, s6, s18, $0xb8;
	[tilespmem:$0x1AC40] =	vst v63  }
0x9e: {  	_ =	swait.ge [sflag:s25], $0x1400  }
0x9f: {  	[sflag:s25] =	ssyncset.done $0x0  }
0xa0: {  	[sflag:s25] =	ssyncadd.s32 $0xFFFFEC00  }
0xa1: {  	_ =	swait.ge [sflag:s26], $0x1400  }
0xa2: {  	[sflag:s26] =	ssyncset.done $0x0  }
0xa3: {  	s6 =	sadd.s32 $0x10FB0, s20;
	[sflag:s26] =	ssyncadd.s32 $0xFFFFEC00  }
0xa4: {  	[spmem:s2] =	stream.indirect.scatter.add.f32 [tilespmem:s21], [sflag:$0x6], $0x40, s6, s18, $0xb8;
	[tilespmem:$0x1AC40] =	vst v63  }
0xa5: {  	s6 =	sadd.s32 $0xC230, s20  }
0xa6: {  	[tilespmem:s30], [sflag:$0x4] =	stream.indirect.gather [hbm4b:s4+s18], $0x40, s6, s18, $0xb8;
	[tilespmem:$0x1AC40] =	vst v63  }
0xa7: {  	_ =	swait.ge [sflag:s31], $0x1400  }
0xa8: {  	[sflag:s31] =	ssyncset.done $0x0  }
0xa9: {  	[sflag:s31] =	ssyncadd.s32 $0xFFFFEC00  }
0xaa: {  	_ =	swait.ge [sflag:s0], $0x1400  }
0xab: {  	[sflag:s0] =	ssyncset.done $0x0  }
0xac: {  	s6 =	sadd.s32 $0x11000, s20;
	[sflag:s0] =	ssyncadd.s32 $0xFFFFEC00  }
0xad: {  	[spmem:s2] =	stream.indirect.scatter.add.f32 [tilespmem:s24], [sflag:$0x7], $0x40, s6, s18, $0xb8;
	[tilespmem:$0x1AC40] =	vst v63  }
0xae: {  	s6 =	sadd.s32 $0xC280, s20  }
0xaf: {  	[tilespmem:s19], [sflag:$0x1] =	stream.indirect.gather [hbm4b:s4+s18], $0x40, s6, s18, $0xb8;
	[tilespmem:$0x1AC40] =	vst v63  }
0xb0: {  	_ =	swait.ge [sflag:s23], $0x1400  }
0xb1: {  	[sflag:s23] =	ssyncset.done $0x0  }
0xb2: {  	[sflag:s23] =	ssyncadd.s32 $0xFFFFEC00  }
.Ltmp2:
0xb3: {  	_ =	swait.ge [sflag:s28], $0x1400;
	(pc) =	sbr.rel @p0 .LBB2_6-.Ltmp2, $4  }
0xb4: {  	[sflag:s28] =	ssyncset.done $0x0  }
0xb5: {  	s6 =	sadd.s32 $0x11050, s20;
	[sflag:s28] =	ssyncadd.s32 $0xFFFFEC00  }
0xb6: {  	[spmem:s2] =	stream.indirect.scatter.add.f32 [tilespmem:s30], [sflag:$0x8], $0x40, s6, s18, $0xb8;
	[tilespmem:$0x1AC40] =	vst v63  }
0xb7: {  	s20 =	sadd.s32 $0xC2D0, s20  }
0xb8: {  	[tilespmem:s21], [sflag:$0x2] =	stream.indirect.gather [hbm4b:s4+s18], $0x40, s20, s18, $0xb8;
	[tilespmem:$0x1AC40] =	vst v63  }
0xb9: {  	_ =	swait.ge [sflag:s22], $0x1400  }
0xba: {  	[sflag:s22] =	ssyncset.done $0x0  }
0xbb: {  	[sflag:s22] =	ssyncadd.s32 $0xFFFFEC00  }
0xbc: {  	_ =	swait.ge [sflag:s1], $0x1400  }
0xbd: {  	[sflag:s1] =	ssyncset.done $0x0  }
0xbe: {  	s6 =	simm.s32 $0x15BA0;
	[sflag:s1] =	ssyncadd.s32 $0xFFFFEC00  }
0xbf: {  	[spmem:s2] =	stream.indirect.scatter.add.f32 [tilespmem:s19], [sflag:$0x5], $0x40, s6, s18, $0xb8;
	[tilespmem:$0x1AC40] =	vst v63  }
0xc0: {  	_ =	swait.ge [sflag:s25], $0x1400  }
0xc1: {  	[sflag:s25] =	ssyncset.done $0x0  }
0xc2: {  	[sflag:s25] =	ssyncadd.s32 $0xFFFFEC00  }
0xc3: {  	_ =	swait.ge [sflag:s26], $0x1400  }
0xc4: {  	[sflag:s26] =	ssyncset.done $0x0  }
0xc5: {  	s29 =	simm.s32 $0x15BF0;
	[sflag:s26] =	ssyncadd.s32 $0xFFFFEC00  }
0xc6: {  	[spmem:s2] =	stream.indirect.scatter.add.f32 [tilespmem:s21], [sflag:$0x6], $0x40, s29, s18, $0xb8;
	[tilespmem:$0x1AC40] =	vst v63  }
0xc7: {  	s20 =	stileid.u32;
	_ =	swait.ge [sflag:s0], $0x1400  }
0xc8: {  	s3 =	sadd.s32 $0x1, s3;
	s6 =	sshll.u32 s20, $0x6;
	[sflag:s0] =	ssyncset.done $0x0  }
0xc9: {  	p0 =	sne.s32 s3, s13;
	s6 =	sor.u32 $0x1C09, s6;
	[sflag:s0] =	ssyncadd.s32 $0xFFFFEC00  }
.Ltmp3:
0xca: {  	s29 =	sshrl.u32 s5, $0x3;
	[bflag:$0x0] =	sbarrier.arrive $0xFFFF;
	(pc) =	sbr.rel @p0 .LBB2_1-.Ltmp3, $4  }
0xcb: {  	[hbm:s12], [sflag:s6] =	dma.local [spmem:s29], $0x1400  }
0xcc: {  	_ =	swait.ge [sflag:s15], $0x1400  }
0xcd: {  	[sflag:s15] =	ssyncset.done $0x0  }
0xce: {  	[sflag:s15] =	ssyncadd.s32 $0xFFFFEC00  }
0xcf: {  	_ =	sfence.sel $0x180000  }
0xd0: {  	[bflag:$0x0] =	sbarrier.arrive $0xFFFF  }
0xd1: {  	_ =	strace $0x9000004A  }
0xd2: {  	s0 =	stileid.u32;
	[bflag:$0x2] =	sbarrier.arrive $0xFFFF  }
0xd3: {  	p0 =	sne.s32 s0, $0x0;
	s0 =	rddreg [dreg:$0x2]  }
0xd4: {  	s0 =	sadd.s32 @!p0 $0x100000, s0  }
0xd5: {  	[sflag:s0] =	ssyncadd.tile.s32 @!p0 $0x1;
	_ =	shalt  }
.Lfunc_end2:
_tile_overlayer_lowered:
.L_overlay_start_2:
0xd6: {  	(tag) =	ssettag $0x2  }
0xd7: {  	s0 =	rddreg [dreg:$0x0];
	s2 =	stileid.u32  }
0xd8: {  	s1 =	rddreg [dreg:$0x1];
	p0 =	sne.s32 s2, $0x0  }
0xd9: {  	s3 =	rddreg [dreg:$0x2];
	[bflag:$0x3] =	sbarrier.arrive $0xFFFF;
	s2 =	simm.s32 @!p0 $0x1C09  }
0xda: {  	[timem:s3], [sflag:s2] =	dma.local @!p0 [hbm:s0], s1  }
0xdb: {  	s0 =	simm.s32 @!p0 $0x9  }
0xdc: {  	_ =	swait.ge @!p0 [sflag:s0], s1  }
0xdd: {  	s1 =	ssub.s32 @!p0 $0x0, s1;
	[sflag:s0] =	ssyncset.done @!p0 $0x0  }
0xde: {  	[sflag:s0] =	ssyncadd.s32 @!p0 s1  }
0xdf: {  	[bflag:$0x3] =	sbarrier.arrive $0xFFFF  }
0xe0: {  	_ =	shalt  }

// kernel: kernel.14.cloned.1.call-start
scs
__scs_entry_jumppad:
0x0: {  	(pc) =	sbr.rel $0x88, $3  }
0x1: {  	(tag) =	ssettag $0x0;
	lr =	simm.s32 $0x1  }
0x2: {  	[smem:$0x3F9B] =	sst lr;
	_ =	strace $0xD0000000  }
0x3: {  	_ = 	snop  }
0x4: {  	_ = 	snop  }
0x5: {  	_ = 	snop  }
0x6: {  	_ = 	snop  }
0x7: {  	_ = 	snop  }
__scs_overlays_trampoline_lowered:
0x8: {  	[smem:$0x3FAA] =	sst s0  }
0x9: {  	[smem:$0x3FAB] =	sst s1  }
0xa: {  	[smem:$0x3FAC] =	sst s2  }
0xb: {  	[smem:$0x3FAD] =	sst s3  }
0xc: {  	[smem:$0x3FAE] =	sst s4  }
0xd: {  	[smem:$0x3FAF] =	sst s5  }
0xe: {  	[smem:$0x3FB0] =	sst s6  }
0xf: {  	[smem:$0x3FB1] =	sst s7  }
0x10: {  	[smem:$0x3FB2] =	sst s8  }
0x11: {  	[smem:$0x3FB3] =	sst s9;
	s0 =	simm.s32 @!p0 $0x0  }
0x12: {  	s1 =	sld [smem:$0x3F99];
	s0 =	simm.s32 @p0 $0x1  }
0x13: {  	[smem:$0x3FB4] =	sst s0;
	s0 =	simm.s32 @!p1 $0x0  }
0x14: {  	s2 =	sld [smem:$0x3F98];
	s0 =	simm.s32 @p1 $0x1  }
0x15: {  	[smem:$0x3FB5] =	sst s0;
	s0 =	simm.s32 @!p2 $0x0  }
0x16: {  	s3 =	sld [smem:$0x3FDB];
	s0 =	simm.s32 @p2 $0x1  }
0x17: {  	s4 =	simm.s32 $0x1BF5;
	[smem:$0x3FB7] =	sst s0  }
0x18: {  	s0 =	sld [smem:$0x3F9A];
	_ =	swait.ge [sflag:s4], $0x0  }
0x19: {  	s7 =	sld [smem:$0x3F9B]  }
0x1a: {  	s8 =	sadd.s32 $0xFFFFE003, lr  }
0x1b: {  	s9 =	sadd.s32 $0xFFFFFEF7, lr;
	s5 =	simm.s32 $0xFFFFFFFF;
	p2 =	slt.u32 s8, $0xFFFFF086  }
0x1c: {  	p1 =	slt.u32 s9, $0xF7A;
	s5 =	simm.s32 @!p2 $0x0  }
0x1d: {  	s5 =	simm.s32 @p1 $0x1;
	p0 =	seq.s32 s7, s2  }
0x1e: {  	s7 =	smul.u32 @!p0 $0xF7A, s2;
	p2 =	seq.s32 @!p0 s5, $0x0  }
0x1f: {  	s9 =	smul.u32 $0xF7A, s1;
	s8 =	simm.s32 @!p0 $0x1BF5;
	p2 =	por !p2, p0  }
0x20: {  	[sflag:s8] =	ssyncset.s32 @!p0 $0xFFFFF086;
	s6 =	sadd.s32 @!p0 s3, s7;
	s7 =	simm.s32 @!p0 $0x108  }
0x21: {  	s3 =	sadd.s32 s3, s9;
	s6 =	sadd.s32 @!p0 $0x88, s6;
	s7 =	simm.s32 @p2 $0x1082  }
0x22: {  	[simem:s7], [sflag:s8] =	dma.local @!p0 [hbm:s6], $0xF7A  }
0x23: {  	s9 =	sor.u32 $0xD0000000, s2;
	s6 =	simm.s32 $0x108;
	_ =	swait.ge @!p0 [sflag:s8], $0x0  }
0x24: {  	s3 =	sadd.s32 $0x88, s3;
	s6 =	simm.s32 @!p1 $0x1082;
	[sflag:s4] =	ssyncset.s32 $0xFFFFF086  }
0x25: {  	[simem:s6], [sflag:s4] =	dma.local [hbm:s3], $0xF7A  }
0x26: {  	[smem:$0x3F9B] =	sst s1;
	(tag) =	ssettag s2;
	_ =	strace s9  }
0x27: {  	s1 =	sld [smem:$0x3FAB]  }
0x28: {  	s2 =	sld [smem:$0x3FAC]  }
0x29: {  	s4 =	sld [smem:$0x3FAE]  }
0x2a: {  	p0 =	seq.s32 s5, $0x0;
	s5 =	sld [smem:$0x3FAF]  }
0x2b: {  	s6 =	sld [smem:$0x3FB0]  }
0x2c: {  	s7 =	sld [smem:$0x3FB1]  }
0x2d: {  	s3 =	simm.s32 $0x108;
	s8 =	sld [smem:$0x3FB2]  }
0x2e: {  	s3 =	simm.s32 @!p0 $0x1082;
	s9 =	sld [smem:$0x3FB3]  }
0x2f: {  	lr =	sadd.s32 s0, s3;
	s0 =	sld [smem:$0x3FAA]  }
0x30: {  	s3 =	sld [smem:$0x3FAD]  }
0x31: {  	[smem:$0x3FB6] =	sst s10  }
0x32: {  	s10 =	sld [smem:$0x3FB4];
	_ =	sdelay $0x3  }
0x33: {  	p0 =	seq.s32 s10, $0x1;
	s10 =	sld [smem:$0x3FB6];
	_ =	sdelay $0x3  }
0x34: {  	[smem:$0x3FB6] =	sst s10  }
0x35: {  	s10 =	sld [smem:$0x3FB5];
	_ =	sdelay $0x3  }
0x36: {  	p1 =	seq.s32 s10, $0x1;
	s10 =	sld [smem:$0x3FB6];
	_ =	sdelay $0x3  }
0x37: {  	[smem:$0x3FB6] =	sst s10  }
0x38: {  	s10 =	sld [smem:$0x3FB7]  }
0x39: {  	_ = 	snop;
	(pc) =	sbr.ind lr, $3  }
0x3a: {  	_ = 	snop  }
0x3b: {  	_ = 	snop  }
0x3c: {  	p2 =	seq.s32 s10, $0x1;
	s10 =	sld [smem:$0x3FB6]  }
0x3d: {  	_ =	shalt  }
0x3e: {  	_ =	shalt  }
0x3f: {  	_ =	shalt  }
0x40: {  	_ =	shalt  }
0x41: {  	_ =	shalt  }
0x42: {  	_ =	shalt  }
0x43: {  	_ =	shalt  }
0x44: {  	_ =	shalt  }
0x45: {  	_ =	shalt  }
0x46: {  	_ =	shalt  }
0x47: {  	_ =	shalt  }
0x48: {  	_ =	shalt  }
0x49: {  	_ =	shalt  }
0x4a: {  	_ =	shalt  }
0x4b: {  	_ =	shalt  }
0x4c: {  	_ =	shalt  }
0x4d: {  	_ =	shalt  }
0x4e: {  	_ =	shalt  }
0x4f: {  	_ =	shalt  }
0x50: {  	_ =	shalt  }
0x51: {  	_ =	shalt  }
0x52: {  	_ =	shalt  }
0x53: {  	_ =	shalt  }
0x54: {  	_ =	shalt  }
0x55: {  	_ =	shalt  }
0x56: {  	_ =	shalt  }
0x57: {  	_ =	shalt  }
0x58: {  	_ =	shalt  }
0x59: {  	_ =	shalt  }
0x5a: {  	_ =	shalt  }
0x5b: {  	_ =	shalt  }
0x5c: {  	_ =	shalt  }
0x5d: {  	_ =	shalt  }
0x5e: {  	_ =	shalt  }
0x5f: {  	_ =	shalt  }
0x60: {  	_ =	shalt  }
0x61: {  	_ =	shalt  }
0x62: {  	_ =	shalt  }
0x63: {  	_ =	shalt  }
0x64: {  	_ =	shalt  }
0x65: {  	_ =	shalt  }
0x66: {  	_ =	shalt  }
0x67: {  	_ =	shalt  }
0x68: {  	_ =	shalt  }
0x69: {  	_ =	shalt  }
0x6a: {  	_ =	shalt  }
0x6b: {  	_ =	shalt  }
0x6c: {  	_ =	shalt  }
0x6d: {  	_ =	shalt  }
0x6e: {  	_ =	shalt  }
0x6f: {  	_ =	shalt  }
0x70: {  	_ =	shalt  }
0x71: {  	_ =	shalt  }
0x72: {  	_ =	shalt  }
0x73: {  	_ =	shalt  }
0x74: {  	_ =	shalt  }
0x75: {  	_ =	shalt  }
0x76: {  	_ =	shalt  }
0x77: {  	_ =	shalt  }
0x78: {  	_ =	shalt  }
0x79: {  	_ =	shalt  }
0x7a: {  	_ =	shalt  }
0x7b: {  	_ =	shalt  }
0x7c: {  	_ =	shalt  }
0x7d: {  	_ =	shalt  }
0x7e: {  	_ =	shalt  }
0x7f: {  	_ =	shalt  }
0x80: {  	_ =	shalt  }
0x81: {  	_ =	shalt  }
0x82: {  	_ =	shalt  }
0x83: {  	_ =	shalt  }
0x84: {  	_ =	shalt  }
0x85: {  	_ =	shalt  }
0x86: {  	_ =	shalt  }
0x87: {  	_ =	shalt  }
.Lfunc_end0:
.L_simem_size_0:
called_computation.2_lowered:
.L_overlay_start_0:
0x88: {  	s2 =	sld [smem:$0x3FD9]  }
0x89: {  	s3 =	sld [smem:$0x3FFE];
	_ =	sdelay $0x1  }
0x8a: {  	s1 =	srdreg.scid  }
0x8b: {  	s0 =	sand.u32 $0x1, s1  }
0x8c: {  	s16 =	sshll.u32 s0, $0xA;
	s2 =	sadd.s32 s3, s2  }
0x8d: {  	s2 =	sadd.s32 s2, s16  }
0x8e: {  	[smem:$0x3FC2] =	sst s2  }
0x8f: {  	_ = 	snop  }
0x90: {  	(tm) =	ssettm $0x1  }
0x91: {  	s17 =	sld [smem:$0x3FFB];
	_ =	sdelay $0x3  }
0x92: {  	_ =	strace s17  }
0x93: {  	s2 =	sld [smem:$0x3FFC];
	_ =	sdelay $0x3  }
0x94: {  	_ =	strace s2  }
0x95: {  	s2 =	sld [smem:$0x3FFD];
	_ =	sdelay $0x3  }
0x96: {  	_ =	strace s2  }
0x97: {  	_ =	strace $0x8FFFFFFF  }
0x98: {  	s18 =	sld [smem:$0x3FDB];
	_ =	sdelay $0x1  }
0x99: {  	s19 =	simm.s32 $_scs_section_size  }
0x9a: {  	s4 =	simm.s32 $_size__tile_overlayer_lowered;
	s5 =	simm.s32 $_tile_overlayer_lowered  }
0x9b: {  	s22 =	simm.s32 $0x1BFF;
	s21 =	sshll.u32 s5, $0x1;
	s2 =	sadd.s32 s19, s18  }
0x9c: {  	s6 =	simm.s32 $0x0;
	s20 =	sshll.u32 s4, $0x1;
	s4 =	sadd.s32 s21, s2  }
0x9d: {  	[timem:s6], [sflag:s22] =	dma.local [hbm:s4], s20  }
0x9e: {  	_ =	swait.ge [sflag:s22], s20  }
0x9f: {  	s3 =	ssub.s32 $0x0, s20;
	[sflag:s22] =	ssyncset.done $0x0  }
0xa0: {  	[sflag:s22] =	ssyncadd.s32 s3;
	_ =	sdelay $0x1  }
0xa1: {  	s23 =	simm.s32 $0x1B8B  }
0xa2: {  	_ =	swait.ge [sflag:s23], $0x1  }
0xa3: {  	[sflag:s23] =	ssyncset.done $0x0  }
0xa4: {  	s25 =	simm.s32 $0x1B8E;
	s24 =	sld [smem:$0x3FFE];
	[sflag:s23] =	ssyncadd.s32 $0xFFFFFFFF  }
0xa5: {  	s26 =	simm.s32 $execute0_lowered;
	[smem:$0x3FD2] =	sst s25  }
0xa6: {  	s4 =	sshll.u32 s26, $0x1;
	_ =	strace $0x8000004C;
	[dreg:$0x1] =	wrdreg $0xFFFFFFFF  }
0xa7: {  	s28 =	simm.s32 $_size_execute0_lowered;
	s2 =	sadd.s32 s2, s4;
	[dreg:$0x0] =	wrdreg $0x0  }
0xa8: {  	s4 =	sshll.u32 s28, $0x1;
	[dreg:$0x2] =	wrdreg s2  }
0xa9: {  	[dreg:$0x3] =	wrdreg s4  }
0xaa: {  	[dreg:$0x4] =	wrdreg $0xC0  }
0xab: {  	_ =	task [dreg:s6], $0x5FFFF  }
0xac: {  	[dreg:$0x1] =	wrdreg $0xFFFFFFFF  }
0xad: {  	[dreg:$0x0] =	wrdreg $0x60  }
0xae: {  	[dreg:$0x2] =	wrdreg s24  }
0xaf: {  	[dreg:$0x3] =	wrdreg $0x0  }
0xb0: {  	[dreg:$0x4] =	wrdreg $0x9  }
0xb1: {  	_ =	task.clear_ibuf [dreg:s6], $0x5FFFF;
	_ =	strace $0x9000004C  }
0xb2: {  	s29 =	simm.s32 $0x9;
	_ =	strace $0x8000004E  }
0xb3: {  	_ =	swait.ge [sflag:s29], $0x1  }
0xb4: {  	[sflag:s29] =	ssyncadd.s32 $0xFFFFFFFF  }
0xb5: {  	_ =	strace $0x9000004E  }
0xb6: {  	_ =	sfence  }
0xb7: {  	s30 =	sld [smem:$0x0];
	_ =	sdelay $0x2  }
0xb8: {  	s31 =	sshll.u32 s1, $0xD;
	s1 =	sshrl.u32 s1, $0x2  }
0xb9: {  	s3 =	sand.u32 $0x4000, s31;
	s1 =	sadd.s32 s1, s30  }
0xba: {  	s0 =	sor.u32 s3, s0;
	s1 =	sshll.u32 s1, $0x11  }
0xbb: {  	s0 =	sor.u32 s1, s0  }
0xbc: {  	s0 =	sadd.s32 $0x8F2B, s0  }
0xbd: {  	[sflag:s0] =	ssyncadd.remote.s32 $0x1  }
0xbe: {  	_ =	sfence.sel $0xFFFF  }
0xbf: {  	[dreg:$0x0] =	wrdreg $0xFFFFFFFF;
	(pc) =	sbr.abs _section_cstart, $3  }
0xc0: {  	[dreg:$0x1] =	wrdreg $0xFFFFFFFF  }
0xc1: {  	_ =	task.clear_ibuf [dreg:s6], $0x2FFFF;
	_ =	strace $0x9FFFFFFF  }
0xc2: {  	(tm) =	ssettm $0x7FFFFFFF  }
0xc3: {  	_ =	shalt  }
tec
execute0_lowered:
.L_overlay_start_1:
0x0: {  	(tag) =	ssettag $0x1  }
0x1: {  	s0 =	rddreg [dreg:$0x0]  }
0x2: {  	s2 =	rddreg [dreg:$0x1]  }
0x3: {  	s8 =	stileid.u32;
	s1 =	srdreg.scid;
	s3 =	simm.s32 $0x0  }
0x4: {  	s14 =	simm.s32 $0x5000;
	s15 =	simm.s32 $0x9;
	s16 =	simm.s32 $0x6000  }
0x5: {  	s17 =	simm.s32 $0xAE20;
	s18 =	simm.s32 $0x50;
	s19 =	simm.s32 $0xFC40  }
0x6: {  	s21 =	simm.s32 $0x10640;
	s22 =	simm.s32 $0x1;
	s24 =	simm.s32 $0x11040  }
0x7: {  	s30 =	simm.s32 $0x11A40;
	s31 =	simm.s32 $0x3;
	s5 =	smul.u32 $0x5000, s8  }
0x8: {  	s23 =	simm.s32 $0x4;
	s28 =	simm.s32 $0x7;
	s7 =	smul.u32 $0x9C4, s8  }
0x9: {  	s20 =	simm.s32 $0x8;
	s1 =	sand.u32 $0x1, s1;
	s8 =	smul.u32 $0x14000, s8  }
0xa: {  	[smem:$0x7FF] =	sst s3;
	s4 =	sadd.s32 $0x15200, s0;
	s6 =	smul.u32 $0x50000, s1  }
0xb: {  	_ =	strace $0x8000004D;
	s25 =	ssub.s32 $0x2, s1;
	s1 =	smul.u32 $0x2710, s1  }
0xc: {  	s11 =	sadd.s32 s7, s0;
	s26 =	sshrl.u32 s25, $0x1;
	s8 =	sshrl.u32 s8, $0x2  }
0xd: {  	s6 =	sadd.s32 s5, s6;
	s13 =	ssub.s32 s25, s26;
	s9 =	sadd.s32 s8, s2  }
0xe: {  	s5 =	sadd.s32 s5, s2;
	s10 =	sadd.s32 $0x1600, s11;
	s11 =	sadd.s32 $0xB400, s11  }
0xf: {  	s25 =	simm.s32 $0x2;
	s26 =	simm.s32 $0x5;
	s6 =	sshrl.u32 s6, $0x3  }
0x10: {  	s29 =	sadd.s32 $0x1000, s9;
	s7 =	sadd.s32 $0x2000, s9;
	s8 =	sadd.s32 $0x3000, s9  }
0x11: {  	s9 =	sadd.s32 $0x4000, s9;
	s13 =	smax.u32 s13, $0x1;
	s0 =	sadd.s32 s6, s0  }
0x12: {  	v1 =	vimm.f32 $0.0e+00;
	v0 =	vmov s1;
	[dreg:$0x3] =	wrdreg s29;
	s12 =	sadd.s32 $0x28C00, s0;
	s0 =	simm.s32 $0x6  }
.LBB2_1:
0x13: {  	s1 =	simm.s32 $0x80;
	s29 =	simm.s32 $0x0  }
.LBB2_2:
0x14: {  	p0 =	sne.s32 s1, $0x3F80;
	[tilespmem:s29+$0x5000] =	vst v1;
	s6 =	smov.u32 s1;
	s1 =	sadd.s32 $0x80, s1  }
.Ltmp0:
0x15: {  	[tilespmem:s29+$0x5010] =	vst v1;
	(pc) =	sbr.rel @p0 .LBB2_2-.Ltmp0, $2  }
0x16: {  	_ =	sdelay $0x2  }
0x17: {  	s29 =	sshra.s32 s6, $0x2  }
0x18: {  	[tilespmem:s29+$0x5000] =	vst v1  }
0x19: {  	[tilespmem:s29+$0x5010] =	vst v1  }
0x1a: {  	[spmem:s5] =	stream.linear.scatter [tilespmem:s14], [sflag:$0x9], $0x1000, $0x38;
	[tilespmem:$0x12440] =	vst v63  }
0x1b: {  	_ =	swait.ge [sflag:s15], $0x1000  }
0x1c: {  	[sflag:s15] =	ssyncset.done $0x0  }
0x1d: {  	s1 =	rddreg [dreg:$0x3];
	[sflag:s15] =	ssyncadd.s32 $0xFFFFF000  }
0x1e: {  	[spmem:s1] =	stream.linear.scatter [tilespmem:s14], [sflag:$0x9], $0x1000, $0x38;
	[tilespmem:$0x12440] =	vst v63  }
0x1f: {  	_ =	swait.ge [sflag:s15], $0x1000  }
0x20: {  	[sflag:s15] =	ssyncset.done $0x0  }
0x21: {  	[sflag:s15] =	ssyncadd.s32 $0xFFFFF000  }
0x22: {  	[spmem:s7] =	stream.linear.scatter [tilespmem:s14], [sflag:$0x9], $0x1000, $0x38;
	[tilespmem:$0x12440] =	vst v63  }
0x23: {  	_ =	swait.ge [sflag:s15], $0x1000  }
0x24: {  	[sflag:s15] =	ssyncset.done $0x0  }
0x25: {  	[sflag:s15] =	ssyncadd.s32 $0xFFFFF000  }
0x26: {  	[spmem:s8] =	stream.linear.scatter [tilespmem:s14], [sflag:$0x9], $0x1000, $0x38;
	[tilespmem:$0x12440] =	vst v63  }
0x27: {  	_ =	swait.ge [sflag:s15], $0x1000  }
0x28: {  	[sflag:s15] =	ssyncset.done $0x0  }
0x29: {  	[sflag:s15] =	ssyncadd.s32 $0xFFFFF000  }
0x2a: {  	[spmem:s9] =	stream.linear.scatter [tilespmem:s14], [sflag:$0x9], $0x1000, $0x38;
	[tilespmem:$0x12440] =	vst v63  }
0x2b: {  	_ =	swait.ge [sflag:s15], $0x1000  }
0x2c: {  	[sflag:s15] =	ssyncset.done $0x0  }
0x2d: {  	[sflag:s15] =	ssyncadd.s32 $0xFFFFF000  }
0x2e: {  	s6 =	simm.s32 $0x0;
	[bflag:$0x0] =	sbarrier.arrive $0xFFFF  }
0x2f: {  	[tilespmem:s16], [sflag:$0x9] =	stream.linear.gather [hbm4b:s10+s6], $0x4E20, $0x38;
	[tilespmem:$0x12440] =	vst v63  }
0x30: {  	_ =	swait.ge [sflag:s15], $0x4E20  }
0x31: {  	[sflag:s15] =	ssyncset.done $0x0  }
0x32: {  	[sflag:s15] =	ssyncadd.s32 $0xFFFFB1E0  }
0x33: {  	[tilespmem:s17], [sflag:$0x9] =	stream.linear.gather [hbm4b:s11+s6], $0x4E20, $0x38;
	[tilespmem:$0x12440] =	vst v63  }
0x34: {  	_ =	swait.ge [sflag:s15], $0x4E20  }
0x35: {  	[sflag:s15] =	ssyncset.done $0x0  }
0x36: {  	s1 =	simm.s32 $0x0;
	[sflag:s15] =	ssyncadd.s32 $0xFFFFB1E0  }
0x37: {  	v5 =	vld [tilespmem:s1+$0x6000]  }
0x38: {  	v4 =	vld [tilespmem:s1+$0x6010]  }
0x39: {  	v3 =	vld [tilespmem:s1+$0x6020]  }
0x3a: {  	s29 =	simm.s32 $0x140;
	v2 =	vld [tilespmem:s1+$0x6030]  }
.LBB2_4:
0x3b: {  	p0 =	sne.s32 s29, $0x13740;
	v6 =	vld [tilespmem:s1+$0x6040]  }
0x3c: {  	v5 =	vadd.s32 v0, v5  }
.Ltmp1:
0x3d: {  	s6 =	sshra.s32 s29, $0x2;
	[tilespmem:s1+$0x6000] =	vst v5;
	v4 =	vadd.s32 v0, v4;
	(pc) =	sbr.rel @p0 .LBB2_4-.Ltmp1, $4  }
0x3e: {  	v5 =	vld [tilespmem:s6+$0x6000];
	[tilespmem:s1+$0x6010] =	vst v4;
	v3 =	vadd.s32 v0, v3  }
0x3f: {  	v4 =	vld [tilespmem:s6+$0x6010];
	[tilespmem:s1+$0x6020] =	vst v3;
	v2 =	vadd.s32 v0, v2  }
0x40: {  	v3 =	vld [tilespmem:s6+$0x6020];
	[tilespmem:s1+$0x6030] =	vst v2;
	v6 =	vadd.s32 v0, v6  }
0x41: {  	s29 =	sadd.s32 $0x140, s29;
	v2 =	vld [tilespmem:s6+$0x6030];
	[tilespmem:s1+$0x6040] =	vst v6;
	s1 =	smov.u32 s6  }
0x42: {  	v6 =	vld [tilespmem:s1+$0x6040]  }
0x43: {  	v5 =	vadd.s32 v0, v5  }
0x44: {  	[tilespmem:s1+$0x6000] =	vst v5;
	v4 =	vadd.s32 v0, v4  }
0x45: {  	[tilespmem:s1+$0x6010] =	vst v4;
	v3 =	vadd.s32 v0, v3  }
0x46: {  	[tilespmem:s1+$0x6020] =	vst v3;
	v2 =	vadd.s32 v0, v2  }
0x47: {  	[tilespmem:s1+$0x6030] =	vst v2;
	v2 =	vadd.s32 v0, v6  }
0x48: {  	[tilespmem:s1+$0x6040] =	vst v2  }
0x49: {  	[tilespmem:s19], [sflag:$0x1] =	stream.indirect.gather [hbm4b:s4+s18], $0x20, s16, s18, $0xb8;
	[tilespmem:$0x12440] =	vst v63  }
0x4a: {  	s6 =	simm.s32 $0x6050  }
0x4b: {  	[tilespmem:s21], [sflag:$0x2] =	stream.indirect.gather [hbm4b:s4+s18], $0x20, s6, s18, $0xb8;
	[tilespmem:$0x12440] =	vst v63  }
0x4c: {  	_ =	swait.ge [sflag:s22], $0xA00  }
0x4d: {  	[sflag:s22] =	ssyncset.done $0x0  }
0x4e: {  	[sflag:s22] =	ssyncadd.s32 $0xFFFFF600  }
0x4f: {  	[spmem:s2] =	stream.indirect.scatter.add.f32 [tilespmem:s19], [sflag:$0x5], $0x20, s17, s18, $0xb8;
	[tilespmem:$0x12440] =	vst v63  }
0x50: {  	s6 =	simm.s32 $0x60A0  }
0x51: {  	[tilespmem:s24], [sflag:$0x3] =	stream.indirect.gather [hbm4b:s4+s18], $0x20, s6, s18, $0xb8;
	[tilespmem:$0x12440] =	vst v63  }
0x52: {  	_ =	swait.ge [sflag:s25], $0xA00  }
0x53: {  	[sflag:s25] =	ssyncset.done $0x0  }
0x54: {  	[sflag:s25] =	ssyncadd.s32 $0xFFFFF600  }
0x55: {  	_ =	swait.ge [sflag:s26], $0xA00  }
0x56: {  	[sflag:s26] =	ssyncset.done $0x0  }
0x57: {  	s6 =	simm.s32 $0xAE70;
	[sflag:s26] =	ssyncadd.s32 $0xFFFFF600  }
0x58: {  	[spmem:s2] =	stream.indirect.scatter.add.f32 [tilespmem:s21], [sflag:$0x6], $0x20, s6, s18, $0xb8;
	[tilespmem:$0x12440] =	vst v63  }
0x59: {  	s6 =	simm.s32 $0x60F0  }
0x5a: {  	[tilespmem:s30], [sflag:$0x4] =	stream.indirect.gather [hbm4b:s4+s18], $0x20, s6, s18, $0xb8;
	[tilespmem:$0x12440] =	vst v63  }
0x5b: {  	_ =	swait.ge [sflag:s31], $0xA00  }
0x5c: {  	[sflag:s31] =	ssyncset.done $0x0  }
0x5d: {  	[sflag:s31] =	ssyncadd.s32 $0xFFFFF600  }
0x5e: {  	_ =	swait.ge [sflag:s0], $0xA00  }
0x5f: {  	[sflag:s0] =	ssyncset.done $0x0  }
0x60: {  	s6 =	simm.s32 $0xAEC0;
	[sflag:s0] =	ssyncadd.s32 $0xFFFFF600  }
0x61: {  	[spmem:s2] =	stream.indirect.scatter.add.f32 [tilespmem:s24], [sflag:$0x7], $0x20, s6, s18, $0xb8;
	[tilespmem:$0x12440] =	vst v63  }
0x62: {  	s6 =	simm.s32 $0x6140  }
0x63: {  	[tilespmem:s19], [sflag:$0x1] =	stream.indirect.gather [hbm4b:s4+s18], $0x20, s6, s18, $0xb8;
	[tilespmem:$0x12440] =	vst v63  }
0x64: {  	_ =	swait.ge [sflag:s23], $0xA00  }
0x65: {  	[sflag:s23] =	ssyncset.done $0x0  }
0x66: {  	[sflag:s23] =	ssyncadd.s32 $0xFFFFF600  }
0x67: {  	_ =	swait.ge [sflag:s28], $0xA00  }
0x68: {  	[sflag:s28] =	ssyncset.done $0x0  }
0x69: {  	s6 =	simm.s32 $0xAF10;
	[sflag:s28] =	ssyncadd.s32 $0xFFFFF600  }
0x6a: {  	[spmem:s2] =	stream.indirect.scatter.add.f32 [tilespmem:s30], [sflag:$0x8], $0x20, s6, s18, $0xb8;
	[tilespmem:$0x12440] =	vst v63  }
0x6b: {  	s6 =	simm.s32 $0x6190  }
0x6c: {  	[tilespmem:s21], [sflag:$0x2] =	stream.indirect.gather [hbm4b:s4+s18], $0x20, s6, s18, $0xb8;
	[tilespmem:$0x12440] =	vst v63  }
0x6d: {  	_ =	swait.ge [sflag:s22], $0xA00  }
0x6e: {  	[sflag:s22] =	ssyncset.done $0x0  }
0x6f: {  	[sflag:s22] =	ssyncadd.s32 $0xFFFFF600  }
0x70: {  	_ =	swait.ge [sflag:s20], $0xA00  }
0x71: {  	[sflag:s20] =	ssyncset.done $0x0  }
0x72: {  	s6 =	simm.s32 $0xAF60;
	[sflag:s20] =	ssyncadd.s32 $0xFFFFF600  }
0x73: {  	[spmem:s2] =	stream.indirect.scatter.add.f32 [tilespmem:s19], [sflag:$0x5], $0x20, s6, s18, $0xb8;
	[tilespmem:$0x12440] =	vst v63  }
0x74: {  	s6 =	simm.s32 $0x61E0  }
0x75: {  	[tilespmem:s24], [sflag:$0x3] =	stream.indirect.gather [hbm4b:s4+s18], $0x20, s6, s18, $0xb8;
	[tilespmem:$0x12440] =	vst v63  }
0x76: {  	_ =	swait.ge [sflag:s25], $0xA00  }
0x77: {  	[sflag:s25] =	ssyncset.done $0x0  }
0x78: {  	[sflag:s25] =	ssyncadd.s32 $0xFFFFF600  }
0x79: {  	_ =	swait.ge [sflag:s26], $0xA00  }
0x7a: {  	[sflag:s26] =	ssyncset.done $0x0  }
0x7b: {  	s6 =	simm.s32 $0xAFB0;
	[sflag:s26] =	ssyncadd.s32 $0xFFFFF600  }
0x7c: {  	[spmem:s2] =	stream.indirect.scatter.add.f32 [tilespmem:s21], [sflag:$0x6], $0x20, s6, s18, $0xb8;
	[tilespmem:$0x12440] =	vst v63  }
0x7d: {  	s6 =	simm.s32 $0x6230  }
0x7e: {  	[tilespmem:s30], [sflag:$0x4] =	stream.indirect.gather [hbm4b:s4+s18], $0x20, s6, s18, $0xb8;
	[tilespmem:$0x12440] =	vst v63  }
0x7f: {  	_ =	swait.ge [sflag:s31], $0xA00  }
0x80: {  	[sflag:s31] =	ssyncset.done $0x0  }
0x81: {  	[sflag:s31] =	ssyncadd.s32 $0xFFFFF600  }
0x82: {  	_ =	swait.ge [sflag:s0], $0xA00  }
0x83: {  	[sflag:s0] =	ssyncset.done $0x0  }
0x84: {  	s6 =	simm.s32 $0xB000;
	[sflag:s0] =	ssyncadd.s32 $0xFFFFF600  }
0x85: {  	[spmem:s2] =	stream.indirect.scatter.add.f32 [tilespmem:s24], [sflag:$0x7], $0x20, s6, s18, $0xb8;
	[tilespmem:$0x12440] =	vst v63  }
0x86: {  	s6 =	simm.s32 $0x6280  }
0x87: {  	[tilespmem:s19], [sflag:$0x1] =	stream.indirect.gather [hbm4b:s4+s18], $0x20, s6, s18, $0xb8;
	[tilespmem:$0x12440] =	vst v63  }
0x88: {  	_ =	swait.ge [sflag:s23], $0xA00  }
0x89: {  	[sflag:s23] =	ssyncset.done $0x0  }
0x8a: {  	[sflag:s23] =	ssyncadd.s32 $0xFFFFF600  }
0x8b: {  	_ =	swait.ge [sflag:s28], $0xA00  }
0x8c: {  	s29 =	simm.s32 $0x500;
	[sflag:s28] =	ssyncset.done $0x0  }
0x8d: {  	s1 =	simm.s32 $0x62D0;
	s6 =	simm.s32 $0xB050;
	[sflag:s28] =	ssyncadd.s32 $0xFFFFF600  }
0x8e: {  	[spmem:s2] =	stream.indirect.scatter.add.f32 [tilespmem:s30], [sflag:$0x8], $0x20, s6, s18, $0xb8;
	[tilespmem:$0x12440] =	vst v63  }
.LBB2_6:
0x8f: {  	[tilespmem:s21], [sflag:$0x2] =	stream.indirect.gather [hbm4b:s4+s18], $0x20, s1, s18, $0xb8;
	[tilespmem:$0x12440] =	vst v63  }
0x90: {  	s1 =	smov.u32 s29  }
0x91: {  	p0 =	sne.s32 s29, $0x12C00;
	s29 =	sadd.s32 $0x500, s29;
	_ =	swait.ge [sflag:s22], $0xA00  }
0x92: {  	[sflag:s22] =	ssyncset.done $0x0  }
0x93: {  	[sflag:s22] =	ssyncadd.s32 $0xFFFFF600  }
0x94: {  	_ =	swait.ge [sflag:s20], $0xA00  }
0x95: {  	s1 =	sshra.s32 s1, $0x2;
	[sflag:s20] =	ssyncset.done $0x0  }
0x96: {  	s6 =	sadd.s32 $0xAF60, s1;
	[sflag:s20] =	ssyncadd.s32 $0xFFFFF600  }
0x97: {  	[spmem:s2] =	stream.indirect.scatter.add.f32 [tilespmem:s19], [sflag:$0x5], $0x20, s6, s18, $0xb8;
	[tilespmem:$0x12440] =	vst v63  }
0x98: {  	s6 =	sadd.s32 $0x61E0, s1  }
0x99: {  	[tilespmem:s24], [sflag:$0x3] =	stream.indirect.gather [hbm4b:s4+s18], $0x20, s6, s18, $0xb8;
	[tilespmem:$0x12440] =	vst v63  }
0x9a: {  	_ =	swait.ge [sflag:s25], $0xA00  }
0x9b: {  	[sflag:s25] =	ssyncset.done $0x0  }
0x9c: {  	[sflag:s25] =	ssyncadd.s32 $0xFFFFF600  }
0x9d: {  	_ =	swait.ge [sflag:s26], $0xA00  }
0x9e: {  	[sflag:s26] =	ssyncset.done $0x0  }
0x9f: {  	s6 =	sadd.s32 $0xAFB0, s1;
	[sflag:s26] =	ssyncadd.s32 $0xFFFFF600  }
0xa0: {  	[spmem:s2] =	stream.indirect.scatter.add.f32 [tilespmem:s21], [sflag:$0x6], $0x20, s6, s18, $0xb8;
	[tilespmem:$0x12440] =	vst v63  }
0xa1: {  	s6 =	sadd.s32 $0x6230, s1  }
0xa2: {  	[tilespmem:s30], [sflag:$0x4] =	stream.indirect.gather [hbm4b:s4+s18], $0x20, s6, s18, $0xb8;
	[tilespmem:$0x12440] =	vst v63  }
0xa3: {  	_ =	swait.ge [sflag:s31], $0xA00  }
0xa4: {  	[sflag:s31] =	ssyncset.done $0x0  }
0xa5: {  	[sflag:s31] =	ssyncadd.s32 $0xFFFFF600  }
0xa6: {  	_ =	swait.ge [sflag:s0], $0xA00  }
0xa7: {  	[sflag:s0] =	ssyncset.done $0x0  }
0xa8: {  	s6 =	sadd.s32 $0xB000, s1;
	[sflag:s0] =	ssyncadd.s32 $0xFFFFF600  }
0xa9: {  	[spmem:s2] =	stream.indirect.scatter.add.f32 [tilespmem:s24], [sflag:$0x7], $0x20, s6, s18, $0xb8;
	[tilespmem:$0x12440] =	vst v63  }
0xaa: {  	s6 =	sadd.s32 $0x6280, s1  }
0xab: {  	[tilespmem:s19], [sflag:$0x1] =	stream.indirect.gather [hbm4b:s4+s18], $0x20, s6, s18, $0xb8;
	[tilespmem:$0x12440] =	vst v63  }
0xac: {  	_ =	swait.ge [sflag:s23], $0xA00  }
0xad: {  	[sflag:s23] =	ssyncset.done $0x0  }
0xae: {  	[sflag:s23] =	ssyncadd.s32 $0xFFFFF600  }
.Ltmp2:
0xaf: {  	_ =	swait.ge [sflag:s28], $0xA00;
	(pc) =	sbr.rel @p0 .LBB2_6-.Ltmp2, $4  }
0xb0: {  	[sflag:s28] =	ssyncset.done $0x0  }
0xb1: {  	s6 =	sadd.s32 $0xB050, s1;
	[sflag:s28] =	ssyncadd.s32 $0xFFFFF600  }
0xb2: {  	[spmem:s2] =	stream.indirect.scatter.add.f32 [tilespmem:s30], [sflag:$0x8], $0x20, s6, s18, $0xb8;
	[tilespmem:$0x12440] =	vst v63  }
0xb3: {  	s1 =	sadd.s32 $0x62D0, s1  }
0xb4: {  	[tilespmem:s21], [sflag:$0x2] =	stream.indirect.gather [hbm4b:s4+s18], $0x20, s1, s18, $0xb8;
	[tilespmem:$0x12440] =	vst v63  }
0xb5: {  	_ =	swait.ge [sflag:s22], $0xA00  }
0xb6: {  	[sflag:s22] =	ssyncset.done $0x0  }
0xb7: {  	[sflag:s22] =	ssyncadd.s32 $0xFFFFF600  }
0xb8: {  	_ =	swait.ge [sflag:s20], $0xA00  }
0xb9: {  	[sflag:s20] =	ssyncset.done $0x0  }
0xba: {  	s29 =	simm.s32 $0xFBA0;
	[sflag:s20] =	ssyncadd.s32 $0xFFFFF600  }
0xbb: {  	[spmem:s2] =	stream.indirect.scatter.add.f32 [tilespmem:s19], [sflag:$0x5], $0x20, s29, s18, $0xb8;
	[tilespmem:$0x12440] =	vst v63  }
0xbc: {  	_ =	swait.ge [sflag:s25], $0xA00  }
0xbd: {  	[sflag:s25] =	ssyncset.done $0x0  }
0xbe: {  	[sflag:s25] =	ssyncadd.s32 $0xFFFFF600  }
0xbf: {  	_ =	swait.ge [sflag:s26], $0xA00  }
0xc0: {  	[sflag:s26] =	ssyncset.done $0x0  }
0xc1: {  	s6 =	simm.s32 $0xFBF0;
	[sflag:s26] =	ssyncadd.s32 $0xFFFFF600  }
0xc2: {  	[spmem:s2] =	stream.indirect.scatter.add.f32 [tilespmem:s21], [sflag:$0x6], $0x20, s6, s18, $0xb8;
	[tilespmem:$0x12440] =	vst v63  }
0xc3: {  	s29 =	stileid.u32;
	_ =	swait.ge [sflag:s0], $0xA00  }
0xc4: {  	s3 =	sadd.s32 $0x1, s3;
	s1 =	sshll.u32 s29, $0x6;
	[sflag:s0] =	ssyncset.done $0x0  }
0xc5: {  	p0 =	sne.s32 s3, s13;
	s1 =	sor.u32 $0x1C09, s1;
	[sflag:s0] =	ssyncadd.s32 $0xFFFFF600  }
.Ltmp3:
0xc6: {  	s6 =	sshrl.u32 s5, $0x3;
	[bflag:$0x0] =	sbarrier.arrive $0xFFFF;
	(pc) =	sbr.rel @p0 .LBB2_1-.Ltmp3, $4  }
0xc7: {  	[hbm:s12], [sflag:s1] =	dma.local [spmem:s6], $0xA00  }
0xc8: {  	_ =	swait.ge [sflag:s15], $0xA00  }
0xc9: {  	[sflag:s15] =	ssyncset.done $0x0  }
0xca: {  	[sflag:s15] =	ssyncadd.s32 $0xFFFFF600  }
0xcb: {  	_ =	sfence.sel $0x180000  }
0xcc: {  	[bflag:$0x0] =	sbarrier.arrive $0xFFFF  }
0xcd: {  	_ =	strace $0x9000004D  }
0xce: {  	s0 =	stileid.u32;
	[bflag:$0x2] =	sbarrier.arrive $0xFFFF  }
0xcf: {  	p0 =	sne.s32 s0, $0x0;
	s0 =	rddreg [dreg:$0x2]  }
0xd0: {  	s0 =	sadd.s32 @!p0 $0x100000, s0  }
0xd1: {  	[sflag:s0] =	ssyncadd.tile.s32 @!p0 $0x1;
	_ =	shalt  }
.Lfunc_end2:
_tile_overlayer_lowered:
.L_overlay_start_2:
0xd2: {  	(tag) =	ssettag $0x2  }
0xd3: {  	s0 =	rddreg [dreg:$0x0];
	s2 =	stileid.u32  }
0xd4: {  	s1 =	rddreg [dreg:$0x1];
	p0 =	sne.s32 s2, $0x0  }
0xd5: {  	s3 =	rddreg [dreg:$0x2];
	[bflag:$0x3] =	sbarrier.arrive $0xFFFF;
	s2 =	simm.s32 @!p0 $0x1C09  }
0xd6: {  	[timem:s3], [sflag:s2] =	dma.local @!p0 [hbm:s0], s1  }
0xd7: {  	s0 =	simm.s32 @!p0 $0x9  }
0xd8: {  	_ =	swait.ge @!p0 [sflag:s0], s1  }
0xd9: {  	s1 =	ssub.s32 @!p0 $0x0, s1;
	[sflag:s0] =	ssyncset.done @!p0 $0x0  }
0xda: {  	[sflag:s0] =	ssyncadd.s32 @!p0 s1  }
0xdb: {  	[bflag:$0x3] =	sbarrier.arrive $0xFFFF  }
0xdc: {  	_ =	shalt  }

// kernel: kernel.8.cloned.1.call-start
scs
__scs_entry_jumppad:
0x0: {  	(pc) =	sbr.rel $0x88, $3  }
0x1: {  	(tag) =	ssettag $0x0;
	lr =	simm.s32 $0x1  }
0x2: {  	[smem:$0x3F9B] =	sst lr;
	_ =	strace $0xD0000000  }
0x3: {  	_ = 	snop  }
0x4: {  	_ = 	snop  }
0x5: {  	_ = 	snop  }
0x6: {  	_ = 	snop  }
0x7: {  	_ = 	snop  }
__scs_overlays_trampoline_lowered:
0x8: {  	[smem:$0x3FAA] =	sst s0  }
0x9: {  	[smem:$0x3FAB] =	sst s1  }
0xa: {  	[smem:$0x3FAC] =	sst s2  }
0xb: {  	[smem:$0x3FAD] =	sst s3  }
0xc: {  	[smem:$0x3FAE] =	sst s4  }
0xd: {  	[smem:$0x3FAF] =	sst s5  }
0xe: {  	[smem:$0x3FB0] =	sst s6  }
0xf: {  	[smem:$0x3FB1] =	sst s7  }
0x10: {  	[smem:$0x3FB2] =	sst s8  }
0x11: {  	[smem:$0x3FB3] =	sst s9;
	s0 =	simm.s32 @!p0 $0x0  }
0x12: {  	s1 =	sld [smem:$0x3F99];
	s0 =	simm.s32 @p0 $0x1  }
0x13: {  	[smem:$0x3FB4] =	sst s0;
	s0 =	simm.s32 @!p1 $0x0  }
0x14: {  	s2 =	sld [smem:$0x3F98];
	s0 =	simm.s32 @p1 $0x1  }
0x15: {  	[smem:$0x3FB5] =	sst s0;
	s0 =	simm.s32 @!p2 $0x0  }
0x16: {  	s3 =	sld [smem:$0x3FDB];
	s0 =	simm.s32 @p2 $0x1  }
0x17: {  	s4 =	simm.s32 $0x1BF5;
	[smem:$0x3FB7] =	sst s0  }
0x18: {  	s0 =	sld [smem:$0x3F9A];
	_ =	swait.ge [sflag:s4], $0x0  }
0x19: {  	s7 =	sld [smem:$0x3F9B]  }
0x1a: {  	s8 =	sadd.s32 $0xFFFFE003, lr  }
0x1b: {  	s9 =	sadd.s32 $0xFFFFFEF7, lr;
	s5 =	simm.s32 $0xFFFFFFFF;
	p2 =	slt.u32 s8, $0xFFFFF086  }
0x1c: {  	p1 =	slt.u32 s9, $0xF7A;
	s5 =	simm.s32 @!p2 $0x0  }
0x1d: {  	s5 =	simm.s32 @p1 $0x1;
	p0 =	seq.s32 s7, s2  }
0x1e: {  	s7 =	smul.u32 @!p0 $0xF7A, s2;
	p2 =	seq.s32 @!p0 s5, $0x0  }
0x1f: {  	s9 =	smul.u32 $0xF7A, s1;
	s8 =	simm.s32 @!p0 $0x1BF5;
	p2 =	por !p2, p0  }
0x20: {  	[sflag:s8] =	ssyncset.s32 @!p0 $0xFFFFF086;
	s6 =	sadd.s32 @!p0 s3, s7;
	s7 =	simm.s32 @!p0 $0x108  }
0x21: {  	s3 =	sadd.s32 s3, s9;
	s6 =	sadd.s32 @!p0 $0x88, s6;
	s7 =	simm.s32 @p2 $0x1082  }
0x22: {  	[simem:s7], [sflag:s8] =	dma.local @!p0 [hbm:s6], $0xF7A  }
0x23: {  	s9 =	sor.u32 $0xD0000000, s2;
	s6 =	simm.s32 $0x108;
	_ =	swait.ge @!p0 [sflag:s8], $0x0  }
0x24: {  	s3 =	sadd.s32 $0x88, s3;
	s6 =	simm.s32 @!p1 $0x1082;
	[sflag:s4] =	ssyncset.s32 $0xFFFFF086  }
0x25: {  	[simem:s6], [sflag:s4] =	dma.local [hbm:s3], $0xF7A  }
0x26: {  	[smem:$0x3F9B] =	sst s1;
	(tag) =	ssettag s2;
	_ =	strace s9  }
0x27: {  	s1 =	sld [smem:$0x3FAB]  }
0x28: {  	s2 =	sld [smem:$0x3FAC]  }
0x29: {  	s4 =	sld [smem:$0x3FAE]  }
0x2a: {  	p0 =	seq.s32 s5, $0x0;
	s5 =	sld [smem:$0x3FAF]  }
0x2b: {  	s6 =	sld [smem:$0x3FB0]  }
0x2c: {  	s7 =	sld [smem:$0x3FB1]  }
0x2d: {  	s3 =	simm.s32 $0x108;
	s8 =	sld [smem:$0x3FB2]  }
0x2e: {  	s3 =	simm.s32 @!p0 $0x1082;
	s9 =	sld [smem:$0x3FB3]  }
0x2f: {  	lr =	sadd.s32 s0, s3;
	s0 =	sld [smem:$0x3FAA]  }
0x30: {  	s3 =	sld [smem:$0x3FAD]  }
0x31: {  	[smem:$0x3FB6] =	sst s10  }
0x32: {  	s10 =	sld [smem:$0x3FB4];
	_ =	sdelay $0x3  }
0x33: {  	p0 =	seq.s32 s10, $0x1;
	s10 =	sld [smem:$0x3FB6];
	_ =	sdelay $0x3  }
0x34: {  	[smem:$0x3FB6] =	sst s10  }
0x35: {  	s10 =	sld [smem:$0x3FB5];
	_ =	sdelay $0x3  }
0x36: {  	p1 =	seq.s32 s10, $0x1;
	s10 =	sld [smem:$0x3FB6];
	_ =	sdelay $0x3  }
0x37: {  	[smem:$0x3FB6] =	sst s10  }
0x38: {  	s10 =	sld [smem:$0x3FB7]  }
0x39: {  	_ = 	snop;
	(pc) =	sbr.ind lr, $3  }
0x3a: {  	_ = 	snop  }
0x3b: {  	_ = 	snop  }
0x3c: {  	p2 =	seq.s32 s10, $0x1;
	s10 =	sld [smem:$0x3FB6]  }
0x3d: {  	_ =	shalt  }
0x3e: {  	_ =	shalt  }
0x3f: {  	_ =	shalt  }
0x40: {  	_ =	shalt  }
0x41: {  	_ =	shalt  }
0x42: {  	_ =	shalt  }
0x43: {  	_ =	shalt  }
0x44: {  	_ =	shalt  }
0x45: {  	_ =	shalt  }
0x46: {  	_ =	shalt  }
0x47: {  	_ =	shalt  }
0x48: {  	_ =	shalt  }
0x49: {  	_ =	shalt  }
0x4a: {  	_ =	shalt  }
0x4b: {  	_ =	shalt  }
0x4c: {  	_ =	shalt  }
0x4d: {  	_ =	shalt  }
0x4e: {  	_ =	shalt  }
0x4f: {  	_ =	shalt  }
0x50: {  	_ =	shalt  }
0x51: {  	_ =	shalt  }
0x52: {  	_ =	shalt  }
0x53: {  	_ =	shalt  }
0x54: {  	_ =	shalt  }
0x55: {  	_ =	shalt  }
0x56: {  	_ =	shalt  }
0x57: {  	_ =	shalt  }
0x58: {  	_ =	shalt  }
0x59: {  	_ =	shalt  }
0x5a: {  	_ =	shalt  }
0x5b: {  	_ =	shalt  }
0x5c: {  	_ =	shalt  }
0x5d: {  	_ =	shalt  }
0x5e: {  	_ =	shalt  }
0x5f: {  	_ =	shalt  }
0x60: {  	_ =	shalt  }
0x61: {  	_ =	shalt  }
0x62: {  	_ =	shalt  }
0x63: {  	_ =	shalt  }
0x64: {  	_ =	shalt  }
0x65: {  	_ =	shalt  }
0x66: {  	_ =	shalt  }
0x67: {  	_ =	shalt  }
0x68: {  	_ =	shalt  }
0x69: {  	_ =	shalt  }
0x6a: {  	_ =	shalt  }
0x6b: {  	_ =	shalt  }
0x6c: {  	_ =	shalt  }
0x6d: {  	_ =	shalt  }
0x6e: {  	_ =	shalt  }
0x6f: {  	_ =	shalt  }
0x70: {  	_ =	shalt  }
0x71: {  	_ =	shalt  }
0x72: {  	_ =	shalt  }
0x73: {  	_ =	shalt  }
0x74: {  	_ =	shalt  }
0x75: {  	_ =	shalt  }
0x76: {  	_ =	shalt  }
0x77: {  	_ =	shalt  }
0x78: {  	_ =	shalt  }
0x79: {  	_ =	shalt  }
0x7a: {  	_ =	shalt  }
0x7b: {  	_ =	shalt  }
0x7c: {  	_ =	shalt  }
0x7d: {  	_ =	shalt  }
0x7e: {  	_ =	shalt  }
0x7f: {  	_ =	shalt  }
0x80: {  	_ =	shalt  }
0x81: {  	_ =	shalt  }
0x82: {  	_ =	shalt  }
0x83: {  	_ =	shalt  }
0x84: {  	_ =	shalt  }
0x85: {  	_ =	shalt  }
0x86: {  	_ =	shalt  }
0x87: {  	_ =	shalt  }
.Lfunc_end0:
.L_simem_size_0:
called_computation_lowered:
.L_overlay_start_0:
0x88: {  	s2 =	sld [smem:$0x3FD9]  }
0x89: {  	s3 =	sld [smem:$0x3FFE];
	_ =	sdelay $0x1  }
0x8a: {  	s1 =	srdreg.scid  }
0x8b: {  	s0 =	sand.u32 $0x1, s1  }
0x8c: {  	s17 =	sshll.u32 s0, $0xA;
	s2 =	sadd.s32 s3, s2  }
0x8d: {  	s2 =	sadd.s32 s2, s17  }
0x8e: {  	[smem:$0x3FC2] =	sst s2  }
0x8f: {  	_ = 	snop  }
0x90: {  	s2 =	sld [smem:$0x3FD0];
	(tm) =	ssettm $0x1  }
0x91: {  	s18 =	sld [smem:$0x3FFB];
	_ =	sdelay $0x3  }
0x92: {  	_ =	strace s18  }
0x93: {  	s3 =	sld [smem:$0x3FFC];
	_ =	sdelay $0x3  }
0x94: {  	_ =	strace s3  }
0x95: {  	s3 =	sld [smem:$0x3FFD];
	_ =	sdelay $0x3  }
0x96: {  	_ =	strace s3  }
0x97: {  	_ =	strace $0x8FFFFFFF  }
0x98: {  	s19 =	sld [smem:$0x3FDB];
	_ =	sdelay $0x1  }
0x99: {  	s4 =	simm.s32 $_scs_section_size  }
0x9a: {  	s5 =	simm.s32 $_size__tile_overlayer_lowered;
	s6 =	simm.s32 $_tile_overlayer_lowered  }
0x9b: {  	s22 =	simm.s32 $0x1BFF;
	s21 =	sshll.u32 s6, $0x1;
	s3 =	sadd.s32 s4, s19  }
0x9c: {  	s7 =	simm.s32 $0x0;
	s20 =	sshll.u32 s5, $0x1;
	s5 =	sadd.s32 s21, s3  }
0x9d: {  	[timem:s7], [sflag:s22] =	dma.local [hbm:s5], s20  }
0x9e: {  	_ =	swait.ge [sflag:s22], s20  }
0x9f: {  	s4 =	ssub.s32 $0x0, s20;
	[sflag:s22] =	ssyncset.done $0x0  }
0xa0: {  	[sflag:s22] =	ssyncadd.s32 s4;
	_ =	sdelay $0x1  }
0xa1: {  	s23 =	simm.s32 $0x1B8B  }
0xa2: {  	_ =	swait.ge [sflag:s23], $0x1  }
0xa3: {  	[sflag:s23] =	ssyncset.done $0x0  }
0xa4: {  	s25 =	simm.s32 $0x1B8E;
	s24 =	sld [smem:$0x3FFE];
	[sflag:s23] =	ssyncadd.s32 $0xFFFFFFFF  }
0xa5: {  	s26 =	simm.s32 $execute0_lowered;
	[smem:$0x3FD2] =	sst s25  }
0xa6: {  	s5 =	sshll.u32 s26, $0x1;
	_ =	strace $0x80000046;
	[dreg:$0x1] =	wrdreg $0xFFFFFFFF  }
0xa7: {  	s28 =	simm.s32 $_size_execute0_lowered;
	s3 =	sadd.s32 s3, s5;
	[dreg:$0x0] =	wrdreg $0x0  }
0xa8: {  	s5 =	sshll.u32 s28, $0x1;
	[dreg:$0x2] =	wrdreg s3  }
0xa9: {  	[dreg:$0x3] =	wrdreg s5  }
0xaa: {  	[dreg:$0x4] =	wrdreg $0xC0  }
0xab: {  	_ =	task [dreg:s7], $0x5FFFF  }
0xac: {  	[dreg:$0x1] =	wrdreg $0xFFFFFFFF  }
0xad: {  	[dreg:$0x0] =	wrdreg $0x60  }
0xae: {  	[dreg:$0x2] =	wrdreg s24  }
0xaf: {  	[dreg:$0x3] =	wrdreg s2  }
0xb0: {  	[dreg:$0x4] =	wrdreg $0x0  }
0xb1: {  	[dreg:$0x5] =	wrdreg $0x9  }
0xb2: {  	_ =	task.clear_ibuf [dreg:s7], $0x6FFFF;
	_ =	strace $0x90000046  }
0xb3: {  	s29 =	simm.s32 $0x9;
	_ =	strace $0x80000048  }
0xb4: {  	_ =	swait.ge [sflag:s29], $0x1  }
0xb5: {  	[sflag:s29] =	ssyncadd.s32 $0xFFFFFFFF  }
0xb6: {  	_ =	strace $0x90000048  }
0xb7: {  	_ =	sfence  }
0xb8: {  	s30 =	sld [smem:$0x0];
	_ =	sdelay $0x2  }
0xb9: {  	s31 =	sshll.u32 s1, $0xD;
	s1 =	sshrl.u32 s1, $0x2  }
0xba: {  	s3 =	sand.u32 $0x4000, s31;
	s1 =	sadd.s32 s1, s30  }
0xbb: {  	s0 =	sor.u32 s3, s0;
	s1 =	sshll.u32 s1, $0x11  }
0xbc: {  	s0 =	sor.u32 s1, s0  }
0xbd: {  	s0 =	sadd.s32 $0x8F2B, s0  }
0xbe: {  	[sflag:s0] =	ssyncadd.remote.s32 $0x1  }
0xbf: {  	_ =	sfence.sel $0xFFFF  }
0xc0: {  	[dreg:$0x0] =	wrdreg $0xFFFFFFFF;
	(pc) =	sbr.abs _section_cstart, $3  }
0xc1: {  	[dreg:$0x1] =	wrdreg $0xFFFFFFFF  }
0xc2: {  	_ =	task.clear_ibuf [dreg:s7], $0x2FFFF;
	_ =	strace $0x9FFFFFFF  }
0xc3: {  	(tm) =	ssettm $0x7FFFFFFF  }
tec
execute0_lowered:
.L_overlay_start_1:
0x0: {  	(tag) =	ssettag $0x1  }
0x1: {  	s4 =	rddreg [dreg:$0x0];
	s1 =	srdreg.scid  }
0x2: {  	s0 =	stileid.u32;
	s10 =	rddreg [dreg:$0x1]  }
0x3: {  	s2 =	rddreg [dreg:$0x2];
	s3 =	simm.s32 $0x0;
	s13 =	simm.s32 $0x1  }
0x4: {  	s14 =	simm.s32 $0x2800;
	s15 =	simm.s32 $0x50;
	s16 =	simm.s32 $0x3000  }
0x5: {  	s5 =	sand.u32 $0x1, s1;
	s1 =	rddreg [dreg:$0x3];
	s7 =	smul.u32 $0x2800, s0  }
0x6: {  	s28 =	sshll.u32 s0, $0x1;
	[smem:$0x7FF] =	sst s3;
	s9 =	smul.u32 $0xA000, s0  }
0x7: {  	s17 =	sshll.u32 s0, $0x6;
	s6 =	sor.u32 s5, s28;
	_ =	strace $0x80000047  }
0x8: {  	s8 =	ssub.s32 $0x2, s5;
	s11 =	smul.u32 $0x28000, s5;
	s17 =	sor.u32 $0x1C01, s17  }
0x9: {  	s6 =	smul.u32 $0x4E2, s6;
	s29 =	sshrl.u32 s8, $0x1;
	s30 =	sshrl.u32 s9, $0x2  }
0xa: {  	s5 =	sadd.s32 s7, s2;
	s12 =	ssub.s32 s8, s29;
	s9 =	sadd.s32 s30, s2  }
0xb: {  	s31 =	sadd.s32 s7, s11;
	s18 =	sshrl.u32 s5, $0x3;
	s4 =	sadd.s32 s6, s4  }
0xc: {  	s6 =	sadd.s32 $0x800, s9;
	s7 =	sadd.s32 $0x1000, s9;
	s11 =	sshrl.u32 s31, $0x3  }
0xd: {  	s8 =	sadd.s32 $0x1800, s9;
	s9 =	sadd.s32 $0x2000, s9;
	s4 =	sadd.s32 $0xB400, s4  }
0xe: {  	v0 =	vimm.f32 $0.0e+00;
	v1 =	vimm.f32 $1.000000000e+00;
	s10 =	sadd.s32 s10, s11;
	s11 =	smax.u32 s12, $0x1;
	s12 =	simm.s32 $0x3500  }
.LBB2_1:
0xf: {  	s19 =	simm.s32 $0x0  }
.LBB2_2:
0x10: {  	p0 =	sne.s32 s19, $0x1FC0  }
.Ltmp0:
0x11: {  	_ = 	snop;
	(pc) =	sbr.rel @p0 .LBB2_2-.Ltmp0, $3  }
0x12: {  	_ =	sdelay $0x1  }
0x13: {  	s20 =	sshra.s32 s19, $0x2  }
0x14: {  	s19 =	sadd.s32 $0x40, s19;
	[tilespmem:s20+$0x2800] =	vst v0  }
0x15: {  	s19 =	simm.s32 $0x40;
	s20 =	simm.s32 $0x0  }
.LBB2_4:
0x16: {  	p0 =	sne.s32 s19, $0x13C0;
	[tilespmem:s20+$0x3000] =	vst v1;
	s20 =	smov.u32 s19;
	s19 =	sadd.s32 $0x40, s19  }
.Ltmp1:
0x17: {  	(pc) =	sbr.rel @p0 .LBB2_4-.Ltmp1, $2  }
0x18: {  	_ =	sdelay $0x2  }
0x19: {  	s20 =	sshra.s32 s20, $0x2  }
0x1a: {  	[tilespmem:s20+$0x3000] =	vst v1;
	s19 =	simm.s32 $0x0  }
0x1b: {  	[tilespmem:s12], [sflag:$0x1] =	stream.linear.gather [hbm4b:s4+s19], $0x2710, $0x38;
	[tilespmem:$0x5C10] =	vst v63  }
0x1c: {  	_ =	swait.ge [sflag:s13], $0x2710  }
0x1d: {  	[sflag:s13] =	ssyncset.done $0x0  }
0x1e: {  	[sflag:s13] =	ssyncadd.s32 $0xFFFFD8F0  }
0x1f: {  	[spmem:s5] =	stream.linear.scatter [tilespmem:s14], [sflag:$0x1], $0x800, $0x38;
	[tilespmem:$0x5C10] =	vst v63  }
0x20: {  	_ =	swait.ge [sflag:s13], $0x800  }
0x21: {  	[sflag:s13] =	ssyncset.done $0x0  }
0x22: {  	[sflag:s13] =	ssyncadd.s32 $0xFFFFF800  }
0x23: {  	[spmem:s6] =	stream.linear.scatter [tilespmem:s14], [sflag:$0x1], $0x800, $0x38;
	[tilespmem:$0x5C10] =	vst v63  }
0x24: {  	_ =	swait.ge [sflag:s13], $0x800  }
0x25: {  	[sflag:s13] =	ssyncset.done $0x0  }
0x26: {  	[sflag:s13] =	ssyncadd.s32 $0xFFFFF800  }
0x27: {  	[spmem:s7] =	stream.linear.scatter [tilespmem:s14], [sflag:$0x1], $0x800, $0x38;
	[tilespmem:$0x5C10] =	vst v63  }
0x28: {  	_ =	swait.ge [sflag:s13], $0x800  }
0x29: {  	[sflag:s13] =	ssyncset.done $0x0  }
0x2a: {  	[sflag:s13] =	ssyncadd.s32 $0xFFFFF800  }
0x2b: {  	[spmem:s8] =	stream.linear.scatter [tilespmem:s14], [sflag:$0x1], $0x800, $0x38;
	[tilespmem:$0x5C10] =	vst v63  }
0x2c: {  	_ =	swait.ge [sflag:s13], $0x800  }
0x2d: {  	[sflag:s13] =	ssyncset.done $0x0  }
0x2e: {  	[sflag:s13] =	ssyncadd.s32 $0xFFFFF800  }
0x2f: {  	[spmem:s9] =	stream.linear.scatter [tilespmem:s14], [sflag:$0x1], $0x800, $0x38;
	[tilespmem:$0x5C10] =	vst v63  }
0x30: {  	_ =	swait.ge [sflag:s13], $0x800  }
0x31: {  	[sflag:s13] =	ssyncset.done $0x0  }
0x32: {  	[sflag:s13] =	ssyncadd.s32 $0xFFFFF800  }
0x33: {  	s31 =	simm.s32 $0x3500;
	[bflag:$0x0] =	sbarrier.arrive $0xFFFF  }
0x34: {  	[spmem:s2] =	stream.indirect.scatter.add.f32 [tilespmem:s16], [sflag:$0x1], $0x10, s31, s15, $0xb8;
	[tilespmem:$0x5C10] =	vst v63  }
0x35: {  	s19 =	simm.s32 $0x140;
	_ =	swait.ge [sflag:s13], $0x500  }
.LBB2_6:
0x36: {  	s20 =	sshra.s32 s19, $0x2;
	[sflag:s13] =	ssyncset.done $0x0;
	p0 =	sne.s32 s19, $0x9B00  }
.Ltmp2:
0x37: {  	s20 =	sadd.s32 $0x3500, s20;
	[sflag:s13] =	ssyncadd.s32 $0xFFFFFB00;
	(pc) =	sbr.rel @p0 .LBB2_6-.Ltmp2, $3  }
0x38: {  	[spmem:s2] =	stream.indirect.scatter.add.f32 [tilespmem:s16], [sflag:$0x1], $0x10, s20, s15, $0xb8;
	[tilespmem:$0x5C10] =	vst v63  }
0x39: {  	s19 =	sadd.s32 $0x140, s19;
	_ =	sdelay $0x1  }
0x3a: {  	_ =	swait.ge [sflag:s13], $0x500  }
0x3b: {  	[sflag:s13] =	ssyncset.done $0x0;
	s3 =	sadd.s32 $0x1, s3  }
0x3c: {  	[sflag:s13] =	ssyncadd.s32 $0xFFFFFB00;
	p0 =	sne.s32 s3, s11  }
.Ltmp3:
0x3d: {  	[bflag:$0x0] =	sbarrier.arrive $0xFFFF;
	(pc) =	sbr.rel @p0 .LBB2_1-.Ltmp3, $4  }
0x3e: {  	[hbm:s10], [sflag:s17] =	dma.local [spmem:s18], $0x500  }
0x3f: {  	_ =	swait.ge [sflag:s13], $0x500  }
0x40: {  	[sflag:s13] =	ssyncset.done $0x0  }
0x41: {  	[sflag:s13] =	ssyncadd.s32 $0xFFFFFB00  }
0x42: {  	_ =	sfence.sel $0x180000  }
0x43: {  	[bflag:$0x0] =	sbarrier.arrive $0xFFFF  }
0x44: {  	p0 =	sne.s32 s0, $0x0;
	_ =	strace $0x90000047  }
0x45: {  	s0 =	sadd.s32 @!p0 $0x100000, s1;
	[bflag:$0x2] =	sbarrier.arrive $0xFFFF  }
0x46: {  	[sflag:s0] =	ssyncadd.tile.s32 @!p0 $0x1;
	_ =	shalt  }
.Lfunc_end2:
_tile_overlayer_lowered:
.L_overlay_start_2:
0x47: {  	(tag) =	ssettag $0x2  }
0x48: {  	s0 =	rddreg [dreg:$0x0];
	s2 =	stileid.u32  }
0x49: {  	s1 =	rddreg [dreg:$0x1];
	p0 =	sne.s32 s2, $0x0  }
0x4a: {  	s3 =	rddreg [dreg:$0x2];
	[bflag:$0x3] =	sbarrier.arrive $0xFFFF;
	s2 =	simm.s32 @!p0 $0x1C01  }
0x4b: {  	[timem:s3], [sflag:s2] =	dma.local @!p0 [hbm:s0], s1  }
0x4c: {  	s0 =	simm.s32 @!p0 $0x1  }
0x4d: {  	_ =	swait.ge @!p0 [sflag:s0], s1  }
0x4e: {  	s1 =	ssub.s32 @!p0 $0x0, s1;
	[sflag:s0] =	ssyncset.done @!p0 $0x0  }
0x4f: {  	[sflag:s0] =	ssyncadd.s32 @!p0 s1  }
0x50: {  	[bflag:$0x3] =	sbarrier.arrive $0xFFFF  }
0x51: {  	_ =	shalt  }

</sc_bundles>
